<compile_context>
chip_gen: v7x
topology: tpu7x:2x2x1
jax: 0.10.2.dev20260603
libtpu: 0.0.44.dev20260713+nightly
codegen_flags: <defaults>
</compile_context>

<pallas_src>
import functools

import jax
import jax.numpy as jnp
from jax.experimental import pallas as pl
from jax.experimental.pallas import tpu as pltpu

N_TRAIN = 100000
D = 16
N_CLASSES = 100
K = 8
Q = 1024

NB = 2048
NSUB = 4
SB = NB // NSUB
NBLK = (N_TRAIN + NB - 1) // NB
N_PAD = NBLK * NB
CW = NSUB * K

_BIGCODE = float(N_PAD * 128 + 256)
_INF = jnp.inf
_PADV = 1e10


def _knn_kernel(x_ref, txt_ref, ty_ref, out_ref, d_ref, cv_ref, cc_ref,
                rv_ref, rc_ref):
    j = pl.program_id(0)

    x = x_ref[...]
    t = txt_ref[...]
    xt2 = jnp.dot(x * -2.0, t, preferred_element_type=jnp.float32)
    x_sq = jnp.sum(x * x, axis=1, keepdims=True)
    t_sq = jnp.sum(t * t, axis=0, keepdims=True)
    d = x_sq + xt2 + t_sq

    lidx = jax.lax.broadcasted_iota(jnp.int32, (1, NB), 1)
    gidx = j * NB + lidx
    lab = ty_ref[...].reshape(1, NB)
    code = (gidx * 128 + lab).astype(jnp.float32)

    @pl.when(j == 0)
    def _init():
        rv_ref[...] = jnp.full((Q, K), _INF, jnp.float32)
        rc_ref[...] = jnp.full((Q, K), _BIGCODE, jnp.float32) + \
            jax.lax.broadcasted_iota(jnp.int32, (Q, K), 1).astype(jnp.float32)

    rv7 = rv_ref[:, K - 1:K]
    iota8 = jax.lax.broadcasted_iota(jnp.int32, (Q, K), 1)

    tmaxs = []
    for s in range(NSUB):
        ds = d[:, s * SB:(s + 1) * SB]
        cs = code[:, s * SB:(s + 1) * SB]
        cnt = jnp.sum((ds < rv7).astype(jnp.int32), axis=1, keepdims=True)
        tmaxs.append(jnp.minimum(jnp.max(cnt), K))
        m1 = jnp.min(ds, axis=1, keepdims=True)
        c1 = jnp.min(jnp.where(ds <= m1, cs, _BIGCODE), axis=1,
                     keepdims=True)
        cv_ref[:, s * K:(s + 1) * K] = jnp.where(iota8 == 0, m1, _INF)
        cc_ref[:, s * K:(s + 1) * K] = jnp.where(iota8 == 0, c1, _BIGCODE)
        d_ref[:, s * SB:(s + 1) * SB] = jnp.where(cs == c1, _INF, ds)

    for i in range(1, K):
        for s in range(NSUB):
            @pl.when(i < tmaxs[s])
            def _extract(i=i, s=s):
                dd = d_ref[:, s * SB:(s + 1) * SB]
                cs = code[:, s * SB:(s + 1) * SB]
                m = jnp.min(dd, axis=1, keepdims=True)
                c = jnp.min(jnp.where(dd <= m, cs, _BIGCODE), axis=1,
                            keepdims=True)
                cv_ref[:, s * K + i:s * K + i + 1] = m
                cc_ref[:, s * K + i:s * K + i + 1] = c
                if i + 1 < K:
                    @pl.when(i + 1 < tmaxs[s])
                    def _mask():
                        d_ref[:, s * SB:(s + 1) * SB] = \
                            jnp.where(cs == c, _INF, dd)

    vw = jnp.concatenate([rv_ref[...], cv_ref[...]], axis=1)
    cw = jnp.concatenate([rc_ref[...], cc_ref[...]], axis=1)
    nv, nc = [], []
    for _ in range(K):
        m = jnp.min(vw, axis=1, keepdims=True)
        c = jnp.min(jnp.where(vw <= m, cw, _BIGCODE), axis=1,
                    keepdims=True)
        nv.append(m)
        nc.append(c)
        vw = jnp.where(cw == c, _INF, vw)
    rv_ref[...] = jnp.concatenate(nv, axis=1)
    rc_ref[...] = jnp.concatenate(nc, axis=1)

    @pl.when(j == NBLK - 1)
    def _finalize():
        out_ref[...] = rc_ref[...]


def _sc_vote_kernel(codes_hbm, out_hbm, cbuf, obuf):
    from jax import lax as _lax
    nc = 2
    wid = _lax.axis_index("s") * nc + _lax.axis_index("c")
    qbase = wid * (Q // 32)
    pltpu.sync_copy(codes_hbm.at[wid], cbuf)
    for chunk in range(2):
        labs = []
        for k in range(K):
            ck = cbuf[k, pl.ds(chunk * 16, 16)]
            labs.append(jnp.bitwise_and(ck.astype(jnp.int32), 127))

        zero16 = jnp.zeros((16,), jnp.int32)
        one16 = jnp.full((16,), 1, jnp.int32)

        cnts = []
        for i in range(K):
            vc = zero16
            for kk in range(K):
                vc = vc + jnp.where(labs[kk] == labs[i], one16, zero16)
            cnts.append(vc)
        bestv = cnts[0]
        bestc = labs[0]
        for i in range(1, K):
            better = jnp.logical_or(
                cnts[i] > bestv,
                jnp.logical_and(cnts[i] == bestv, labs[i] < bestc))
            bestv = jnp.where(better, cnts[i], bestv)
            bestc = jnp.where(better, labs[i], bestc)
        obuf[pl.ds(chunk * 16, 16)] = bestc
    pltpu.sync_copy(obuf, out_hbm.at[pl.ds(qbase, 32)])


def _sc_vote(codes_w):
    from jax.experimental.pallas import tpu_sc as plsc
    mesh = plsc.VectorSubcoreMesh(core_axis_name="c", subcore_axis_name="s")
    return pl.kernel(
        _sc_vote_kernel,
        mesh=mesh,
        out_type=jax.ShapeDtypeStruct((Q,), jnp.int32),
        scratch_types=[
            pltpu.VMEM((K, 32), jnp.float32),
            pltpu.VMEM((32,), jnp.int32),
        ],
    )(codes_w)


@functools.partial(jax.jit, static_argnames=())
def kernel(x, train_x, train_y):
    txt = jnp.pad(train_x.T, ((0, 0), (0, N_PAD - N_TRAIN)),
                  constant_values=_PADV)
    ty = jnp.pad(train_y.astype(jnp.int32), (0, N_PAD - N_TRAIN))
    ty3 = ty.reshape(NBLK, 1, NB)

    codes = pl.pallas_call(
        _knn_kernel,
        grid=(NBLK,),
        in_specs=[
            pl.BlockSpec((Q, D), lambda j: (0, 0)),
            pl.BlockSpec((D, NB), lambda j: (0, j)),
            pl.BlockSpec((1, 1, NB), lambda j: (j, 0, 0)),
        ],
        out_specs=pl.BlockSpec((Q, K), lambda j: (0, 0)),
        out_shape=jax.ShapeDtypeStruct((Q, K), jnp.float32),
        scratch_shapes=[
            pltpu.VMEM((Q, NB), jnp.float32),
            pltpu.VMEM((Q, CW), jnp.float32),
            pltpu.VMEM((Q, CW), jnp.float32),
            pltpu.VMEM((Q, K), jnp.float32),
            pltpu.VMEM((Q, K), jnp.float32),
        ],
        compiler_params=pltpu.CompilerParams(
            dimension_semantics=("arbitrary",),
        ),
    )(x, txt, ty3)
    codes_w = codes.reshape(32, 32, K).transpose(0, 2, 1)
    return _sc_vote(codes_w)

# --- scband reference (transcript-rebuilt; emitter-appended) ---
"""Pipeline reference for scband-knn-66022237274274 (READ-ONLY COPY).

The authoritative reference and input builder live on the scoring server;
editing this copy changes nothing except your own understanding.
"""

import jax, jax.numpy as jnp
import numpy as np

N_TRAIN = 100000
D = 16
N_CLASSES = 100
K_NEIGHBORS = 8
Q = 1024


def setup_inputs(seed: int = 0) -> dict:
    key = jax.random.key(seed)
    k1, k2, k3 = jax.random.split(key, 3)
    x = jax.random.normal(k1, (Q, D), dtype=jnp.float32)
    # 'fitted' training data = learned parameters of the KNeighborsClassifier
    train_x = jax.random.normal(k2, (N_TRAIN, D), dtype=jnp.float32)
    train_y = jax.random.randint(k3, (N_TRAIN,), 0, N_CLASSES, dtype=jnp.int64)
    return {"x": x, "train_x": train_x, "train_y": train_y}


def reference(x, train_x, train_y):
    # brute-force kNN classification (equivalent to sklearn KNeighborsClassifier.predict
    # with euclidean metric and uniform weights)
    x_sq = jnp.sum(x * x, axis=1, keepdims=True)          # [Q, 1]
    t_sq = jnp.sum(train_x * train_x, axis=1)             # [K]
    d2 = x_sq - 2.0 * (x @ train_x.T) + t_sq[None, :]     # [Q, K] squared distances
    _, idx = jax.lax.top_k(-d2, K_NEIGHBORS)              # nearest K_NEIGHBORS indices
    nbr_labels = jnp.take(train_y, idx, axis=0)           # [Q, k] gather labels
    onehot = jax.nn.one_hot(nbr_labels, N_CLASSES, dtype=jnp.float32)
    votes = jnp.sum(onehot, axis=1)                       # [Q, n_classes]
    preds = jnp.argmax(votes, axis=1)                     # majority vote (ties -> lowest class, like sklearn's argmax)
    return preds

if __name__ == "__main__":
    import jax
    _d = setup_inputs()
    print(jax.jit(kernel)(*tuple(_d.values())))

</pallas_src>

<mosaic_0001>
#map = affine_map<(d0, d1) -> (0, 0, 0)>
#map1 = affine_map<(d0, d1) -> (0)>
module attributes {stable_mosaic.version = 14 : i64} {
  func.func @_sc_vote_kernel(%arg0: i32, %arg1: i32, %arg2: memref<32x8x32xf32, #tpu.memory_space<hbm>>, %arg3: memref<1024xi32, #tpu.memory_space<hbm>>, %arg4: memref<8x32xf32, #tpu.memory_space<vmem>>, %arg5: memref<32xi32, #tpu.memory_space<vmem>>) attributes {dimension_semantics = [#tpu.dimension_semantics<core_parallel>, #tpu.dimension_semantics<subcore_parallel>], iteration_bounds = array<i64: 2, 16>, scalar_prefetch = 0 : i64, scratch_operands = 2 : i64, tpu.core_type = #tpu.core_type<sc_vector_subcore>, window_params = [{transform_indices = #map}, {transform_indices = #map1}]} {
    %mul3A = arith.constant 2 : i32
    %mul3A_0 = arith.muli %arg1, %mul3A : i32
    %add3A = arith.addi %mul3A_0, %arg0 : i32
    %mul3A_1 = arith.constant 32 : i32
    %mul3A_2 = arith.muli %add3A, %mul3A_1 : i32
    "tpu.region"() ({
      %run_scoped3A = tpu.sem_alloc : memref<!tpu.dma_semaphore, #tpu.memory_space<semaphore_mem>>
      %dma_start3A = arith.constant 0 : i32
      %dma_start3A_635 = arith.constant 0 : i32
      %dma_start3A_636 = tpu.memref_slice %arg2[%add3A, %dma_start3A, %dma_start3A_635] : memref<32x8x32xf32, #tpu.memory_space<hbm>> -> memref<1x8x32xf32, #tpu.memory_space<hbm>>
      %dma_start3A_637 = tpu.memref_squeeze %dma_start3A_636 : memref<1x8x32xf32, #tpu.memory_space<hbm>> -> memref<8x32xf32, #tpu.memory_space<hbm>>
      %dma_start3A_638 = arith.constant 0 : i32
      %dma_start3A_639 = arith.constant 0 : i32
      %dma_start3A_640 = tpu.memref_slice %arg2[%add3A, %dma_start3A_638, %dma_start3A_639] : memref<32x8x32xf32, #tpu.memory_space<hbm>> -> memref<1x8x32xf32, #tpu.memory_space<hbm>>
      %dma_start3A_641 = tpu.memref_squeeze %dma_start3A_640 : memref<1x8x32xf32, #tpu.memory_space<hbm>> -> memref<8x32xf32, #tpu.memory_space<hbm>>
      tpu.enqueue_dma source(%dma_start3A_641 : memref<8x32xf32, #tpu.memory_space<hbm>>) target(%arg4 : memref<8x32xf32, #tpu.memory_space<vmem>>) target_semaphore(%run_scoped3A : memref<!tpu.dma_semaphore, #tpu.memory_space<semaphore_mem>>)
      %dma_wait3A = arith.constant 0 : i32
      %dma_wait3A_642 = arith.constant 0 : i32
      %dma_wait3A_643 = tpu.memref_slice %arg2[%add3A, %dma_wait3A, %dma_wait3A_642] : memref<32x8x32xf32, #tpu.memory_space<hbm>> -> memref<1x8x32xf32, #tpu.memory_space<hbm>>
      %dma_wait3A_644 = tpu.memref_squeeze %dma_wait3A_643 : memref<1x8x32xf32, #tpu.memory_space<hbm>> -> memref<8x32xf32, #tpu.memory_space<hbm>>
      %dma_wait3A_645 = arith.constant 0 : i32
      %dma_wait3A_646 = arith.constant 0 : i32
      %dma_wait3A_647 = tpu.memref_slice %arg2[%add3A, %dma_wait3A_645, %dma_wait3A_646] : memref<32x8x32xf32, #tpu.memory_space<hbm>> -> memref<1x8x32xf32, #tpu.memory_space<hbm>>
      %dma_wait3A_648 = tpu.memref_squeeze %dma_wait3A_647 : memref<1x8x32xf32, #tpu.memory_space<hbm>> -> memref<8x32xf32, #tpu.memory_space<hbm>>
      tpu.wait_dma2 semaphore(%run_scoped3A : memref<!tpu.dma_semaphore, #tpu.memory_space<semaphore_mem>>) src(%dma_wait3A_648 : memref<8x32xf32, #tpu.memory_space<hbm>>) dst(%arg4 : memref<8x32xf32, #tpu.memory_space<vmem>>)
      tpu.yield
    }) : () -> ()
    %get3A = arith.constant 0 : i32
    %get3A_3 = arith.index_cast %get3A : i32 to index
    %get3A_4 = arith.constant 0 : index
    %get3A_5 = tpu.vector_load %arg4[%get3A_3, %get3A_4] {strides = array<i32>} : memref<8x32xf32, #tpu.memory_space<vmem>>, vector<1x16xf32>,
    %get3A_6 = vector.shape_cast %get3A_5 : vector<1x16xf32> to vector<16xf32>
    %convert_element_type3A = arith.fptosi %get3A_6 : vector<16xf32> to vector<16xi32>
    %and3A = arith.constant 127 : i32
    %and3A_7 = vector.broadcast %and3A : i32 to vector<16xi32>
    %and3A_8 = arith.andi %convert_element_type3A, %and3A_7 : vector<16xi32>
    %get3A_9 = arith.constant 1 : i32
    %get3A_10 = arith.index_cast %get3A_9 : i32 to index
    %get3A_11 = arith.constant 0 : index
    %get3A_12 = tpu.vector_load %arg4[%get3A_10, %get3A_11] {strides = array<i32>} : memref<8x32xf32, #tpu.memory_space<vmem>>, vector<1x16xf32>,
    %get3A_13 = vector.shape_cast %get3A_12 : vector<1x16xf32> to vector<16xf32>
    %convert_element_type3A_14 = arith.fptosi %get3A_13 : vector<16xf32> to vector<16xi32>
    %and3A_15 = arith.constant 127 : i32
    %and3A_16 = vector.broadcast %and3A_15 : i32 to vector<16xi32>
    %and3A_17 = arith.andi %convert_element_type3A_14, %and3A_16 : vector<16xi32>
    %get3A_18 = arith.constant 2 : i32
    %get3A_19 = arith.index_cast %get3A_18 : i32 to index
    %get3A_20 = arith.constant 0 : index
    %get3A_21 = tpu.vector_load %arg4[%get3A_19, %get3A_20] {strides = array<i32>} : memref<8x32xf32, #tpu.memory_space<vmem>>, vector<1x16xf32>,
    %get3A_22 = vector.shape_cast %get3A_21 : vector<1x16xf32> to vector<16xf32>
    %convert_element_type3A_23 = arith.fptosi %get3A_22 : vector<16xf32> to vector<16xi32>
    %and3A_24 = arith.constant 127 : i32
    %and3A_25 = vector.broadcast %and3A_24 : i32 to vector<16xi32>
    %and3A_26 = arith.andi %convert_element_type3A_23, %and3A_25 : vector<16xi32>
    %get3A_27 = arith.constant 3 : i32
    %get3A_28 = arith.index_cast %get3A_27 : i32 to index
    %get3A_29 = arith.constant 0 : index
    %get3A_30 = tpu.vector_load %arg4[%get3A_28, %get3A_29] {strides = array<i32>} : memref<8x32xf32, #tpu.memory_space<vmem>>, vector<1x16xf32>,
    %get3A_31 = vector.shape_cast %get3A_30 : vector<1x16xf32> to vector<16xf32>
    %convert_element_type3A_32 = arith.fptosi %get3A_31 : vector<16xf32> to vector<16xi32>
    %and3A_33 = arith.constant 127 : i32
    %and3A_34 = vector.broadcast %and3A_33 : i32 to vector<16xi32>
    %and3A_35 = arith.andi %convert_element_type3A_32, %and3A_34 : vector<16xi32>
    %get3A_36 = arith.constant 4 : i32
    %get3A_37 = arith.index_cast %get3A_36 : i32 to index
    %get3A_38 = arith.constant 0 : index
    %get3A_39 = tpu.vector_load %arg4[%get3A_37, %get3A_38] {strides = array<i32>} : memref<8x32xf32, #tpu.memory_space<vmem>>, vector<1x16xf32>,
    %get3A_40 = vector.shape_cast %get3A_39 : vector<1x16xf32> to vector<16xf32>
    %convert_element_type3A_41 = arith.fptosi %get3A_40 : vector<16xf32> to vector<16xi32>
    %and3A_42 = arith.constant 127 : i32
    %and3A_43 = vector.broadcast %and3A_42 : i32 to vector<16xi32>
    %and3A_44 = arith.andi %convert_element_type3A_41, %and3A_43 : vector<16xi32>
    %get3A_45 = arith.constant 5 : i32
    %get3A_46 = arith.index_cast %get3A_45 : i32 to index
    %get3A_47 = arith.constant 0 : index
    %get3A_48 = tpu.vector_load %arg4[%get3A_46, %get3A_47] {strides = array<i32>} : memref<8x32xf32, #tpu.memory_space<vmem>>, vector<1x16xf32>,
    %get3A_49 = vector.shape_cast %get3A_48 : vector<1x16xf32> to vector<16xf32>
    %convert_element_type3A_50 = arith.fptosi %get3A_49 : vector<16xf32> to vector<16xi32>
    %and3A_51 = arith.constant 127 : i32
    %and3A_52 = vector.broadcast %and3A_51 : i32 to vector<16xi32>
    %and3A_53 = arith.andi %convert_element_type3A_50, %and3A_52 : vector<16xi32>
    %get3A_54 = arith.constant 6 : i32
    %get3A_55 = arith.index_cast %get3A_54 : i32 to index
    %get3A_56 = arith.constant 0 : index
    %get3A_57 = tpu.vector_load %arg4[%get3A_55, %get3A_56] {strides = array<i32>} : memref<8x32xf32, #tpu.memory_space<vmem>>, vector<1x16xf32>,
    %get3A_58 = vector.shape_cast %get3A_57 : vector<1x16xf32> to vector<16xf32>
    %convert_element_type3A_59 = arith.fptosi %get3A_58 : vector<16xf32> to vector<16xi32>
    %and3A_60 = arith.constant 127 : i32
    %and3A_61 = vector.broadcast %and3A_60 : i32 to vector<16xi32>
    %and3A_62 = arith.andi %convert_element_type3A_59, %and3A_61 : vector<16xi32>
    %get3A_63 = arith.constant 7 : i32
    %get3A_64 = arith.index_cast %get3A_63 : i32 to index
    %get3A_65 = arith.constant 0 : index
    %get3A_66 = tpu.vector_load %arg4[%get3A_64, %get3A_65] {strides = array<i32>} : memref<8x32xf32, #tpu.memory_space<vmem>>, vector<1x16xf32>,
    %get3A_67 = vector.shape_cast %get3A_66 : vector<1x16xf32> to vector<16xf32>
    %convert_element_type3A_68 = arith.fptosi %get3A_67 : vector<16xf32> to vector<16xi32>
    %and3A_69 = arith.constant 127 : i32
    %and3A_70 = vector.broadcast %and3A_69 : i32 to vector<16xi32>
    %and3A_71 = arith.andi %convert_element_type3A_68, %and3A_70 : vector<16xi32>
    %broadcast_in_dim3A = arith.constant 0 : i32
    %broadcast_in_dim3A_72 = vector.broadcast %broadcast_in_dim3A : i32 to vector<16xi32>
    %broadcast_in_dim3A_73 = arith.constant 1 : i32
    %broadcast_in_dim3A_74 = vector.broadcast %broadcast_in_dim3A_73 : i32 to vector<16xi32>
    %eq3A = arith.cmpi eq, %and3A_8, %and3A_8 : vector<16xi32>
    %select_n3A = arith.select %eq3A, %broadcast_in_dim3A_74, %broadcast_in_dim3A_72 : vector<16xi1>, vector<16xi32>
    %add3A_75 = arith.addi %broadcast_in_dim3A_72, %select_n3A : vector<16xi32>
    %eq3A_76 = arith.cmpi eq, %and3A_17, %and3A_8 : vector<16xi32>
    %select_n3A_77 = arith.select %eq3A_76, %broadcast_in_dim3A_74, %broadcast_in_dim3A_72 : vector<16xi1>, vector<16xi32>
    %add3A_78 = arith.addi %add3A_75, %select_n3A_77 : vector<16xi32>
    %eq3A_79 = arith.cmpi eq, %and3A_26, %and3A_8 : vector<16xi32>
    %select_n3A_80 = arith.select %eq3A_79, %broadcast_in_dim3A_74, %broadcast_in_dim3A_72 : vector<16xi1>, vector<16xi32>
    %add3A_81 = arith.addi %add3A_78, %select_n3A_80 : vector<16xi32>
    %eq3A_82 = arith.cmpi eq, %and3A_35, %and3A_8 : vector<16xi32>
    %select_n3A_83 = arith.select %eq3A_82, %broadcast_in_dim3A_74, %broadcast_in_dim3A_72 : vector<16xi1>, vector<16xi32>
    %add3A_84 = arith.addi %add3A_81, %select_n3A_83 : vector<16xi32>
    %eq3A_85 = arith.cmpi eq, %and3A_44, %and3A_8 : vector<16xi32>
    %select_n3A_86 = arith.select %eq3A_85, %broadcast_in_dim3A_74, %broadcast_in_dim3A_72 : vector<16xi1>, vector<16xi32>
    %add3A_87 = arith.addi %add3A_84, %select_n3A_86 : vector<16xi32>
    %eq3A_88 = arith.cmpi eq, %and3A_53, %and3A_8 : vector<16xi32>
    %select_n3A_89 = arith.select %eq3A_88, %broadcast_in_dim3A_74, %broadcast_in_dim3A_72 : vector<16xi1>, vector<16xi32>
    %add3A_90 = arith.addi %add3A_87, %select_n3A_89 : vector<16xi32>
    %eq3A_91 = arith.cmpi eq, %and3A_62, %and3A_8 : vector<16xi32>
    %select_n3A_92 = arith.select %eq3A_91, %broadcast_in_dim3A_74, %broadcast_in_dim3A_72 : vector<16xi1>, vector<16xi32>
    %add3A_93 = arith.addi %add3A_90, %select_n3A_92 : vector<16xi32>
    %eq3A_94 = arith.cmpi eq, %and3A_71, %and3A_8 : vector<16xi32>
    %select_n3A_95 = arith.select %eq3A_94, %broadcast_in_dim3A_74, %broadcast_in_dim3A_72 : vector<16xi1>, vector<16xi32>
    %add3A_96 = arith.addi %add3A_93, %select_n3A_95 : vector<16xi32>
    %eq3A_97 = arith.cmpi eq, %and3A_8, %and3A_17 : vector<16xi32>
    %select_n3A_98 = arith.select %eq3A_97, %broadcast_in_dim3A_74, %broadcast_in_dim3A_72 : vector<16xi1>, vector<16xi32>
    %add3A_99 = arith.addi %broadcast_in_dim3A_72, %select_n3A_98 : vector<16xi32>
    %eq3A_100 = arith.cmpi eq, %and3A_17, %and3A_17 : vector<16xi32>
    %select_n3A_101 = arith.select %eq3A_100, %broadcast_in_dim3A_74, %broadcast_in_dim3A_72 : vector<16xi1>, vector<16xi32>
    %add3A_102 = arith.addi %add3A_99, %select_n3A_101 : vector<16xi32>
    %eq3A_103 = arith.cmpi eq, %and3A_26, %and3A_17 : vector<16xi32>
    %select_n3A_104 = arith.select %eq3A_103, %broadcast_in_dim3A_74, %broadcast_in_dim3A_72 : vector<16xi1>, vector<16xi32>
    %add3A_105 = arith.addi %add3A_102, %select_n3A_104 : vector<16xi32>
    %eq3A_106 = arith.cmpi eq, %and3A_35, %and3A_17 : vector<16xi32>
    %select_n3A_107 = arith.select %eq3A_106, %broadcast_in_dim3A_74, %broadcast_in_dim3A_72 : vector<16xi1>, vector<16xi32>
    %add3A_108 = arith.addi %add3A_105, %select_n3A_107 : vector<16xi32>
    %eq3A_109 = arith.cmpi eq, %and3A_44, %and3A_17 : vector<16xi32>
    %select_n3A_110 = arith.select %eq3A_109, %broadcast_in_dim3A_74, %broadcast_in_dim3A_72 : vector<16xi1>, vector<16xi32>
    %add3A_111 = arith.addi %add3A_108, %select_n3A_110 : vector<16xi32>
    %eq3A_112 = arith.cmpi eq, %and3A_53, %and3A_17 : vector<16xi32>
    %select_n3A_113 = arith.select %eq3A_112, %broadcast_in_dim3A_74, %broadcast_in_dim3A_72 : vector<16xi1>, vector<16xi32>
    %add3A_114 = arith.addi %add3A_111, %select_n3A_113 : vector<16xi32>
    %eq3A_115 = arith.cmpi eq, %and3A_62, %and3A_17 : vector<16xi32>
    %select_n3A_116 = arith.select %eq3A_115, %broadcast_in_dim3A_74, %broadcast_in_dim3A_72 : vector<16xi1>, vector<16xi32>
    %add3A_117 = arith.addi %add3A_114, %select_n3A_116 : vector<16xi32>
    %eq3A_118 = arith.cmpi eq, %and3A_71, %and3A_17 : vector<16xi32>
    %select_n3A_119 = arith.select %eq3A_118, %broadcast_in_dim3A_74, %broadcast_in_dim3A_72 : vector<16xi1>, vector<16xi32>
    %add3A_120 = arith.addi %add3A_117, %select_n3A_119 : vector<16xi32>
    %eq3A_121 = arith.cmpi eq, %and3A_8, %and3A_26 : vector<16xi32>
    %select_n3A_122 = arith.select %eq3A_121, %broadcast_in_dim3A_74, %broadcast_in_dim3A_72 : vector<16xi1>, vector<16xi32>
    %add3A_123 = arith.addi %broadcast_in_dim3A_72, %select_n3A_122 : vector<16xi32>
    %eq3A_124 = arith.cmpi eq, %and3A_17, %and3A_26 : vector<16xi32>
    %select_n3A_125 = arith.select %eq3A_124, %broadcast_in_dim3A_74, %broadcast_in_dim3A_72 : vector<16xi1>, vector<16xi32>
    %add3A_126 = arith.addi %add3A_123, %select_n3A_125 : vector<16xi32>
    %eq3A_127 = arith.cmpi eq, %and3A_26, %and3A_26 : vector<16xi32>
    %select_n3A_128 = arith.select %eq3A_127, %broadcast_in_dim3A_74, %broadcast_in_dim3A_72 : vector<16xi1>, vector<16xi32>
    %add3A_129 = arith.addi %add3A_126, %select_n3A_128 : vector<16xi32>
    %eq3A_130 = arith.cmpi eq, %and3A_35, %and3A_26 : vector<16xi32>
    %select_n3A_131 = arith.select %eq3A_130, %broadcast_in_dim3A_74, %broadcast_in_dim3A_72 : vector<16xi1>, vector<16xi32>
    %add3A_132 = arith.addi %add3A_129, %select_n3A_131 : vector<16xi32>
    %eq3A_133 = arith.cmpi eq, %and3A_44, %and3A_26 : vector<16xi32>
    %select_n3A_134 = arith.select %eq3A_133, %broadcast_in_dim3A_74, %broadcast_in_dim3A_72 : vector<16xi1>, vector<16xi32>
    %add3A_135 = arith.addi %add3A_132, %select_n3A_134 : vector<16xi32>
    %eq3A_136 = arith.cmpi eq, %and3A_53, %and3A_26 : vector<16xi32>
    %select_n3A_137 = arith.select %eq3A_136, %broadcast_in_dim3A_74, %broadcast_in_dim3A_72 : vector<16xi1>, vector<16xi32>
    %add3A_138 = arith.addi %add3A_135, %select_n3A_137 : vector<16xi32>
    %eq3A_139 = arith.cmpi eq, %and3A_62, %and3A_26 : vector<16xi32>
    %select_n3A_140 = arith.select %eq3A_139, %broadcast_in_dim3A_74, %broadcast_in_dim3A_72 : vector<16xi1>, vector<16xi32>
    %add3A_141 = arith.addi %add3A_138, %select_n3A_140 : vector<16xi32>
    %eq3A_142 = arith.cmpi eq, %and3A_71, %and3A_26 : vector<16xi32>
    %select_n3A_143 = arith.select %eq3A_142, %broadcast_in_dim3A_74, %broadcast_in_dim3A_72 : vector<16xi1>, vector<16xi32>
    %add3A_144 = arith.addi %add3A_141, %select_n3A_143 : vector<16xi32>
    %eq3A_145 = arith.cmpi eq, %and3A_8, %and3A_35 : vector<16xi32>
    %select_n3A_146 = arith.select %eq3A_145, %broadcast_in_dim3A_74, %broadcast_in_dim3A_72 : vector<16xi1>, vector<16xi32>
    %add3A_147 = arith.addi %broadcast_in_dim3A_72, %select_n3A_146 : vector<16xi32>
    %eq3A_148 = arith.cmpi eq, %and3A_17, %and3A_35 : vector<16xi32>
    %select_n3A_149 = arith.select %eq3A_148, %broadcast_in_dim3A_74, %broadcast_in_dim3A_72 : vector<16xi1>, vector<16xi32>
    %add3A_150 = arith.addi %add3A_147, %select_n3A_149 : vector<16xi32>
    %eq3A_151 = arith.cmpi eq, %and3A_26, %and3A_35 : vector<16xi32>
    %select_n3A_152 = arith.select %eq3A_151, %broadcast_in_dim3A_74, %broadcast_in_dim3A_72 : vector<16xi1>, vector<16xi32>
    %add3A_153 = arith.addi %add3A_150, %select_n3A_152 : vector<16xi32>
    %eq3A_154 = arith.cmpi eq, %and3A_35, %and3A_35 : vector<16xi32>
    %select_n3A_155 = arith.select %eq3A_154, %broadcast_in_dim3A_74, %broadcast_in_dim3A_72 : vector<16xi1>, vector<16xi32>
    %add3A_156 = arith.addi %add3A_153, %select_n3A_155 : vector<16xi32>
    %eq3A_157 = arith.cmpi eq, %and3A_44, %and3A_35 : vector<16xi32>
    %select_n3A_158 = arith.select %eq3A_157, %broadcast_in_dim3A_74, %broadcast_in_dim3A_72 : vector<16xi1>, vector<16xi32>
    %add3A_159 = arith.addi %add3A_156, %select_n3A_158 : vector<16xi32>
    %eq3A_160 = arith.cmpi eq, %and3A_53, %and3A_35 : vector<16xi32>
    %select_n3A_161 = arith.select %eq3A_160, %broadcast_in_dim3A_74, %broadcast_in_dim3A_72 : vector<16xi1>, vector<16xi32>
    %add3A_162 = arith.addi %add3A_159, %select_n3A_161 : vector<16xi32>
    %eq3A_163 = arith.cmpi eq, %and3A_62, %and3A_35 : vector<16xi32>
    %select_n3A_164 = arith.select %eq3A_163, %broadcast_in_dim3A_74, %broadcast_in_dim3A_72 : vector<16xi1>, vector<16xi32>
    %add3A_165 = arith.addi %add3A_162, %select_n3A_164 : vector<16xi32>
    %eq3A_166 = arith.cmpi eq, %and3A_71, %and3A_35 : vector<16xi32>
    %select_n3A_167 = arith.select %eq3A_166, %broadcast_in_dim3A_74, %broadcast_in_dim3A_72 : vector<16xi1>, vector<16xi32>
    %add3A_168 = arith.addi %add3A_165, %select_n3A_167 : vector<16xi32>
    %eq3A_169 = arith.cmpi eq, %and3A_8, %and3A_44 : vector<16xi32>
    %select_n3A_170 = arith.select %eq3A_169, %broadcast_in_dim3A_74, %broadcast_in_dim3A_72 : vector<16xi1>, vector<16xi32>
    %add3A_171 = arith.addi %broadcast_in_dim3A_72, %select_n3A_170 : vector<16xi32>
    %eq3A_172 = arith.cmpi eq, %and3A_17, %and3A_44 : vector<16xi32>
    %select_n3A_173 = arith.select %eq3A_172, %broadcast_in_dim3A_74, %broadcast_in_dim3A_72 : vector<16xi1>, vector<16xi32>
    %add3A_174 = arith.addi %add3A_171, %select_n3A_173 : vector<16xi32>
    %eq3A_175 = arith.cmpi eq, %and3A_26, %and3A_44 : vector<16xi32>
    %select_n3A_176 = arith.select %eq3A_175, %broadcast_in_dim3A_74, %broadcast_in_dim3A_72 : vector<16xi1>, vector<16xi32>
    %add3A_177 = arith.addi %add3A_174, %select_n3A_176 : vector<16xi32>
    %eq3A_178 = arith.cmpi eq, %and3A_35, %and3A_44 : vector<16xi32>
    %select_n3A_179 = arith.select %eq3A_178, %broadcast_in_dim3A_74, %broadcast_in_dim3A_72 : vector<16xi1>, vector<16xi32>
    %add3A_180 = arith.addi %add3A_177, %select_n3A_179 : vector<16xi32>
    %eq3A_181 = arith.cmpi eq, %and3A_44, %and3A_44 : vector<16xi32>
    %select_n3A_182 = arith.select %eq3A_181, %broadcast_in_dim3A_74, %broadcast_in_dim3A_72 : vector<16xi1>, vector<16xi32>
    %add3A_183 = arith.addi %add3A_180, %select_n3A_182 : vector<16xi32>
    %eq3A_184 = arith.cmpi eq, %and3A_53, %and3A_44 : vector<16xi32>
    %select_n3A_185 = arith.select %eq3A_184, %broadcast_in_dim3A_74, %broadcast_in_dim3A_72 : vector<16xi1>, vector<16xi32>
    %add3A_186 = arith.addi %add3A_183, %select_n3A_185 : vector<16xi32>
    %eq3A_187 = arith.cmpi eq, %and3A_62, %and3A_44 : vector<16xi32>
    %select_n3A_188 = arith.select %eq3A_187, %broadcast_in_dim3A_74, %broadcast_in_dim3A_72 : vector<16xi1>, vector<16xi32>
    %add3A_189 = arith.addi %add3A_186, %select_n3A_188 : vector<16xi32>
    %eq3A_190 = arith.cmpi eq, %and3A_71, %and3A_44 : vector<16xi32>
    %select_n3A_191 = arith.select %eq3A_190, %broadcast_in_dim3A_74, %broadcast_in_dim3A_72 : vector<16xi1>, vector<16xi32>
    %add3A_192 = arith.addi %add3A_189, %select_n3A_191 : vector<16xi32>
    %eq3A_193 = arith.cmpi eq, %and3A_8, %and3A_53 : vector<16xi32>
    %select_n3A_194 = arith.select %eq3A_193, %broadcast_in_dim3A_74, %broadcast_in_dim3A_72 : vector<16xi1>, vector<16xi32>
    %add3A_195 = arith.addi %broadcast_in_dim3A_72, %select_n3A_194 : vector<16xi32>
    %eq3A_196 = arith.cmpi eq, %and3A_17, %and3A_53 : vector<16xi32>
    %select_n3A_197 = arith.select %eq3A_196, %broadcast_in_dim3A_74, %broadcast_in_dim3A_72 : vector<16xi1>, vector<16xi32>
    %add3A_198 = arith.addi %add3A_195, %select_n3A_197 : vector<16xi32>
    %eq3A_199 = arith.cmpi eq, %and3A_26, %and3A_53 : vector<16xi32>
    %select_n3A_200 = arith.select %eq3A_199, %broadcast_in_dim3A_74, %broadcast_in_dim3A_72 : vector<16xi1>, vector<16xi32>
    %add3A_201 = arith.addi %add3A_198, %select_n3A_200 : vector<16xi32>
    %eq3A_202 = arith.cmpi eq, %and3A_35, %and3A_53 : vector<16xi32>
    %select_n3A_203 = arith.select %eq3A_202, %broadcast_in_dim3A_74, %broadcast_in_dim3A_72 : vector<16xi1>, vector<16xi32>
    %add3A_204 = arith.addi %add3A_201, %select_n3A_203 : vector<16xi32>
    %eq3A_205 = arith.cmpi eq, %and3A_44, %and3A_53 : vector<16xi32>
    %select_n3A_206 = arith.select %eq3A_205, %broadcast_in_dim3A_74, %broadcast_in_dim3A_72 : vector<16xi1>, vector<16xi32>
    %add3A_207 = arith.addi %add3A_204, %select_n3A_206 : vector<16xi32>
    %eq3A_208 = arith.cmpi eq, %and3A_53, %and3A_53 : vector<16xi32>
    %select_n3A_209 = arith.select %eq3A_208, %broadcast_in_dim3A_74, %broadcast_in_dim3A_72 : vector<16xi1>, vector<16xi32>
    %add3A_210 = arith.addi %add3A_207, %select_n3A_209 : vector<16xi32>
    %eq3A_211 = arith.cmpi eq, %and3A_62, %and3A_53 : vector<16xi32>
    %select_n3A_212 = arith.select %eq3A_211, %broadcast_in_dim3A_74, %broadcast_in_dim3A_72 : vector<16xi1>, vector<16xi32>
    %add3A_213 = arith.addi %add3A_210, %select_n3A_212 : vector<16xi32>
    %eq3A_214 = arith.cmpi eq, %and3A_71, %and3A_53 : vector<16xi32>
    %select_n3A_215 = arith.select %eq3A_214, %broadcast_in_dim3A_74, %broadcast_in_dim3A_72 : vector<16xi1>, vector<16xi32>
    %add3A_216 = arith.addi %add3A_213, %select_n3A_215 : vector<16xi32>
    %eq3A_217 = arith.cmpi eq, %and3A_8, %and3A_62 : vector<16xi32>
    %select_n3A_218 = arith.select %eq3A_217, %broadcast_in_dim3A_74, %broadcast_in_dim3A_72 : vector<16xi1>, vector<16xi32>
    %add3A_219 = arith.addi %broadcast_in_dim3A_72, %select_n3A_218 : vector<16xi32>
    %eq3A_220 = arith.cmpi eq, %and3A_17, %and3A_62 : vector<16xi32>
    %select_n3A_221 = arith.select %eq3A_220, %broadcast_in_dim3A_74, %broadcast_in_dim3A_72 : vector<16xi1>, vector<16xi32>
    %add3A_222 = arith.addi %add3A_219, %select_n3A_221 : vector<16xi32>
    %eq3A_223 = arith.cmpi eq, %and3A_26, %and3A_62 : vector<16xi32>
    %select_n3A_224 = arith.select %eq3A_223, %broadcast_in_dim3A_74, %broadcast_in_dim3A_72 : vector<16xi1>, vector<16xi32>
    %add3A_225 = arith.addi %add3A_222, %select_n3A_224 : vector<16xi32>
    %eq3A_226 = arith.cmpi eq, %and3A_35, %and3A_62 : vector<16xi32>
    %select_n3A_227 = arith.select %eq3A_226, %broadcast_in_dim3A_74, %broadcast_in_dim3A_72 : vector<16xi1>, vector<16xi32>
    %add3A_228 = arith.addi %add3A_225, %select_n3A_227 : vector<16xi32>
    %eq3A_229 = arith.cmpi eq, %and3A_44, %and3A_62 : vector<16xi32>
    %select_n3A_230 = arith.select %eq3A_229, %broadcast_in_dim3A_74, %broadcast_in_dim3A_72 : vector<16xi1>, vector<16xi32>
    %add3A_231 = arith.addi %add3A_228, %select_n3A_230 : vector<16xi32>
    %eq3A_232 = arith.cmpi eq, %and3A_53, %and3A_62 : vector<16xi32>
    %select_n3A_233 = arith.select %eq3A_232, %broadcast_in_dim3A_74, %broadcast_in_dim3A_72 : vector<16xi1>, vector<16xi32>
    %add3A_234 = arith.addi %add3A_231, %select_n3A_233 : vector<16xi32>
    %eq3A_235 = arith.cmpi eq, %and3A_62, %and3A_62 : vector<16xi32>
    %select_n3A_236 = arith.select %eq3A_235, %broadcast_in_dim3A_74, %broadcast_in_dim3A_72 : vector<16xi1>, vector<16xi32>
    %add3A_237 = arith.addi %add3A_234, %select_n3A_236 : vector<16xi32>
    %eq3A_238 = arith.cmpi eq, %and3A_71, %and3A_62 : vector<16xi32>
    %select_n3A_239 = arith.select %eq3A_238, %broadcast_in_dim3A_74, %broadcast_in_dim3A_72 : vector<16xi1>, vector<16xi32>
    %add3A_240 = arith.addi %add3A_237, %select_n3A_239 : vector<16xi32>
    %eq3A_241 = arith.cmpi eq, %and3A_8, %and3A_71 : vector<16xi32>
    %select_n3A_242 = arith.select %eq3A_241, %broadcast_in_dim3A_74, %broadcast_in_dim3A_72 : vector<16xi1>, vector<16xi32>
    %add3A_243 = arith.addi %broadcast_in_dim3A_72, %select_n3A_242 : vector<16xi32>
    %eq3A_244 = arith.cmpi eq, %and3A_17, %and3A_71 : vector<16xi32>
    %select_n3A_245 = arith.select %eq3A_244, %broadcast_in_dim3A_74, %broadcast_in_dim3A_72 : vector<16xi1>, vector<16xi32>
    %add3A_246 = arith.addi %add3A_243, %select_n3A_245 : vector<16xi32>
    %eq3A_247 = arith.cmpi eq, %and3A_26, %and3A_71 : vector<16xi32>
    %select_n3A_248 = arith.select %eq3A_247, %broadcast_in_dim3A_74, %broadcast_in_dim3A_72 : vector<16xi1>, vector<16xi32>
    %add3A_249 = arith.addi %add3A_246, %select_n3A_248 : vector<16xi32>
    %eq3A_250 = arith.cmpi eq, %and3A_35, %and3A_71 : vector<16xi32>
    %select_n3A_251 = arith.select %eq3A_250, %broadcast_in_dim3A_74, %broadcast_in_dim3A_72 : vector<16xi1>, vector<16xi32>
    %add3A_252 = arith.addi %add3A_249, %select_n3A_251 : vector<16xi32>
    %eq3A_253 = arith.cmpi eq, %and3A_44, %and3A_71 : vector<16xi32>
    %select_n3A_254 = arith.select %eq3A_253, %broadcast_in_dim3A_74, %broadcast_in_dim3A_72 : vector<16xi1>, vector<16xi32>
    %add3A_255 = arith.addi %add3A_252, %select_n3A_254 : vector<16xi32>
    %eq3A_256 = arith.cmpi eq, %and3A_53, %and3A_71 : vector<16xi32>
    %select_n3A_257 = arith.select %eq3A_256, %broadcast_in_dim3A_74, %broadcast_in_dim3A_72 : vector<16xi1>, vector<16xi32>
    %add3A_258 = arith.addi %add3A_255, %select_n3A_257 : vector<16xi32>
    %eq3A_259 = arith.cmpi eq, %and3A_62, %and3A_71 : vector<16xi32>
    %select_n3A_260 = arith.select %eq3A_259, %broadcast_in_dim3A_74, %broadcast_in_dim3A_72 : vector<16xi1>, vector<16xi32>
    %add3A_261 = arith.addi %add3A_258, %select_n3A_260 : vector<16xi32>
    %eq3A_262 = arith.cmpi eq, %and3A_71, %and3A_71 : vector<16xi32>
    %select_n3A_263 = arith.select %eq3A_262, %broadcast_in_dim3A_74, %broadcast_in_dim3A_72 : vector<16xi1>, vector<16xi32>
    %add3A_264 = arith.addi %add3A_261, %select_n3A_263 : vector<16xi32>
    %gt3A = arith.cmpi sgt, %add3A_120, %add3A_96 : vector<16xi32>
    %eq3A_265 = arith.cmpi eq, %add3A_120, %add3A_96 : vector<16xi32>
    %lt3A = arith.cmpi slt, %and3A_17, %and3A_8 : vector<16xi32>
    %and3A_266 = arith.andi %eq3A_265, %lt3A : vector<16xi1>
    %or3A = arith.ori %gt3A, %and3A_266 : vector<16xi1>
    %select_n3A_267 = arith.select %or3A, %add3A_120, %add3A_96 : vector<16xi1>, vector<16xi32>
    %select_n3A_268 = arith.select %or3A, %and3A_17, %and3A_8 : vector<16xi1>, vector<16xi32>
    %gt3A_269 = arith.cmpi sgt, %add3A_144, %select_n3A_267 : vector<16xi32>
    %eq3A_270 = arith.cmpi eq, %add3A_144, %select_n3A_267 : vector<16xi32>
    %lt3A_271 = arith.cmpi slt, %and3A_26, %select_n3A_268 : vector<16xi32>
    %and3A_272 = arith.andi %eq3A_270, %lt3A_271 : vector<16xi1>
    %or3A_273 = arith.ori %gt3A_269, %and3A_272 : vector<16xi1>
    %select_n3A_274 = arith.select %or3A_273, %add3A_144, %select_n3A_267 : vector<16xi1>, vector<16xi32>
    %select_n3A_275 = arith.select %or3A_273, %and3A_26, %select_n3A_268 : vector<16xi1>, vector<16xi32>
    %gt3A_276 = arith.cmpi sgt, %add3A_168, %select_n3A_274 : vector<16xi32>
    %eq3A_277 = arith.cmpi eq, %add3A_168, %select_n3A_274 : vector<16xi32>
    %lt3A_278 = arith.cmpi slt, %and3A_35, %select_n3A_275 : vector<16xi32>
    %and3A_279 = arith.andi %eq3A_277, %lt3A_278 : vector<16xi1>
    %or3A_280 = arith.ori %gt3A_276, %and3A_279 : vector<16xi1>
    %select_n3A_281 = arith.select %or3A_280, %add3A_168, %select_n3A_274 : vector<16xi1>, vector<16xi32>
    %select_n3A_282 = arith.select %or3A_280, %and3A_35, %select_n3A_275 : vector<16xi1>, vector<16xi32>
    %gt3A_283 = arith.cmpi sgt, %add3A_192, %select_n3A_281 : vector<16xi32>
    %eq3A_284 = arith.cmpi eq, %add3A_192, %select_n3A_281 : vector<16xi32>
    %lt3A_285 = arith.cmpi slt, %and3A_44, %select_n3A_282 : vector<16xi32>
    %and3A_286 = arith.andi %eq3A_284, %lt3A_285 : vector<16xi1>
    %or3A_287 = arith.ori %gt3A_283, %and3A_286 : vector<16xi1>
    %select_n3A_288 = arith.select %or3A_287, %add3A_192, %select_n3A_281 : vector<16xi1>, vector<16xi32>
    %select_n3A_289 = arith.select %or3A_287, %and3A_44, %select_n3A_282 : vector<16xi1>, vector<16xi32>
    %gt3A_290 = arith.cmpi sgt, %add3A_216, %select_n3A_288 : vector<16xi32>
    %eq3A_291 = arith.cmpi eq, %add3A_216, %select_n3A_288 : vector<16xi32>
    %lt3A_292 = arith.cmpi slt, %and3A_53, %select_n3A_289 : vector<16xi32>
    %and3A_293 = arith.andi %eq3A_291, %lt3A_292 : vector<16xi1>
    %or3A_294 = arith.ori %gt3A_290, %and3A_293 : vector<16xi1>
    %select_n3A_295 = arith.select %or3A_294, %add3A_216, %select_n3A_288 : vector<16xi1>, vector<16xi32>
    %select_n3A_296 = arith.select %or3A_294, %and3A_53, %select_n3A_289 : vector<16xi1>, vector<16xi32>
    %gt3A_297 = arith.cmpi sgt, %add3A_240, %select_n3A_295 : vector<16xi32>
    %eq3A_298 = arith.cmpi eq, %add3A_240, %select_n3A_295 : vector<16xi32>
    %lt3A_299 = arith.cmpi slt, %and3A_62, %select_n3A_296 : vector<16xi32>
    %and3A_300 = arith.andi %eq3A_298, %lt3A_299 : vector<16xi1>
    %or3A_301 = arith.ori %gt3A_297, %and3A_300 : vector<16xi1>
    %select_n3A_302 = arith.select %or3A_301, %add3A_240, %select_n3A_295 : vector<16xi1>, vector<16xi32>
    %select_n3A_303 = arith.select %or3A_301, %and3A_62, %select_n3A_296 : vector<16xi1>, vector<16xi32>
    %gt3A_304 = arith.cmpi sgt, %add3A_264, %select_n3A_302 : vector<16xi32>
    %eq3A_305 = arith.cmpi eq, %add3A_264, %select_n3A_302 : vector<16xi32>
    %lt3A_306 = arith.cmpi slt, %and3A_71, %select_n3A_303 : vector<16xi32>
    %and3A_307 = arith.andi %eq3A_305, %lt3A_306 : vector<16xi1>
    %or3A_308 = arith.ori %gt3A_304, %and3A_307 : vector<16xi1>
    %select_n3A_309 = arith.select %or3A_308, %add3A_264, %select_n3A_302 : vector<16xi1>, vector<16xi32>
    %select_n3A_310 = arith.select %or3A_308, %and3A_71, %select_n3A_303 : vector<16xi1>, vector<16xi32>
    %swap3A = arith.constant 0 : index
    %swap3A_311 = tpu.vector_load %arg5[%swap3A] {strides = array<i32>} : memref<32xi32, #tpu.memory_space<vmem>>, vector<16xi32>,
    %swap3A_312 = vector.shape_cast %swap3A_311 : vector<16xi32> to vector<16xi32>
    %swap3A_313 = vector.shape_cast %select_n3A_310 : vector<16xi32> to vector<16xi32>
    tpu.vector_store %arg5[%swap3A], %swap3A_313 {strides = array<i32>} : memref<32xi32, #tpu.memory_space<vmem>>, vector<16xi32>,
    %get3A_314 = arith.constant 0 : i32
    %get3A_315 = arith.index_cast %get3A_314 : i32 to index
    %get3A_316 = arith.constant 16 : index
    %get3A_317 = tpu.vector_load %arg4[%get3A_315, %get3A_316] {strides = array<i32>} : memref<8x32xf32, #tpu.memory_space<vmem>>, vector<1x16xf32>,
    %get3A_318 = vector.shape_cast %get3A_317 : vector<1x16xf32> to vector<16xf32>
    %convert_element_type3A_319 = arith.fptosi %get3A_318 : vector<16xf32> to vector<16xi32>
    %and3A_320 = arith.constant 127 : i32
    %and3A_321 = vector.broadcast %and3A_320 : i32 to vector<16xi32>
    %and3A_322 = arith.andi %convert_element_type3A_319, %and3A_321 : vector<16xi32>
    %get3A_323 = arith.constant 1 : i32
    %get3A_324 = arith.index_cast %get3A_323 : i32 to index
    %get3A_325 = arith.constant 16 : index
    %get3A_326 = tpu.vector_load %arg4[%get3A_324, %get3A_325] {strides = array<i32>} : memref<8x32xf32, #tpu.memory_space<vmem>>, vector<1x16xf32>,
    %get3A_327 = vector.shape_cast %get3A_326 : vector<1x16xf32> to vector<16xf32>
    %convert_element_type3A_328 = arith.fptosi %get3A_327 : vector<16xf32> to vector<16xi32>
    %and3A_329 = arith.constant 127 : i32
    %and3A_330 = vector.broadcast %and3A_329 : i32 to vector<16xi32>
    %and3A_331 = arith.andi %convert_element_type3A_328, %and3A_330 : vector<16xi32>
    %get3A_332 = arith.constant 2 : i32
    %get3A_333 = arith.index_cast %get3A_332 : i32 to index
    %get3A_334 = arith.constant 16 : index
    %get3A_335 = tpu.vector_load %arg4[%get3A_333, %get3A_334] {strides = array<i32>} : memref<8x32xf32, #tpu.memory_space<vmem>>, vector<1x16xf32>,
    %get3A_336 = vector.shape_cast %get3A_335 : vector<1x16xf32> to vector<16xf32>
    %convert_element_type3A_337 = arith.fptosi %get3A_336 : vector<16xf32> to vector<16xi32>
    %and3A_338 = arith.constant 127 : i32
    %and3A_339 = vector.broadcast %and3A_338 : i32 to vector<16xi32>
    %and3A_340 = arith.andi %convert_element_type3A_337, %and3A_339 : vector<16xi32>
    %get3A_341 = arith.constant 3 : i32
    %get3A_342 = arith.index_cast %get3A_341 : i32 to index
    %get3A_343 = arith.constant 16 : index
    %get3A_344 = tpu.vector_load %arg4[%get3A_342, %get3A_343] {strides = array<i32>} : memref<8x32xf32, #tpu.memory_space<vmem>>, vector<1x16xf32>,
    %get3A_345 = vector.shape_cast %get3A_344 : vector<1x16xf32> to vector<16xf32>
    %convert_element_type3A_346 = arith.fptosi %get3A_345 : vector<16xf32> to vector<16xi32>
    %and3A_347 = arith.constant 127 : i32
    %and3A_348 = vector.broadcast %and3A_347 : i32 to vector<16xi32>
    %and3A_349 = arith.andi %convert_element_type3A_346, %and3A_348 : vector<16xi32>
    %get3A_350 = arith.constant 4 : i32
    %get3A_351 = arith.index_cast %get3A_350 : i32 to index
    %get3A_352 = arith.constant 16 : index
    %get3A_353 = tpu.vector_load %arg4[%get3A_351, %get3A_352] {strides = array<i32>} : memref<8x32xf32, #tpu.memory_space<vmem>>, vector<1x16xf32>,
    %get3A_354 = vector.shape_cast %get3A_353 : vector<1x16xf32> to vector<16xf32>
    %convert_element_type3A_355 = arith.fptosi %get3A_354 : vector<16xf32> to vector<16xi32>
    %and3A_356 = arith.constant 127 : i32
    %and3A_357 = vector.broadcast %and3A_356 : i32 to vector<16xi32>
    %and3A_358 = arith.andi %convert_element_type3A_355, %and3A_357 : vector<16xi32>
    %get3A_359 = arith.constant 5 : i32
    %get3A_360 = arith.index_cast %get3A_359 : i32 to index
    %get3A_361 = arith.constant 16 : index
    %get3A_362 = tpu.vector_load %arg4[%get3A_360, %get3A_361] {strides = array<i32>} : memref<8x32xf32, #tpu.memory_space<vmem>>, vector<1x16xf32>,
    %get3A_363 = vector.shape_cast %get3A_362 : vector<1x16xf32> to vector<16xf32>
    %convert_element_type3A_364 = arith.fptosi %get3A_363 : vector<16xf32> to vector<16xi32>
    %and3A_365 = arith.constant 127 : i32
    %and3A_366 = vector.broadcast %and3A_365 : i32 to vector<16xi32>
    %and3A_367 = arith.andi %convert_element_type3A_364, %and3A_366 : vector<16xi32>
    %get3A_368 = arith.constant 6 : i32
    %get3A_369 = arith.index_cast %get3A_368 : i32 to index
    %get3A_370 = arith.constant 16 : index
    %get3A_371 = tpu.vector_load %arg4[%get3A_369, %get3A_370] {strides = array<i32>} : memref<8x32xf32, #tpu.memory_space<vmem>>, vector<1x16xf32>,
    %get3A_372 = vector.shape_cast %get3A_371 : vector<1x16xf32> to vector<16xf32>
    %convert_element_type3A_373 = arith.fptosi %get3A_372 : vector<16xf32> to vector<16xi32>
    %and3A_374 = arith.constant 127 : i32
    %and3A_375 = vector.broadcast %and3A_374 : i32 to vector<16xi32>
    %and3A_376 = arith.andi %convert_element_type3A_373, %and3A_375 : vector<16xi32>
    %get3A_377 = arith.constant 7 : i32
    %get3A_378 = arith.index_cast %get3A_377 : i32 to index
    %get3A_379 = arith.constant 16 : index
    %get3A_380 = tpu.vector_load %arg4[%get3A_378, %get3A_379] {strides = array<i32>} : memref<8x32xf32, #tpu.memory_space<vmem>>, vector<1x16xf32>,
    %get3A_381 = vector.shape_cast %get3A_380 : vector<1x16xf32> to vector<16xf32>
    %convert_element_type3A_382 = arith.fptosi %get3A_381 : vector<16xf32> to vector<16xi32>
    %and3A_383 = arith.constant 127 : i32
    %and3A_384 = vector.broadcast %and3A_383 : i32 to vector<16xi32>
    %and3A_385 = arith.andi %convert_element_type3A_382, %and3A_384 : vector<16xi32>
    %broadcast_in_dim3A_386 = arith.constant 0 : i32
    %broadcast_in_dim3A_387 = vector.broadcast %broadcast_in_dim3A_386 : i32 to vector<16xi32>
    %broadcast_in_dim3A_388 = arith.constant 1 : i32
    %broadcast_in_dim3A_389 = vector.broadcast %broadcast_in_dim3A_388 : i32 to vector<16xi32>
    %eq3A_390 = arith.cmpi eq, %and3A_322, %and3A_322 : vector<16xi32>
    %select_n3A_391 = arith.select %eq3A_390, %broadcast_in_dim3A_389, %broadcast_in_dim3A_387 : vector<16xi1>, vector<16xi32>
    %add3A_392 = arith.addi %broadcast_in_dim3A_387, %select_n3A_391 : vector<16xi32>
    %eq3A_393 = arith.cmpi eq, %and3A_331, %and3A_322 : vector<16xi32>
    %select_n3A_394 = arith.select %eq3A_393, %broadcast_in_dim3A_389, %broadcast_in_dim3A_387 : vector<16xi1>, vector<16xi32>
    %add3A_395 = arith.addi %add3A_392, %select_n3A_394 : vector<16xi32>
    %eq3A_396 = arith.cmpi eq, %and3A_340, %and3A_322 : vector<16xi32>
    %select_n3A_397 = arith.select %eq3A_396, %broadcast_in_dim3A_389, %broadcast_in_dim3A_387 : vector<16xi1>, vector<16xi32>
    %add3A_398 = arith.addi %add3A_395, %select_n3A_397 : vector<16xi32>
    %eq3A_399 = arith.cmpi eq, %and3A_349, %and3A_322 : vector<16xi32>
    %select_n3A_400 = arith.select %eq3A_399, %broadcast_in_dim3A_389, %broadcast_in_dim3A_387 : vector<16xi1>, vector<16xi32>
    %add3A_401 = arith.addi %add3A_398, %select_n3A_400 : vector<16xi32>
    %eq3A_402 = arith.cmpi eq, %and3A_358, %and3A_322 : vector<16xi32>
    %select_n3A_403 = arith.select %eq3A_402, %broadcast_in_dim3A_389, %broadcast_in_dim3A_387 : vector<16xi1>, vector<16xi32>
    %add3A_404 = arith.addi %add3A_401, %select_n3A_403 : vector<16xi32>
    %eq3A_405 = arith.cmpi eq, %and3A_367, %and3A_322 : vector<16xi32>
    %select_n3A_406 = arith.select %eq3A_405, %broadcast_in_dim3A_389, %broadcast_in_dim3A_387 : vector<16xi1>, vector<16xi32>
    %add3A_407 = arith.addi %add3A_404, %select_n3A_406 : vector<16xi32>
    %eq3A_408 = arith.cmpi eq, %and3A_376, %and3A_322 : vector<16xi32>
    %select_n3A_409 = arith.select %eq3A_408, %broadcast_in_dim3A_389, %broadcast_in_dim3A_387 : vector<16xi1>, vector<16xi32>
    %add3A_410 = arith.addi %add3A_407, %select_n3A_409 : vector<16xi32>
    %eq3A_411 = arith.cmpi eq, %and3A_385, %and3A_322 : vector<16xi32>
    %select_n3A_412 = arith.select %eq3A_411, %broadcast_in_dim3A_389, %broadcast_in_dim3A_387 : vector<16xi1>, vector<16xi32>
    %add3A_413 = arith.addi %add3A_410, %select_n3A_412 : vector<16xi32>
    %eq3A_414 = arith.cmpi eq, %and3A_322, %and3A_331 : vector<16xi32>
    %select_n3A_415 = arith.select %eq3A_414, %broadcast_in_dim3A_389, %broadcast_in_dim3A_387 : vector<16xi1>, vector<16xi32>
    %add3A_416 = arith.addi %broadcast_in_dim3A_387, %select_n3A_415 : vector<16xi32>
    %eq3A_417 = arith.cmpi eq, %and3A_331, %and3A_331 : vector<16xi32>
    %select_n3A_418 = arith.select %eq3A_417, %broadcast_in_dim3A_389, %broadcast_in_dim3A_387 : vector<16xi1>, vector<16xi32>
    %add3A_419 = arith.addi %add3A_416, %select_n3A_418 : vector<16xi32>
    %eq3A_420 = arith.cmpi eq, %and3A_340, %and3A_331 : vector<16xi32>
    %select_n3A_421 = arith.select %eq3A_420, %broadcast_in_dim3A_389, %broadcast_in_dim3A_387 : vector<16xi1>, vector<16xi32>
    %add3A_422 = arith.addi %add3A_419, %select_n3A_421 : vector<16xi32>
    %eq3A_423 = arith.cmpi eq, %and3A_349, %and3A_331 : vector<16xi32>
    %select_n3A_424 = arith.select %eq3A_423, %broadcast_in_dim3A_389, %broadcast_in_dim3A_387 : vector<16xi1>, vector<16xi32>
    %add3A_425 = arith.addi %add3A_422, %select_n3A_424 : vector<16xi32>
    %eq3A_426 = arith.cmpi eq, %and3A_358, %and3A_331 : vector<16xi32>
    %select_n3A_427 = arith.select %eq3A_426, %broadcast_in_dim3A_389, %broadcast_in_dim3A_387 : vector<16xi1>, vector<16xi32>
    %add3A_428 = arith.addi %add3A_425, %select_n3A_427 : vector<16xi32>
    %eq3A_429 = arith.cmpi eq, %and3A_367, %and3A_331 : vector<16xi32>
    %select_n3A_430 = arith.select %eq3A_429, %broadcast_in_dim3A_389, %broadcast_in_dim3A_387 : vector<16xi1>, vector<16xi32>
    %add3A_431 = arith.addi %add3A_428, %select_n3A_430 : vector<16xi32>
    %eq3A_432 = arith.cmpi eq, %and3A_376, %and3A_331 : vector<16xi32>
    %select_n3A_433 = arith.select %eq3A_432, %broadcast_in_dim3A_389, %broadcast_in_dim3A_387 : vector<16xi1>, vector<16xi32>
    %add3A_434 = arith.addi %add3A_431, %select_n3A_433 : vector<16xi32>
    %eq3A_435 = arith.cmpi eq, %and3A_385, %and3A_331 : vector<16xi32>
    %select_n3A_436 = arith.select %eq3A_435, %broadcast_in_dim3A_389, %broadcast_in_dim3A_387 : vector<16xi1>, vector<16xi32>
    %add3A_437 = arith.addi %add3A_434, %select_n3A_436 : vector<16xi32>
    %eq3A_438 = arith.cmpi eq, %and3A_322, %and3A_340 : vector<16xi32>
    %select_n3A_439 = arith.select %eq3A_438, %broadcast_in_dim3A_389, %broadcast_in_dim3A_387 : vector<16xi1>, vector<16xi32>
    %add3A_440 = arith.addi %broadcast_in_dim3A_387, %select_n3A_439 : vector<16xi32>
    %eq3A_441 = arith.cmpi eq, %and3A_331, %and3A_340 : vector<16xi32>
    %select_n3A_442 = arith.select %eq3A_441, %broadcast_in_dim3A_389, %broadcast_in_dim3A_387 : vector<16xi1>, vector<16xi32>
    %add3A_443 = arith.addi %add3A_440, %select_n3A_442 : vector<16xi32>
    %eq3A_444 = arith.cmpi eq, %and3A_340, %and3A_340 : vector<16xi32>
    %select_n3A_445 = arith.select %eq3A_444, %broadcast_in_dim3A_389, %broadcast_in_dim3A_387 : vector<16xi1>, vector<16xi32>
    %add3A_446 = arith.addi %add3A_443, %select_n3A_445 : vector<16xi32>
    %eq3A_447 = arith.cmpi eq, %and3A_349, %and3A_340 : vector<16xi32>
    %select_n3A_448 = arith.select %eq3A_447, %broadcast_in_dim3A_389, %broadcast_in_dim3A_387 : vector<16xi1>, vector<16xi32>
    %add3A_449 = arith.addi %add3A_446, %select_n3A_448 : vector<16xi32>
    %eq3A_450 = arith.cmpi eq, %and3A_358, %and3A_340 : vector<16xi32>
    %select_n3A_451 = arith.select %eq3A_450, %broadcast_in_dim3A_389, %broadcast_in_dim3A_387 : vector<16xi1>, vector<16xi32>
    %add3A_452 = arith.addi %add3A_449, %select_n3A_451 : vector<16xi32>
    %eq3A_453 = arith.cmpi eq, %and3A_367, %and3A_340 : vector<16xi32>
    %select_n3A_454 = arith.select %eq3A_453, %broadcast_in_dim3A_389, %broadcast_in_dim3A_387 : vector<16xi1>, vector<16xi32>
    %add3A_455 = arith.addi %add3A_452, %select_n3A_454 : vector<16xi32>
    %eq3A_456 = arith.cmpi eq, %and3A_376, %and3A_340 : vector<16xi32>
    %select_n3A_457 = arith.select %eq3A_456, %broadcast_in_dim3A_389, %broadcast_in_dim3A_387 : vector<16xi1>, vector<16xi32>
    %add3A_458 = arith.addi %add3A_455, %select_n3A_457 : vector<16xi32>
    %eq3A_459 = arith.cmpi eq, %and3A_385, %and3A_340 : vector<16xi32>
    %select_n3A_460 = arith.select %eq3A_459, %broadcast_in_dim3A_389, %broadcast_in_dim3A_387 : vector<16xi1>, vector<16xi32>
    %add3A_461 = arith.addi %add3A_458, %select_n3A_460 : vector<16xi32>
    %eq3A_462 = arith.cmpi eq, %and3A_322, %and3A_349 : vector<16xi32>
    %select_n3A_463 = arith.select %eq3A_462, %broadcast_in_dim3A_389, %broadcast_in_dim3A_387 : vector<16xi1>, vector<16xi32>
    %add3A_464 = arith.addi %broadcast_in_dim3A_387, %select_n3A_463 : vector<16xi32>
    %eq3A_465 = arith.cmpi eq, %and3A_331, %and3A_349 : vector<16xi32>
    %select_n3A_466 = arith.select %eq3A_465, %broadcast_in_dim3A_389, %broadcast_in_dim3A_387 : vector<16xi1>, vector<16xi32>
    %add3A_467 = arith.addi %add3A_464, %select_n3A_466 : vector<16xi32>
    %eq3A_468 = arith.cmpi eq, %and3A_340, %and3A_349 : vector<16xi32>
    %select_n3A_469 = arith.select %eq3A_468, %broadcast_in_dim3A_389, %broadcast_in_dim3A_387 : vector<16xi1>, vector<16xi32>
    %add3A_470 = arith.addi %add3A_467, %select_n3A_469 : vector<16xi32>
    %eq3A_471 = arith.cmpi eq, %and3A_349, %and3A_349 : vector<16xi32>
    %select_n3A_472 = arith.select %eq3A_471, %broadcast_in_dim3A_389, %broadcast_in_dim3A_387 : vector<16xi1>, vector<16xi32>
    %add3A_473 = arith.addi %add3A_470, %select_n3A_472 : vector<16xi32>
    %eq3A_474 = arith.cmpi eq, %and3A_358, %and3A_349 : vector<16xi32>
    %select_n3A_475 = arith.select %eq3A_474, %broadcast_in_dim3A_389, %broadcast_in_dim3A_387 : vector<16xi1>, vector<16xi32>
    %add3A_476 = arith.addi %add3A_473, %select_n3A_475 : vector<16xi32>
    %eq3A_477 = arith.cmpi eq, %and3A_367, %and3A_349 : vector<16xi32>
    %select_n3A_478 = arith.select %eq3A_477, %broadcast_in_dim3A_389, %broadcast_in_dim3A_387 : vector<16xi1>, vector<16xi32>
    %add3A_479 = arith.addi %add3A_476, %select_n3A_478 : vector<16xi32>
    %eq3A_480 = arith.cmpi eq, %and3A_376, %and3A_349 : vector<16xi32>
    %select_n3A_481 = arith.select %eq3A_480, %broadcast_in_dim3A_389, %broadcast_in_dim3A_387 : vector<16xi1>, vector<16xi32>
    %add3A_482 = arith.addi %add3A_479, %select_n3A_481 : vector<16xi32>
    %eq3A_483 = arith.cmpi eq, %and3A_385, %and3A_349 : vector<16xi32>
    %select_n3A_484 = arith.select %eq3A_483, %broadcast_in_dim3A_389, %broadcast_in_dim3A_387 : vector<16xi1>, vector<16xi32>
    %add3A_485 = arith.addi %add3A_482, %select_n3A_484 : vector<16xi32>
    %eq3A_486 = arith.cmpi eq, %and3A_322, %and3A_358 : vector<16xi32>
    %select_n3A_487 = arith.select %eq3A_486, %broadcast_in_dim3A_389, %broadcast_in_dim3A_387 : vector<16xi1>, vector<16xi32>
    %add3A_488 = arith.addi %broadcast_in_dim3A_387, %select_n3A_487 : vector<16xi32>
    %eq3A_489 = arith.cmpi eq, %and3A_331, %and3A_358 : vector<16xi32>
    %select_n3A_490 = arith.select %eq3A_489, %broadcast_in_dim3A_389, %broadcast_in_dim3A_387 : vector<16xi1>, vector<16xi32>
    %add3A_491 = arith.addi %add3A_488, %select_n3A_490 : vector<16xi32>
    %eq3A_492 = arith.cmpi eq, %and3A_340, %and3A_358 : vector<16xi32>
    %select_n3A_493 = arith.select %eq3A_492, %broadcast_in_dim3A_389, %broadcast_in_dim3A_387 : vector<16xi1>, vector<16xi32>
    %add3A_494 = arith.addi %add3A_491, %select_n3A_493 : vector<16xi32>
    %eq3A_495 = arith.cmpi eq, %and3A_349, %and3A_358 : vector<16xi32>
    %select_n3A_496 = arith.select %eq3A_495, %broadcast_in_dim3A_389, %broadcast_in_dim3A_387 : vector<16xi1>, vector<16xi32>
    %add3A_497 = arith.addi %add3A_494, %select_n3A_496 : vector<16xi32>
    %eq3A_498 = arith.cmpi eq, %and3A_358, %and3A_358 : vector<16xi32>
    %select_n3A_499 = arith.select %eq3A_498, %broadcast_in_dim3A_389, %broadcast_in_dim3A_387 : vector<16xi1>, vector<16xi32>
    %add3A_500 = arith.addi %add3A_497, %select_n3A_499 : vector<16xi32>
    %eq3A_501 = arith.cmpi eq, %and3A_367, %and3A_358 : vector<16xi32>
    %select_n3A_502 = arith.select %eq3A_501, %broadcast_in_dim3A_389, %broadcast_in_dim3A_387 : vector<16xi1>, vector<16xi32>
    %add3A_503 = arith.addi %add3A_500, %select_n3A_502 : vector<16xi32>
    %eq3A_504 = arith.cmpi eq, %and3A_376, %and3A_358 : vector<16xi32>
    %select_n3A_505 = arith.select %eq3A_504, %broadcast_in_dim3A_389, %broadcast_in_dim3A_387 : vector<16xi1>, vector<16xi32>
    %add3A_506 = arith.addi %add3A_503, %select_n3A_505 : vector<16xi32>
    %eq3A_507 = arith.cmpi eq, %and3A_385, %and3A_358 : vector<16xi32>
    %select_n3A_508 = arith.select %eq3A_507, %broadcast_in_dim3A_389, %broadcast_in_dim3A_387 : vector<16xi1>, vector<16xi32>
    %add3A_509 = arith.addi %add3A_506, %select_n3A_508 : vector<16xi32>
    %eq3A_510 = arith.cmpi eq, %and3A_322, %and3A_367 : vector<16xi32>
    %select_n3A_511 = arith.select %eq3A_510, %broadcast_in_dim3A_389, %broadcast_in_dim3A_387 : vector<16xi1>, vector<16xi32>
    %add3A_512 = arith.addi %broadcast_in_dim3A_387, %select_n3A_511 : vector<16xi32>
    %eq3A_513 = arith.cmpi eq, %and3A_331, %and3A_367 : vector<16xi32>
    %select_n3A_514 = arith.select %eq3A_513, %broadcast_in_dim3A_389, %broadcast_in_dim3A_387 : vector<16xi1>, vector<16xi32>
    %add3A_515 = arith.addi %add3A_512, %select_n3A_514 : vector<16xi32>
    %eq3A_516 = arith.cmpi eq, %and3A_340, %and3A_367 : vector<16xi32>
    %select_n3A_517 = arith.select %eq3A_516, %broadcast_in_dim3A_389, %broadcast_in_dim3A_387 : vector<16xi1>, vector<16xi32>
    %add3A_518 = arith.addi %add3A_515, %select_n3A_517 : vector<16xi32>
    %eq3A_519 = arith.cmpi eq, %and3A_349, %and3A_367 : vector<16xi32>
    %select_n3A_520 = arith.select %eq3A_519, %broadcast_in_dim3A_389, %broadcast_in_dim3A_387 : vector<16xi1>, vector<16xi32>
    %add3A_521 = arith.addi %add3A_518, %select_n3A_520 : vector<16xi32>
    %eq3A_522 = arith.cmpi eq, %and3A_358, %and3A_367 : vector<16xi32>
    %select_n3A_523 = arith.select %eq3A_522, %broadcast_in_dim3A_389, %broadcast_in_dim3A_387 : vector<16xi1>, vector<16xi32>
    %add3A_524 = arith.addi %add3A_521, %select_n3A_523 : vector<16xi32>
    %eq3A_525 = arith.cmpi eq, %and3A_367, %and3A_367 : vector<16xi32>
    %select_n3A_526 = arith.select %eq3A_525, %broadcast_in_dim3A_389, %broadcast_in_dim3A_387 : vector<16xi1>, vector<16xi32>
    %add3A_527 = arith.addi %add3A_524, %select_n3A_526 : vector<16xi32>
    %eq3A_528 = arith.cmpi eq, %and3A_376, %and3A_367 : vector<16xi32>
    %select_n3A_529 = arith.select %eq3A_528, %broadcast_in_dim3A_389, %broadcast_in_dim3A_387 : vector<16xi1>, vector<16xi32>
    %add3A_530 = arith.addi %add3A_527, %select_n3A_529 : vector<16xi32>
    %eq3A_531 = arith.cmpi eq, %and3A_385, %and3A_367 : vector<16xi32>
    %select_n3A_532 = arith.select %eq3A_531, %broadcast_in_dim3A_389, %broadcast_in_dim3A_387 : vector<16xi1>, vector<16xi32>
    %add3A_533 = arith.addi %add3A_530, %select_n3A_532 : vector<16xi32>
    %eq3A_534 = arith.cmpi eq, %and3A_322, %and3A_376 : vector<16xi32>
    %select_n3A_535 = arith.select %eq3A_534, %broadcast_in_dim3A_389, %broadcast_in_dim3A_387 : vector<16xi1>, vector<16xi32>
    %add3A_536 = arith.addi %broadcast_in_dim3A_387, %select_n3A_535 : vector<16xi32>
    %eq3A_537 = arith.cmpi eq, %and3A_331, %and3A_376 : vector<16xi32>
    %select_n3A_538 = arith.select %eq3A_537, %broadcast_in_dim3A_389, %broadcast_in_dim3A_387 : vector<16xi1>, vector<16xi32>
    %add3A_539 = arith.addi %add3A_536, %select_n3A_538 : vector<16xi32>
    %eq3A_540 = arith.cmpi eq, %and3A_340, %and3A_376 : vector<16xi32>
    %select_n3A_541 = arith.select %eq3A_540, %broadcast_in_dim3A_389, %broadcast_in_dim3A_387 : vector<16xi1>, vector<16xi32>
    %add3A_542 = arith.addi %add3A_539, %select_n3A_541 : vector<16xi32>
    %eq3A_543 = arith.cmpi eq, %and3A_349, %and3A_376 : vector<16xi32>
    %select_n3A_544 = arith.select %eq3A_543, %broadcast_in_dim3A_389, %broadcast_in_dim3A_387 : vector<16xi1>, vector<16xi32>
    %add3A_545 = arith.addi %add3A_542, %select_n3A_544 : vector<16xi32>
    %eq3A_546 = arith.cmpi eq, %and3A_358, %and3A_376 : vector<16xi32>
    %select_n3A_547 = arith.select %eq3A_546, %broadcast_in_dim3A_389, %broadcast_in_dim3A_387 : vector<16xi1>, vector<16xi32>
    %add3A_548 = arith.addi %add3A_545, %select_n3A_547 : vector<16xi32>
    %eq3A_549 = arith.cmpi eq, %and3A_367, %and3A_376 : vector<16xi32>
    %select_n3A_550 = arith.select %eq3A_549, %broadcast_in_dim3A_389, %broadcast_in_dim3A_387 : vector<16xi1>, vector<16xi32>
    %add3A_551 = arith.addi %add3A_548, %select_n3A_550 : vector<16xi32>
    %eq3A_552 = arith.cmpi eq, %and3A_376, %and3A_376 : vector<16xi32>
    %select_n3A_553 = arith.select %eq3A_552, %broadcast_in_dim3A_389, %broadcast_in_dim3A_387 : vector<16xi1>, vector<16xi32>
    %add3A_554 = arith.addi %add3A_551, %select_n3A_553 : vector<16xi32>
    %eq3A_555 = arith.cmpi eq, %and3A_385, %and3A_376 : vector<16xi32>
    %select_n3A_556 = arith.select %eq3A_555, %broadcast_in_dim3A_389, %broadcast_in_dim3A_387 : vector<16xi1>, vector<16xi32>
    %add3A_557 = arith.addi %add3A_554, %select_n3A_556 : vector<16xi32>
    %eq3A_558 = arith.cmpi eq, %and3A_322, %and3A_385 : vector<16xi32>
    %select_n3A_559 = arith.select %eq3A_558, %broadcast_in_dim3A_389, %broadcast_in_dim3A_387 : vector<16xi1>, vector<16xi32>
    %add3A_560 = arith.addi %broadcast_in_dim3A_387, %select_n3A_559 : vector<16xi32>
    %eq3A_561 = arith.cmpi eq, %and3A_331, %and3A_385 : vector<16xi32>
    %select_n3A_562 = arith.select %eq3A_561, %broadcast_in_dim3A_389, %broadcast_in_dim3A_387 : vector<16xi1>, vector<16xi32>
    %add3A_563 = arith.addi %add3A_560, %select_n3A_562 : vector<16xi32>
    %eq3A_564 = arith.cmpi eq, %and3A_340, %and3A_385 : vector<16xi32>
    %select_n3A_565 = arith.select %eq3A_564, %broadcast_in_dim3A_389, %broadcast_in_dim3A_387 : vector<16xi1>, vector<16xi32>
    %add3A_566 = arith.addi %add3A_563, %select_n3A_565 : vector<16xi32>
    %eq3A_567 = arith.cmpi eq, %and3A_349, %and3A_385 : vector<16xi32>
    %select_n3A_568 = arith.select %eq3A_567, %broadcast_in_dim3A_389, %broadcast_in_dim3A_387 : vector<16xi1>, vector<16xi32>
    %add3A_569 = arith.addi %add3A_566, %select_n3A_568 : vector<16xi32>
    %eq3A_570 = arith.cmpi eq, %and3A_358, %and3A_385 : vector<16xi32>
    %select_n3A_571 = arith.select %eq3A_570, %broadcast_in_dim3A_389, %broadcast_in_dim3A_387 : vector<16xi1>, vector<16xi32>
    %add3A_572 = arith.addi %add3A_569, %select_n3A_571 : vector<16xi32>
    %eq3A_573 = arith.cmpi eq, %and3A_367, %and3A_385 : vector<16xi32>
    %select_n3A_574 = arith.select %eq3A_573, %broadcast_in_dim3A_389, %broadcast_in_dim3A_387 : vector<16xi1>, vector<16xi32>
    %add3A_575 = arith.addi %add3A_572, %select_n3A_574 : vector<16xi32>
    %eq3A_576 = arith.cmpi eq, %and3A_376, %and3A_385 : vector<16xi32>
    %select_n3A_577 = arith.select %eq3A_576, %broadcast_in_dim3A_389, %broadcast_in_dim3A_387 : vector<16xi1>, vector<16xi32>
    %add3A_578 = arith.addi %add3A_575, %select_n3A_577 : vector<16xi32>
    %eq3A_579 = arith.cmpi eq, %and3A_385, %and3A_385 : vector<16xi32>
    %select_n3A_580 = arith.select %eq3A_579, %broadcast_in_dim3A_389, %broadcast_in_dim3A_387 : vector<16xi1>, vector<16xi32>
    %add3A_581 = arith.addi %add3A_578, %select_n3A_580 : vector<16xi32>
    %gt3A_582 = arith.cmpi sgt, %add3A_437, %add3A_413 : vector<16xi32>
    %eq3A_583 = arith.cmpi eq, %add3A_437, %add3A_413 : vector<16xi32>
    %lt3A_584 = arith.cmpi slt, %and3A_331, %and3A_322 : vector<16xi32>
    %and3A_585 = arith.andi %eq3A_583, %lt3A_584 : vector<16xi1>
    %or3A_586 = arith.ori %gt3A_582, %and3A_585 : vector<16xi1>
    %select_n3A_587 = arith.select %or3A_586, %add3A_437, %add3A_413 : vector<16xi1>, vector<16xi32>
    %select_n3A_588 = arith.select %or3A_586, %and3A_331, %and3A_322 : vector<16xi1>, vector<16xi32>
    %gt3A_589 = arith.cmpi sgt, %add3A_461, %select_n3A_587 : vector<16xi32>
    %eq3A_590 = arith.cmpi eq, %add3A_461, %select_n3A_587 : vector<16xi32>
    %lt3A_591 = arith.cmpi slt, %and3A_340, %select_n3A_588 : vector<16xi32>
    %and3A_592 = arith.andi %eq3A_590, %lt3A_591 : vector<16xi1>
    %or3A_593 = arith.ori %gt3A_589, %and3A_592 : vector<16xi1>
    %select_n3A_594 = arith.select %or3A_593, %add3A_461, %select_n3A_587 : vector<16xi1>, vector<16xi32>
    %select_n3A_595 = arith.select %or3A_593, %and3A_340, %select_n3A_588 : vector<16xi1>, vector<16xi32>
    %gt3A_596 = arith.cmpi sgt, %add3A_485, %select_n3A_594 : vector<16xi32>
    %eq3A_597 = arith.cmpi eq, %add3A_485, %select_n3A_594 : vector<16xi32>
    %lt3A_598 = arith.cmpi slt, %and3A_349, %select_n3A_595 : vector<16xi32>
    %and3A_599 = arith.andi %eq3A_597, %lt3A_598 : vector<16xi1>
    %or3A_600 = arith.ori %gt3A_596, %and3A_599 : vector<16xi1>
    %select_n3A_601 = arith.select %or3A_600, %add3A_485, %select_n3A_594 : vector<16xi1>, vector<16xi32>
    %select_n3A_602 = arith.select %or3A_600, %and3A_349, %select_n3A_595 : vector<16xi1>, vector<16xi32>
    %gt3A_603 = arith.cmpi sgt, %add3A_509, %select_n3A_601 : vector<16xi32>
    %eq3A_604 = arith.cmpi eq, %add3A_509, %select_n3A_601 : vector<16xi32>
    %lt3A_605 = arith.cmpi slt, %and3A_358, %select_n3A_602 : vector<16xi32>
    %and3A_606 = arith.andi %eq3A_604, %lt3A_605 : vector<16xi1>
    %or3A_607 = arith.ori %gt3A_603, %and3A_606 : vector<16xi1>
    %select_n3A_608 = arith.select %or3A_607, %add3A_509, %select_n3A_601 : vector<16xi1>, vector<16xi32>
    %select_n3A_609 = arith.select %or3A_607, %and3A_358, %select_n3A_602 : vector<16xi1>, vector<16xi32>
    %gt3A_610 = arith.cmpi sgt, %add3A_533, %select_n3A_608 : vector<16xi32>
    %eq3A_611 = arith.cmpi eq, %add3A_533, %select_n3A_608 : vector<16xi32>
    %lt3A_612 = arith.cmpi slt, %and3A_367, %select_n3A_609 : vector<16xi32>
    %and3A_613 = arith.andi %eq3A_611, %lt3A_612 : vector<16xi1>
    %or3A_614 = arith.ori %gt3A_610, %and3A_613 : vector<16xi1>
    %select_n3A_615 = arith.select %or3A_614, %add3A_533, %select_n3A_608 : vector<16xi1>, vector<16xi32>
    %select_n3A_616 = arith.select %or3A_614, %and3A_367, %select_n3A_609 : vector<16xi1>, vector<16xi32>
    %gt3A_617 = arith.cmpi sgt, %add3A_557, %select_n3A_615 : vector<16xi32>
    %eq3A_618 = arith.cmpi eq, %add3A_557, %select_n3A_615 : vector<16xi32>
    %lt3A_619 = arith.cmpi slt, %and3A_376, %select_n3A_616 : vector<16xi32>
    %and3A_620 = arith.andi %eq3A_618, %lt3A_619 : vector<16xi1>
    %or3A_621 = arith.ori %gt3A_617, %and3A_620 : vector<16xi1>
    %select_n3A_622 = arith.select %or3A_621, %add3A_557, %select_n3A_615 : vector<16xi1>, vector<16xi32>
    %select_n3A_623 = arith.select %or3A_621, %and3A_376, %select_n3A_616 : vector<16xi1>, vector<16xi32>
    %gt3A_624 = arith.cmpi sgt, %add3A_581, %select_n3A_622 : vector<16xi32>
    %eq3A_625 = arith.cmpi eq, %add3A_581, %select_n3A_622 : vector<16xi32>
    %lt3A_626 = arith.cmpi slt, %and3A_385, %select_n3A_623 : vector<16xi32>
    %and3A_627 = arith.andi %eq3A_625, %lt3A_626 : vector<16xi1>
    %or3A_628 = arith.ori %gt3A_624, %and3A_627 : vector<16xi1>
    %select_n3A_629 = arith.select %or3A_628, %add3A_581, %select_n3A_622 : vector<16xi1>, vector<16xi32>
    %select_n3A_630 = arith.select %or3A_628, %and3A_385, %select_n3A_623 : vector<16xi1>, vector<16xi32>
    %swap3A_631 = arith.constant 16 : index
    %swap3A_632 = tpu.vector_load %arg5[%swap3A_631] {strides = array<i32>} : memref<32xi32, #tpu.memory_space<vmem>>, vector<16xi32>,
    %swap3A_633 = vector.shape_cast %swap3A_632 : vector<16xi32> to vector<16xi32>
    %swap3A_634 = vector.shape_cast %select_n3A_630 : vector<16xi32> to vector<16xi32>
    tpu.vector_store %arg5[%swap3A_631], %swap3A_634 {strides = array<i32>} : memref<32xi32, #tpu.memory_space<vmem>>, vector<16xi32>,
    "tpu.region"() ({
      %run_scoped3A = tpu.sem_alloc : memref<!tpu.dma_semaphore, #tpu.memory_space<semaphore_mem>>
      %dma_start3A = tpu.memref_slice %arg3[%mul3A_2] : memref<1024xi32, #tpu.memory_space<hbm>> -> memref<32xi32, #tpu.memory_space<hbm>>
      %dma_start3A_635 = tpu.memref_slice %arg3[%mul3A_2] : memref<1024xi32, #tpu.memory_space<hbm>> -> memref<32xi32, #tpu.memory_space<hbm>>
      tpu.enqueue_dma source(%arg5 : memref<32xi32, #tpu.memory_space<vmem>>) target(%dma_start3A_635 : memref<32xi32, #tpu.memory_space<hbm>>) target_semaphore(%run_scoped3A : memref<!tpu.dma_semaphore, #tpu.memory_space<semaphore_mem>>)
      %dma_wait3A = tpu.memref_slice %arg3[%mul3A_2] : memref<1024xi32, #tpu.memory_space<hbm>> -> memref<32xi32, #tpu.memory_space<hbm>>
      %dma_wait3A_636 = tpu.memref_slice %arg3[%mul3A_2] : memref<1024xi32, #tpu.memory_space<hbm>> -> memref<32xi32, #tpu.memory_space<hbm>>
      tpu.wait_dma2 semaphore(%run_scoped3A : memref<!tpu.dma_semaphore, #tpu.memory_space<semaphore_mem>>) src(%arg5 : memref<32xi32, #tpu.memory_space<vmem>>) dst(%dma_wait3A_636 : memref<32xi32, #tpu.memory_space<hbm>>)
      tpu.yield
    }) : () -> ()
    return
  }
}

module attributes {stable_mosaic.version = 14 : i64} {
  func.func @_knn_kernel(%arg0: i32, %arg1: memref<1024x16xf32, #tpu.memory_space<vmem>>, %arg2: memref<16x2048xf32, #tpu.memory_space<vmem>>, %arg3: memref<1x1x2048xi32, #tpu.memory_space<vmem>>, %arg4: memref<1024x8xf32, #tpu.memory_space<vmem>>, %arg5: memref<1024x2048xf32, #tpu.memory_space<vmem>>, %arg6: memref<1024x32xf32, #tpu.memory_space<vmem>>, %arg7: memref<1024x32xf32, #tpu.memory_space<vmem>>, %arg8: memref<1024x8xf32, #tpu.memory_space<vmem>>, %arg9: memref<1024x8xf32, #tpu.memory_space<vmem>>) attributes {dimension_semantics = [#tpu.dimension_semantics<arbitrary>], iteration_bounds = array<i64: 49>, scalar_prefetch = 0 : i64, scratch_operands = 5 : i64, tpu.core_type = #tpu.core_type<tc>, window_params = [{pipeline_mode = #tpu.pipeline_mode<synchronous>, transform_indices = @transform_0, window_bounds = array<i64: 1024, 16>}, {transform_indices = @transform_1, window_bounds = array<i64: 16, 2048>}, {transform_indices = @transform_2, window_bounds = array<i64: 1, 1, 2048>}, {pipeline_mode = #tpu.pipeline_mode<synchronous>, transform_indices = @transform_3, window_bounds = array<i64: 1024, 8>}]} {
    %get3A = arith.constant 0 : index
    %get3A_0 = arith.constant 0 : index
    %get3A_1 = vector.load %arg1[%get3A, %get3A_0] : memref<1024x16xf32, #tpu.memory_space<vmem>>, vector<1024x16xf32>
    %get3A_2 = arith.constant 0 : index
    %get3A_3 = arith.constant 0 : index
    %get3A_4 = vector.load %arg2[%get3A_2, %get3A_3] : memref<16x2048xf32, #tpu.memory_space<vmem>>, vector<16x2048xf32>
    %mul3A = arith.constant -2.000000e+00 : f32
    %mul3A_5 = vector.broadcast %mul3A : f32 to vector<1024x16xf32>
    %mul3A_6 = arith.mulf %get3A_1, %mul3A_5 : vector<1024x16xf32>
    %dot_general3A = arith.constant dense<0.000000e+00> : vector<1024x2048xf32>
    %dot_general3A_7 = tpu.matmul %mul3A_6, %get3A_4, %dot_general3A {dimension_numbers = #tpu.dot_dimension_numbers<[1], [0], [0], [1], [0, 0, 1, 1], [], []>, transpose_lhs_hint = false} : vector<1024x16xf32>, vector<16x2048xf32>, vector<1024x2048xf32> -> vector<1024x2048xf32>
    %mul3A_8 = arith.mulf %get3A_1, %get3A_1 : vector<1024x16xf32>
    %reduce_sum3A = arith.constant dense<0.000000e+00> : vector<1024xf32>
    %reduce_sum3A_9 = vector.multi_reduction <add>, %mul3A_8, %reduce_sum3A [1] : vector<1024x16xf32> to vector<1024xf32>
    %broadcast_in_dim3A = vector.shape_cast %reduce_sum3A_9 : vector<1024xf32> to vector<1024x1xf32>
    %mul3A_10 = arith.mulf %get3A_4, %get3A_4 : vector<16x2048xf32>
    %reduce_sum3A_11 = arith.constant dense<0.000000e+00> : vector<2048xf32>
    %reduce_sum3A_12 = vector.multi_reduction <add>, %mul3A_10, %reduce_sum3A_11 [0] : vector<16x2048xf32> to vector<2048xf32>
    %broadcast_in_dim3A_13 = vector.shape_cast %reduce_sum3A_12 : vector<2048xf32> to vector<1x2048xf32>
    %add3A = vector.broadcast %broadcast_in_dim3A : vector<1024x1xf32> to vector<1024x2048xf32>
    %add3A_14 = arith.addf %add3A, %dot_general3A_7 : vector<1024x2048xf32>
    %add3A_15 = vector.broadcast %broadcast_in_dim3A_13 : vector<1x2048xf32> to vector<1024x2048xf32>
    %add3A_16 = arith.addf %add3A_14, %add3A_15 : vector<1024x2048xf32>
    %iota3A = tpu.iota {dimensions = array<i32: 1>} : vector<1x2048xi32>
    %mul3A_17 = arith.constant 2048 : i32
    %mul3A_18 = arith.muli %arg0, %mul3A_17 : i32
    %add3A_19 = vector.broadcast %mul3A_18 : i32 to vector<1x2048xi32>
    %add3A_20 = arith.addi %add3A_19, %iota3A : vector<1x2048xi32>
    %get3A_21 = arith.constant 0 : index
    %get3A_22 = arith.constant 0 : index
    %get3A_23 = arith.constant 0 : index
    %get3A_24 = vector.load %arg3[%get3A_21, %get3A_22, %get3A_23] : memref<1x1x2048xi32, #tpu.memory_space<vmem>>, vector<1x1x2048xi32>
    %reshape3A = vector.shape_cast %get3A_24 : vector<1x1x2048xi32> to vector<1x2048xi32>
    %mul3A_25 = arith.constant 128 : i32
    %mul3A_26 = vector.broadcast %mul3A_25 : i32 to vector<1x2048xi32>
    %mul3A_27 = arith.muli %add3A_20, %mul3A_26 : vector<1x2048xi32>
    %add3A_28 = arith.addi %mul3A_27, %reshape3A : vector<1x2048xi32>
    %convert_element_type3A = arith.sitofp %add3A_28 : vector<1x2048xi32> to vector<1x2048xf32>
    %eq3A = arith.constant 0 : i32
    %eq3A_29 = arith.cmpi eq, %arg0, %eq3A : i32
    %convert_element_type3A_30 = arith.extui %eq3A_29 : i1 to i32
    %cond3A = arith.constant 0 : i32
    %cond3A_31 = arith.cmpi ne, %convert_element_type3A_30, %cond3A : i32
    scf.if %cond3A_31 {
      %broadcast_in_dim3A_551 = arith.constant 0x7F800000 : f32
      %broadcast_in_dim3A_552 = vector.broadcast %broadcast_in_dim3A_551 : f32 to vector<1024x8xf32>
      %swap3A_553 = arith.constant 0 : index
      %swap3A_554 = arith.constant 0 : index
      %swap3A_555 = vector.load %arg8[%swap3A_553, %swap3A_554] : memref<1024x8xf32, #tpu.memory_space<vmem>>, vector<1024x8xf32>
      tpu.vector_store %arg8[%swap3A_553, %swap3A_554], %broadcast_in_dim3A_552 {strides = array<i32>} : memref<1024x8xf32, #tpu.memory_space<vmem>>, vector<1024x8xf32>,
      %broadcast_in_dim3A_556 = arith.constant 0x4B440100 : f32
      %broadcast_in_dim3A_557 = vector.broadcast %broadcast_in_dim3A_556 : f32 to vector<1024x8xf32>
      %iota3A_558 = tpu.iota {dimensions = array<i32: 1>} : vector<1024x8xi32>
      %convert_element_type3A_559 = arith.sitofp %iota3A_558 : vector<1024x8xi32> to vector<1024x8xf32>
      %add3A_560 = arith.addf %broadcast_in_dim3A_557, %convert_element_type3A_559 : vector<1024x8xf32>
      %swap3A_561 = arith.constant 0 : index
      %swap3A_562 = arith.constant 0 : index
      %swap3A_563 = vector.load %arg9[%swap3A_561, %swap3A_562] : memref<1024x8xf32, #tpu.memory_space<vmem>>, vector<1024x8xf32>
      tpu.vector_store %arg9[%swap3A_561, %swap3A_562], %add3A_560 {strides = array<i32>} : memref<1024x8xf32, #tpu.memory_space<vmem>>, vector<1024x8xf32>,
    } else {
    }
    %get3A_32 = arith.constant 0 : index
    %get3A_33 = arith.constant 7 : index
    %get3A_34 = vector.load %arg8[%get3A_32, %get3A_33] : memref<1024x8xf32, #tpu.memory_space<vmem>>, vector<1024x1xf32>
    %iota3A_35 = tpu.iota {dimensions = array<i32: 1>} : vector<1024x8xi32>
    %slice3A = vector.extract_strided_slice %add3A_16 {offsets = [0, 0], sizes = [1024, 512], strides = [1, 1]} : vector<1024x2048xf32> to vector<1024x512xf32>
    %slice3A_36 = vector.extract_strided_slice %convert_element_type3A {offsets = [0, 0], sizes = [1, 512], strides = [1, 1]} : vector<1x2048xf32> to vector<1x512xf32>
    %lt3A = vector.broadcast %get3A_34 : vector<1024x1xf32> to vector<1024x512xf32>
    %lt3A_37 = arith.cmpf olt, %slice3A, %lt3A : vector<1024x512xf32>
    %convert_element_type3A_38 = arith.extui %lt3A_37 : vector<1024x512xi1> to vector<1024x512xi32>
    %reduce_sum3A_39 = arith.constant dense<0> : vector<1024xi32>
    %reduce_sum3A_40 = vector.multi_reduction <add>, %convert_element_type3A_38, %reduce_sum3A_39 [1] : vector<1024x512xi32> to vector<1024xi32>
    %broadcast_in_dim3A_41 = vector.shape_cast %reduce_sum3A_40 : vector<1024xi32> to vector<1024x1xi32>
    %reduce_max3A = vector.shape_cast %broadcast_in_dim3A_41 : vector<1024x1xi32> to vector<1x1024x1xi32>
    %reduce_max3A_42 = arith.constant dense<-2147483648> : vector<1xi32>
    %reduce_max3A_43 = vector.multi_reduction <maxsi>, %reduce_max3A, %reduce_max3A_42 [1, 2] : vector<1x1024x1xi32> to vector<1xi32>
    %reduce_max3A_44 = vector.shape_cast %reduce_max3A_43 : vector<1xi32> to vector<1x1x1xi32>
    %reduce_max3A_45 = vector.extract %reduce_max3A_44[0, 0, 0] : i32 from vector<1x1x1xi32>
    %min3A = arith.constant 8 : i32
    %min3A_46 = arith.minsi %reduce_max3A_45, %min3A : i32
    %reduce_min3A = arith.constant dense<0x7F800000> : vector<1024xf32>
    %reduce_min3A_47 = vector.multi_reduction <minimumf>, %slice3A, %reduce_min3A [1] : vector<1024x512xf32> to vector<1024xf32>
    %broadcast_in_dim3A_48 = vector.shape_cast %reduce_min3A_47 : vector<1024xf32> to vector<1024x1xf32>
    %le3A = vector.broadcast %broadcast_in_dim3A_48 : vector<1024x1xf32> to vector<1024x512xf32>
    %le3A_49 = arith.cmpf ole, %slice3A, %le3A : vector<1024x512xf32>
    %jit3A = arith.constant 0x4B440100 : f32
    %broadcast_in_dim3A_50 = vector.shape_cast %slice3A_36 : vector<1x512xf32> to vector<1x512xf32>
    %broadcast_in_dim3A_51 = vector.broadcast %broadcast_in_dim3A_50 : vector<1x512xf32> to vector<1024x512xf32>
    %broadcast_in_dim3A_52 = vector.broadcast %jit3A : f32 to vector<1024x512xf32>
    %select_n3A = arith.select %le3A_49, %broadcast_in_dim3A_51, %broadcast_in_dim3A_52 : vector<1024x512xi1>, vector<1024x512xf32>
    %reduce_min3A_53 = arith.constant dense<0x7F800000> : vector<1024xf32>
    %reduce_min3A_54 = vector.multi_reduction <minimumf>, %select_n3A, %reduce_min3A_53 [1] : vector<1024x512xf32> to vector<1024xf32>
    %broadcast_in_dim3A_55 = vector.shape_cast %reduce_min3A_54 : vector<1024xf32> to vector<1024x1xf32>
    %eq3A_56 = arith.constant 0 : i32
    %eq3A_57 = vector.broadcast %eq3A_56 : i32 to vector<1024x8xi32>
    %eq3A_58 = arith.cmpi eq, %iota3A_35, %eq3A_57 : vector<1024x8xi32>
    %jit3A_59 = arith.constant 0x7F800000 : f32
    %broadcast_in_dim3A_60 = vector.shape_cast %broadcast_in_dim3A_48 : vector<1024x1xf32> to vector<1024x1xf32>
    %broadcast_in_dim3A_61 = vector.broadcast %broadcast_in_dim3A_60 : vector<1024x1xf32> to vector<1024x8xf32>
    %broadcast_in_dim3A_62 = vector.broadcast %jit3A_59 : f32 to vector<1024x8xf32>
    %select_n3A_63 = arith.select %eq3A_58, %broadcast_in_dim3A_61, %broadcast_in_dim3A_62 : vector<1024x8xi1>, vector<1024x8xf32>
    %swap3A = arith.constant 0 : index
    %swap3A_64 = arith.constant 0 : index
    %swap3A_65 = vector.load %arg6[%swap3A, %swap3A_64] : memref<1024x32xf32, #tpu.memory_space<vmem>>, vector<1024x8xf32>
    tpu.vector_store %arg6[%swap3A, %swap3A_64], %select_n3A_63 {strides = array<i32>} : memref<1024x32xf32, #tpu.memory_space<vmem>>, vector<1024x8xf32>,
    %eq3A_66 = arith.constant 0 : i32
    %eq3A_67 = vector.broadcast %eq3A_66 : i32 to vector<1024x8xi32>
    %eq3A_68 = arith.cmpi eq, %iota3A_35, %eq3A_67 : vector<1024x8xi32>
    %jit3A_69 = arith.constant 0x4B440100 : f32
    %broadcast_in_dim3A_70 = vector.shape_cast %broadcast_in_dim3A_55 : vector<1024x1xf32> to vector<1024x1xf32>
    %broadcast_in_dim3A_71 = vector.broadcast %broadcast_in_dim3A_70 : vector<1024x1xf32> to vector<1024x8xf32>
    %broadcast_in_dim3A_72 = vector.broadcast %jit3A_69 : f32 to vector<1024x8xf32>
    %select_n3A_73 = arith.select %eq3A_68, %broadcast_in_dim3A_71, %broadcast_in_dim3A_72 : vector<1024x8xi1>, vector<1024x8xf32>
    %swap3A_74 = arith.constant 0 : index
    %swap3A_75 = arith.constant 0 : index
    %swap3A_76 = vector.load %arg7[%swap3A_74, %swap3A_75] : memref<1024x32xf32, #tpu.memory_space<vmem>>, vector<1024x8xf32>
    tpu.vector_store %arg7[%swap3A_74, %swap3A_75], %select_n3A_73 {strides = array<i32>} : memref<1024x32xf32, #tpu.memory_space<vmem>>, vector<1024x8xf32>,
    %eq3A_77 = vector.broadcast %slice3A_36 : vector<1x512xf32> to vector<1024x512xf32>
    %eq3A_78 = vector.broadcast %broadcast_in_dim3A_55 : vector<1024x1xf32> to vector<1024x512xf32>
    %eq3A_79 = arith.cmpf oeq, %eq3A_77, %eq3A_78 : vector<1024x512xf32>
    %jit3A_80 = arith.constant 0x7F800000 : f32
    %broadcast_in_dim3A_81 = vector.broadcast %jit3A_80 : f32 to vector<1024x512xf32>
    %select_n3A_82 = arith.select %eq3A_79, %broadcast_in_dim3A_81, %slice3A : vector<1024x512xi1>, vector<1024x512xf32>
    %swap3A_83 = arith.constant 0 : index
    %swap3A_84 = arith.constant 0 : index
    %swap3A_85 = vector.load %arg5[%swap3A_83, %swap3A_84] : memref<1024x2048xf32, #tpu.memory_space<vmem>>, vector<1024x512xf32>
    tpu.vector_store %arg5[%swap3A_83, %swap3A_84], %select_n3A_82 {strides = array<i32>} : memref<1024x2048xf32, #tpu.memory_space<vmem>>, vector<1024x512xf32>,
    %slice3A_86 = vector.extract_strided_slice %add3A_16 {offsets = [0, 512], sizes = [1024, 512], strides = [1, 1]} : vector<1024x2048xf32> to vector<1024x512xf32>
    %slice3A_87 = vector.extract_strided_slice %convert_element_type3A {offsets = [0, 512], sizes = [1, 512], strides = [1, 1]} : vector<1x2048xf32> to vector<1x512xf32>
    %lt3A_88 = vector.broadcast %get3A_34 : vector<1024x1xf32> to vector<1024x512xf32>
    %lt3A_89 = arith.cmpf olt, %slice3A_86, %lt3A_88 : vector<1024x512xf32>
    %convert_element_type3A_90 = arith.extui %lt3A_89 : vector<1024x512xi1> to vector<1024x512xi32>
    %reduce_sum3A_91 = arith.constant dense<0> : vector<1024xi32>
    %reduce_sum3A_92 = vector.multi_reduction <add>, %convert_element_type3A_90, %reduce_sum3A_91 [1] : vector<1024x512xi32> to vector<1024xi32>
    %broadcast_in_dim3A_93 = vector.shape_cast %reduce_sum3A_92 : vector<1024xi32> to vector<1024x1xi32>
    %reduce_max3A_94 = vector.shape_cast %broadcast_in_dim3A_93 : vector<1024x1xi32> to vector<1x1024x1xi32>
    %reduce_max3A_95 = arith.constant dense<-2147483648> : vector<1xi32>
    %reduce_max3A_96 = vector.multi_reduction <maxsi>, %reduce_max3A_94, %reduce_max3A_95 [1, 2] : vector<1x1024x1xi32> to vector<1xi32>
    %reduce_max3A_97 = vector.shape_cast %reduce_max3A_96 : vector<1xi32> to vector<1x1x1xi32>
    %reduce_max3A_98 = vector.extract %reduce_max3A_97[0, 0, 0] : i32 from vector<1x1x1xi32>
    %min3A_99 = arith.constant 8 : i32
    %min3A_100 = arith.minsi %reduce_max3A_98, %min3A_99 : i32
    %reduce_min3A_101 = arith.constant dense<0x7F800000> : vector<1024xf32>
    %reduce_min3A_102 = vector.multi_reduction <minimumf>, %slice3A_86, %reduce_min3A_101 [1] : vector<1024x512xf32> to vector<1024xf32>
    %broadcast_in_dim3A_103 = vector.shape_cast %reduce_min3A_102 : vector<1024xf32> to vector<1024x1xf32>
    %le3A_104 = vector.broadcast %broadcast_in_dim3A_103 : vector<1024x1xf32> to vector<1024x512xf32>
    %le3A_105 = arith.cmpf ole, %slice3A_86, %le3A_104 : vector<1024x512xf32>
    %jit3A_106 = arith.constant 0x4B440100 : f32
    %broadcast_in_dim3A_107 = vector.shape_cast %slice3A_87 : vector<1x512xf32> to vector<1x512xf32>
    %broadcast_in_dim3A_108 = vector.broadcast %broadcast_in_dim3A_107 : vector<1x512xf32> to vector<1024x512xf32>
    %broadcast_in_dim3A_109 = vector.broadcast %jit3A_106 : f32 to vector<1024x512xf32>
    %select_n3A_110 = arith.select %le3A_105, %broadcast_in_dim3A_108, %broadcast_in_dim3A_109 : vector<1024x512xi1>, vector<1024x512xf32>
    %reduce_min3A_111 = arith.constant dense<0x7F800000> : vector<1024xf32>
    %reduce_min3A_112 = vector.multi_reduction <minimumf>, %select_n3A_110, %reduce_min3A_111 [1] : vector<1024x512xf32> to vector<1024xf32>
    %broadcast_in_dim3A_113 = vector.shape_cast %reduce_min3A_112 : vector<1024xf32> to vector<1024x1xf32>
    %eq3A_114 = arith.constant 0 : i32
    %eq3A_115 = vector.broadcast %eq3A_114 : i32 to vector<1024x8xi32>
    %eq3A_116 = arith.cmpi eq, %iota3A_35, %eq3A_115 : vector<1024x8xi32>
    %jit3A_117 = arith.constant 0x7F800000 : f32
    %broadcast_in_dim3A_118 = vector.shape_cast %broadcast_in_dim3A_103 : vector<1024x1xf32> to vector<1024x1xf32>
    %broadcast_in_dim3A_119 = vector.broadcast %broadcast_in_dim3A_118 : vector<1024x1xf32> to vector<1024x8xf32>
    %broadcast_in_dim3A_120 = vector.broadcast %jit3A_117 : f32 to vector<1024x8xf32>
    %select_n3A_121 = arith.select %eq3A_116, %broadcast_in_dim3A_119, %broadcast_in_dim3A_120 : vector<1024x8xi1>, vector<1024x8xf32>
    %swap3A_122 = arith.constant 0 : index
    %swap3A_123 = arith.constant 8 : index
    %swap3A_124 = vector.load %arg6[%swap3A_122, %swap3A_123] : memref<1024x32xf32, #tpu.memory_space<vmem>>, vector<1024x8xf32>
    tpu.vector_store %arg6[%swap3A_122, %swap3A_123], %select_n3A_121 {strides = array<i32>} : memref<1024x32xf32, #tpu.memory_space<vmem>>, vector<1024x8xf32>,
    %eq3A_125 = arith.constant 0 : i32
    %eq3A_126 = vector.broadcast %eq3A_125 : i32 to vector<1024x8xi32>
    %eq3A_127 = arith.cmpi eq, %iota3A_35, %eq3A_126 : vector<1024x8xi32>
    %jit3A_128 = arith.constant 0x4B440100 : f32
    %broadcast_in_dim3A_129 = vector.shape_cast %broadcast_in_dim3A_113 : vector<1024x1xf32> to vector<1024x1xf32>
    %broadcast_in_dim3A_130 = vector.broadcast %broadcast_in_dim3A_129 : vector<1024x1xf32> to vector<1024x8xf32>
    %broadcast_in_dim3A_131 = vector.broadcast %jit3A_128 : f32 to vector<1024x8xf32>
    %select_n3A_132 = arith.select %eq3A_127, %broadcast_in_dim3A_130, %broadcast_in_dim3A_131 : vector<1024x8xi1>, vector<1024x8xf32>
    %swap3A_133 = arith.constant 0 : index
    %swap3A_134 = arith.constant 8 : index
    %swap3A_135 = vector.load %arg7[%swap3A_133, %swap3A_134] : memref<1024x32xf32, #tpu.memory_space<vmem>>, vector<1024x8xf32>
    tpu.vector_store %arg7[%swap3A_133, %swap3A_134], %select_n3A_132 {strides = array<i32>} : memref<1024x32xf32, #tpu.memory_space<vmem>>, vector<1024x8xf32>,
    %eq3A_136 = vector.broadcast %slice3A_87 : vector<1x512xf32> to vector<1024x512xf32>
    %eq3A_137 = vector.broadcast %broadcast_in_dim3A_113 : vector<1024x1xf32> to vector<1024x512xf32>
    %eq3A_138 = arith.cmpf oeq, %eq3A_136, %eq3A_137 : vector<1024x512xf32>
    %jit3A_139 = arith.constant 0x7F800000 : f32
    %broadcast_in_dim3A_140 = vector.broadcast %jit3A_139 : f32 to vector<1024x512xf32>
    %select_n3A_141 = arith.select %eq3A_138, %broadcast_in_dim3A_140, %slice3A_86 : vector<1024x512xi1>, vector<1024x512xf32>
    %swap3A_142 = arith.constant 0 : index
    %swap3A_143 = arith.constant 512 : index
    %swap3A_144 = vector.load %arg5[%swap3A_142, %swap3A_143] : memref<1024x2048xf32, #tpu.memory_space<vmem>>, vector<1024x512xf32>
    tpu.vector_store %arg5[%swap3A_142, %swap3A_143], %select_n3A_141 {strides = array<i32>} : memref<1024x2048xf32, #tpu.memory_space<vmem>>, vector<1024x512xf32>,
    %slice3A_145 = vector.extract_strided_slice %add3A_16 {offsets = [0, 1024], sizes = [1024, 512], strides = [1, 1]} : vector<1024x2048xf32> to vector<1024x512xf32>
    %slice3A_146 = vector.extract_strided_slice %convert_element_type3A {offsets = [0, 1024], sizes = [1, 512], strides = [1, 1]} : vector<1x2048xf32> to vector<1x512xf32>
    %lt3A_147 = vector.broadcast %get3A_34 : vector<1024x1xf32> to vector<1024x512xf32>
    %lt3A_148 = arith.cmpf olt, %slice3A_145, %lt3A_147 : vector<1024x512xf32>
    %convert_element_type3A_149 = arith.extui %lt3A_148 : vector<1024x512xi1> to vector<1024x512xi32>
    %reduce_sum3A_150 = arith.constant dense<0> : vector<1024xi32>
    %reduce_sum3A_151 = vector.multi_reduction <add>, %convert_element_type3A_149, %reduce_sum3A_150 [1] : vector<1024x512xi32> to vector<1024xi32>
    %broadcast_in_dim3A_152 = vector.shape_cast %reduce_sum3A_151 : vector<1024xi32> to vector<1024x1xi32>
    %reduce_max3A_153 = vector.shape_cast %broadcast_in_dim3A_152 : vector<1024x1xi32> to vector<1x1024x1xi32>
    %reduce_max3A_154 = arith.constant dense<-2147483648> : vector<1xi32>
    %reduce_max3A_155 = vector.multi_reduction <maxsi>, %reduce_max3A_153, %reduce_max3A_154 [1, 2] : vector<1x1024x1xi32> to vector<1xi32>
    %reduce_max3A_156 = vector.shape_cast %reduce_max3A_155 : vector<1xi32> to vector<1x1x1xi32>
    %reduce_max3A_157 = vector.extract %reduce_max3A_156[0, 0, 0] : i32 from vector<1x1x1xi32>
    %min3A_158 = arith.constant 8 : i32
    %min3A_159 = arith.minsi %reduce_max3A_157, %min3A_158 : i32
    %reduce_min3A_160 = arith.constant dense<0x7F800000> : vector<1024xf32>
    %reduce_min3A_161 = vector.multi_reduction <minimumf>, %slice3A_145, %reduce_min3A_160 [1] : vector<1024x512xf32> to vector<1024xf32>
    %broadcast_in_dim3A_162 = vector.shape_cast %reduce_min3A_161 : vector<1024xf32> to vector<1024x1xf32>
    %le3A_163 = vector.broadcast %broadcast_in_dim3A_162 : vector<1024x1xf32> to vector<1024x512xf32>
    %le3A_164 = arith.cmpf ole, %slice3A_145, %le3A_163 : vector<1024x512xf32>
    %jit3A_165 = arith.constant 0x4B440100 : f32
    %broadcast_in_dim3A_166 = vector.shape_cast %slice3A_146 : vector<1x512xf32> to vector<1x512xf32>
    %broadcast_in_dim3A_167 = vector.broadcast %broadcast_in_dim3A_166 : vector<1x512xf32> to vector<1024x512xf32>
    %broadcast_in_dim3A_168 = vector.broadcast %jit3A_165 : f32 to vector<1024x512xf32>
    %select_n3A_169 = arith.select %le3A_164, %broadcast_in_dim3A_167, %broadcast_in_dim3A_168 : vector<1024x512xi1>, vector<1024x512xf32>
    %reduce_min3A_170 = arith.constant dense<0x7F800000> : vector<1024xf32>
    %reduce_min3A_171 = vector.multi_reduction <minimumf>, %select_n3A_169, %reduce_min3A_170 [1] : vector<1024x512xf32> to vector<1024xf32>
    %broadcast_in_dim3A_172 = vector.shape_cast %reduce_min3A_171 : vector<1024xf32> to vector<1024x1xf32>
    %eq3A_173 = arith.constant 0 : i32
    %eq3A_174 = vector.broadcast %eq3A_173 : i32 to vector<1024x8xi32>
    %eq3A_175 = arith.cmpi eq, %iota3A_35, %eq3A_174 : vector<1024x8xi32>
    %jit3A_176 = arith.constant 0x7F800000 : f32
    %broadcast_in_dim3A_177 = vector.shape_cast %broadcast_in_dim3A_162 : vector<1024x1xf32> to vector<1024x1xf32>
    %broadcast_in_dim3A_178 = vector.broadcast %broadcast_in_dim3A_177 : vector<1024x1xf32> to vector<1024x8xf32>
    %broadcast_in_dim3A_179 = vector.broadcast %jit3A_176 : f32 to vector<1024x8xf32>
    %select_n3A_180 = arith.select %eq3A_175, %broadcast_in_dim3A_178, %broadcast_in_dim3A_179 : vector<1024x8xi1>, vector<1024x8xf32>
    %swap3A_181 = arith.constant 0 : index
    %swap3A_182 = arith.constant 16 : index
    %swap3A_183 = vector.load %arg6[%swap3A_181, %swap3A_182] : memref<1024x32xf32, #tpu.memory_space<vmem>>, vector<1024x8xf32>
    tpu.vector_store %arg6[%swap3A_181, %swap3A_182], %select_n3A_180 {strides = array<i32>} : memref<1024x32xf32, #tpu.memory_space<vmem>>, vector<1024x8xf32>,
    %eq3A_184 = arith.constant 0 : i32
    %eq3A_185 = vector.broadcast %eq3A_184 : i32 to vector<1024x8xi32>
    %eq3A_186 = arith.cmpi eq, %iota3A_35, %eq3A_185 : vector<1024x8xi32>
    %jit3A_187 = arith.constant 0x4B440100 : f32
    %broadcast_in_dim3A_188 = vector.shape_cast %broadcast_in_dim3A_172 : vector<1024x1xf32> to vector<1024x1xf32>
    %broadcast_in_dim3A_189 = vector.broadcast %broadcast_in_dim3A_188 : vector<1024x1xf32> to vector<1024x8xf32>
    %broadcast_in_dim3A_190 = vector.broadcast %jit3A_187 : f32 to vector<1024x8xf32>
    %select_n3A_191 = arith.select %eq3A_186, %broadcast_in_dim3A_189, %broadcast_in_dim3A_190 : vector<1024x8xi1>, vector<1024x8xf32>
    %swap3A_192 = arith.constant 0 : index
    %swap3A_193 = arith.constant 16 : index
    %swap3A_194 = vector.load %arg7[%swap3A_192, %swap3A_193] : memref<1024x32xf32, #tpu.memory_space<vmem>>, vector<1024x8xf32>
    tpu.vector_store %arg7[%swap3A_192, %swap3A_193], %select_n3A_191 {strides = array<i32>} : memref<1024x32xf32, #tpu.memory_space<vmem>>, vector<1024x8xf32>,
    %eq3A_195 = vector.broadcast %slice3A_146 : vector<1x512xf32> to vector<1024x512xf32>
    %eq3A_196 = vector.broadcast %broadcast_in_dim3A_172 : vector<1024x1xf32> to vector<1024x512xf32>
    %eq3A_197 = arith.cmpf oeq, %eq3A_195, %eq3A_196 : vector<1024x512xf32>
    %jit3A_198 = arith.constant 0x7F800000 : f32
    %broadcast_in_dim3A_199 = vector.broadcast %jit3A_198 : f32 to vector<1024x512xf32>
    %select_n3A_200 = arith.select %eq3A_197, %broadcast_in_dim3A_199, %slice3A_145 : vector<1024x512xi1>, vector<1024x512xf32>
    %swap3A_201 = arith.constant 0 : index
    %swap3A_202 = arith.constant 1024 : index
    %swap3A_203 = vector.load %arg5[%swap3A_201, %swap3A_202] : memref<1024x2048xf32, #tpu.memory_space<vmem>>, vector<1024x512xf32>
    tpu.vector_store %arg5[%swap3A_201, %swap3A_202], %select_n3A_200 {strides = array<i32>} : memref<1024x2048xf32, #tpu.memory_space<vmem>>, vector<1024x512xf32>,
    %slice3A_204 = vector.extract_strided_slice %add3A_16 {offsets = [0, 1536], sizes = [1024, 512], strides = [1, 1]} : vector<1024x2048xf32> to vector<1024x512xf32>
    %slice3A_205 = vector.extract_strided_slice %convert_element_type3A {offsets = [0, 1536], sizes = [1, 512], strides = [1, 1]} : vector<1x2048xf32> to vector<1x512xf32>
    %lt3A_206 = vector.broadcast %get3A_34 : vector<1024x1xf32> to vector<1024x512xf32>
    %lt3A_207 = arith.cmpf olt, %slice3A_204, %lt3A_206 : vector<1024x512xf32>
    %convert_element_type3A_208 = arith.extui %lt3A_207 : vector<1024x512xi1> to vector<1024x512xi32>
    %reduce_sum3A_209 = arith.constant dense<0> : vector<1024xi32>
    %reduce_sum3A_210 = vector.multi_reduction <add>, %convert_element_type3A_208, %reduce_sum3A_209 [1] : vector<1024x512xi32> to vector<1024xi32>
    %broadcast_in_dim3A_211 = vector.shape_cast %reduce_sum3A_210 : vector<1024xi32> to vector<1024x1xi32>
    %reduce_max3A_212 = vector.shape_cast %broadcast_in_dim3A_211 : vector<1024x1xi32> to vector<1x1024x1xi32>
    %reduce_max3A_213 = arith.constant dense<-2147483648> : vector<1xi32>
    %reduce_max3A_214 = vector.multi_reduction <maxsi>, %reduce_max3A_212, %reduce_max3A_213 [1, 2] : vector<1x1024x1xi32> to vector<1xi32>
    %reduce_max3A_215 = vector.shape_cast %reduce_max3A_214 : vector<1xi32> to vector<1x1x1xi32>
    %reduce_max3A_216 = vector.extract %reduce_max3A_215[0, 0, 0] : i32 from vector<1x1x1xi32>
    %min3A_217 = arith.constant 8 : i32
    %min3A_218 = arith.minsi %reduce_max3A_216, %min3A_217 : i32
    %reduce_min3A_219 = arith.constant dense<0x7F800000> : vector<1024xf32>
    %reduce_min3A_220 = vector.multi_reduction <minimumf>, %slice3A_204, %reduce_min3A_219 [1] : vector<1024x512xf32> to vector<1024xf32>
    %broadcast_in_dim3A_221 = vector.shape_cast %reduce_min3A_220 : vector<1024xf32> to vector<1024x1xf32>
    %le3A_222 = vector.broadcast %broadcast_in_dim3A_221 : vector<1024x1xf32> to vector<1024x512xf32>
    %le3A_223 = arith.cmpf ole, %slice3A_204, %le3A_222 : vector<1024x512xf32>
    %jit3A_224 = arith.constant 0x4B440100 : f32
    %broadcast_in_dim3A_225 = vector.shape_cast %slice3A_205 : vector<1x512xf32> to vector<1x512xf32>
    %broadcast_in_dim3A_226 = vector.broadcast %broadcast_in_dim3A_225 : vector<1x512xf32> to vector<1024x512xf32>
    %broadcast_in_dim3A_227 = vector.broadcast %jit3A_224 : f32 to vector<1024x512xf32>
    %select_n3A_228 = arith.select %le3A_223, %broadcast_in_dim3A_226, %broadcast_in_dim3A_227 : vector<1024x512xi1>, vector<1024x512xf32>
    %reduce_min3A_229 = arith.constant dense<0x7F800000> : vector<1024xf32>
    %reduce_min3A_230 = vector.multi_reduction <minimumf>, %select_n3A_228, %reduce_min3A_229 [1] : vector<1024x512xf32> to vector<1024xf32>
    %broadcast_in_dim3A_231 = vector.shape_cast %reduce_min3A_230 : vector<1024xf32> to vector<1024x1xf32>
    %eq3A_232 = arith.constant 0 : i32
    %eq3A_233 = vector.broadcast %eq3A_232 : i32 to vector<1024x8xi32>
    %eq3A_234 = arith.cmpi eq, %iota3A_35, %eq3A_233 : vector<1024x8xi32>
    %jit3A_235 = arith.constant 0x7F800000 : f32
    %broadcast_in_dim3A_236 = vector.shape_cast %broadcast_in_dim3A_221 : vector<1024x1xf32> to vector<1024x1xf32>
    %broadcast_in_dim3A_237 = vector.broadcast %broadcast_in_dim3A_236 : vector<1024x1xf32> to vector<1024x8xf32>
    %broadcast_in_dim3A_238 = vector.broadcast %jit3A_235 : f32 to vector<1024x8xf32>
    %select_n3A_239 = arith.select %eq3A_234, %broadcast_in_dim3A_237, %broadcast_in_dim3A_238 : vector<1024x8xi1>, vector<1024x8xf32>
    %swap3A_240 = arith.constant 0 : index
    %swap3A_241 = arith.constant 24 : index
    %swap3A_242 = vector.load %arg6[%swap3A_240, %swap3A_241] : memref<1024x32xf32, #tpu.memory_space<vmem>>, vector<1024x8xf32>
    tpu.vector_store %arg6[%swap3A_240, %swap3A_241], %select_n3A_239 {strides = array<i32>} : memref<1024x32xf32, #tpu.memory_space<vmem>>, vector<1024x8xf32>,
    %eq3A_243 = arith.constant 0 : i32
    %eq3A_244 = vector.broadcast %eq3A_243 : i32 to vector<1024x8xi32>
    %eq3A_245 = arith.cmpi eq, %iota3A_35, %eq3A_244 : vector<1024x8xi32>
    %jit3A_246 = arith.constant 0x4B440100 : f32
    %broadcast_in_dim3A_247 = vector.shape_cast %broadcast_in_dim3A_231 : vector<1024x1xf32> to vector<1024x1xf32>
    %broadcast_in_dim3A_248 = vector.broadcast %broadcast_in_dim3A_247 : vector<1024x1xf32> to vector<1024x8xf32>
    %broadcast_in_dim3A_249 = vector.broadcast %jit3A_246 : f32 to vector<1024x8xf32>
    %select_n3A_250 = arith.select %eq3A_245, %broadcast_in_dim3A_248, %broadcast_in_dim3A_249 : vector<1024x8xi1>, vector<1024x8xf32>
    %swap3A_251 = arith.constant 0 : index
    %swap3A_252 = arith.constant 24 : index
    %swap3A_253 = vector.load %arg7[%swap3A_251, %swap3A_252] : memref<1024x32xf32, #tpu.memory_space<vmem>>, vector<1024x8xf32>
    tpu.vector_store %arg7[%swap3A_251, %swap3A_252], %select_n3A_250 {strides = array<i32>} : memref<1024x32xf32, #tpu.memory_space<vmem>>, vector<1024x8xf32>,
    %eq3A_254 = vector.broadcast %slice3A_205 : vector<1x512xf32> to vector<1024x512xf32>
    %eq3A_255 = vector.broadcast %broadcast_in_dim3A_231 : vector<1024x1xf32> to vector<1024x512xf32>
    %eq3A_256 = arith.cmpf oeq, %eq3A_254, %eq3A_255 : vector<1024x512xf32>
    %jit3A_257 = arith.constant 0x7F800000 : f32
    %broadcast_in_dim3A_258 = vector.broadcast %jit3A_257 : f32 to vector<1024x512xf32>
    %select_n3A_259 = arith.select %eq3A_256, %broadcast_in_dim3A_258, %slice3A_204 : vector<1024x512xi1>, vector<1024x512xf32>
    %swap3A_260 = arith.constant 0 : index
    %swap3A_261 = arith.constant 1536 : index
    %swap3A_262 = vector.load %arg5[%swap3A_260, %swap3A_261] : memref<1024x2048xf32, #tpu.memory_space<vmem>>, vector<1024x512xf32>
    tpu.vector_store %arg5[%swap3A_260, %swap3A_261], %select_n3A_259 {strides = array<i32>} : memref<1024x2048xf32, #tpu.memory_space<vmem>>, vector<1024x512xf32>,
    %gt3A = arith.constant 1 : i32
    %gt3A_263 = arith.cmpi sgt, %min3A_46, %gt3A : i32
    %convert_element_type3A_264 = arith.extui %gt3A_263 : i1 to i32
    %cond3A_265 = arith.constant 0 : i32
    %cond3A_266 = arith.cmpi ne, %convert_element_type3A_264, %cond3A_265 : i32
    scf.if %cond3A_266 {
      %get3A_551 = arith.constant 0 : index
      %get3A_552 = arith.constant 0 : index
      %get3A_553 = vector.load %arg5[%get3A_551, %get3A_552] : memref<1024x2048xf32, #tpu.memory_space<vmem>>, vector<1024x512xf32>
      %slice3A_554 = vector.extract_strided_slice %convert_element_type3A {offsets = [0, 0], sizes = [1, 512], strides = [1, 1]} : vector<1x2048xf32> to vector<1x512xf32>
      %reduce_min3A_555 = arith.constant dense<0x7F800000> : vector<1024xf32>
      %reduce_min3A_556 = vector.multi_reduction <minimumf>, %get3A_553, %reduce_min3A_555 [1] : vector<1024x512xf32> to vector<1024xf32>
      %broadcast_in_dim3A_557 = vector.shape_cast %reduce_min3A_556 : vector<1024xf32> to vector<1024x1xf32>
      %le3A_558 = vector.broadcast %broadcast_in_dim3A_557 : vector<1024x1xf32> to vector<1024x512xf32>
      %le3A_559 = arith.cmpf ole, %get3A_553, %le3A_558 : vector<1024x512xf32>
      %jit3A_560 = arith.constant 0x4B440100 : f32
      %broadcast_in_dim3A_561 = vector.shape_cast %slice3A_554 : vector<1x512xf32> to vector<1x512xf32>
      %broadcast_in_dim3A_562 = vector.broadcast %broadcast_in_dim3A_561 : vector<1x512xf32> to vector<1024x512xf32>
      %broadcast_in_dim3A_563 = vector.broadcast %jit3A_560 : f32 to vector<1024x512xf32>
      %select_n3A_564 = arith.select %le3A_559, %broadcast_in_dim3A_562, %broadcast_in_dim3A_563 : vector<1024x512xi1>, vector<1024x512xf32>
      %reduce_min3A_565 = arith.constant dense<0x7F800000> : vector<1024xf32>
      %reduce_min3A_566 = vector.multi_reduction <minimumf>, %select_n3A_564, %reduce_min3A_565 [1] : vector<1024x512xf32> to vector<1024xf32>
      %broadcast_in_dim3A_567 = vector.shape_cast %reduce_min3A_566 : vector<1024xf32> to vector<1024x1xf32>
      %swap3A_568 = arith.constant 0 : index
      %swap3A_569 = arith.constant 1 : index
      %swap3A_570 = vector.load %arg6[%swap3A_568, %swap3A_569] : memref<1024x32xf32, #tpu.memory_space<vmem>>, vector<1024x1xf32>
      tpu.vector_store %arg6[%swap3A_568, %swap3A_569], %broadcast_in_dim3A_557 {strides = array<i32>} : memref<1024x32xf32, #tpu.memory_space<vmem>>, vector<1024x1xf32>,
      %swap3A_571 = arith.constant 0 : index
      %swap3A_572 = arith.constant 1 : index
      %swap3A_573 = vector.load %arg7[%swap3A_571, %swap3A_572] : memref<1024x32xf32, #tpu.memory_space<vmem>>, vector<1024x1xf32>
      tpu.vector_store %arg7[%swap3A_571, %swap3A_572], %broadcast_in_dim3A_567 {strides = array<i32>} : memref<1024x32xf32, #tpu.memory_space<vmem>>, vector<1024x1xf32>,
      %gt3A_574 = arith.constant 2 : i32
      %gt3A_575 = arith.cmpi sgt, %min3A_46, %gt3A_574 : i32
      %convert_element_type3A_576 = arith.extui %gt3A_575 : i1 to i32
      %cond3A_577 = arith.constant 0 : i32
      %cond3A_578 = arith.cmpi ne, %convert_element_type3A_576, %cond3A_577 : i32
      scf.if %cond3A_578 {
        %eq3A_579 = vector.broadcast %slice3A_554 : vector<1x512xf32> to vector<1024x512xf32>
        %eq3A_580 = vector.broadcast %broadcast_in_dim3A_567 : vector<1024x1xf32> to vector<1024x512xf32>
        %eq3A_581 = arith.cmpf oeq, %eq3A_579, %eq3A_580 : vector<1024x512xf32>
        %jit3A_582 = arith.constant 0x7F800000 : f32
        %broadcast_in_dim3A_583 = vector.broadcast %jit3A_582 : f32 to vector<1024x512xf32>
        %select_n3A_584 = arith.select %eq3A_581, %broadcast_in_dim3A_583, %get3A_553 : vector<1024x512xi1>, vector<1024x512xf32>
        %swap3A_585 = arith.constant 0 : index
        %swap3A_586 = arith.constant 0 : index
        %swap3A_587 = vector.load %arg5[%swap3A_585, %swap3A_586] : memref<1024x2048xf32, #tpu.memory_space<vmem>>, vector<1024x512xf32>
        tpu.vector_store %arg5[%swap3A_585, %swap3A_586], %select_n3A_584 {strides = array<i32>} : memref<1024x2048xf32, #tpu.memory_space<vmem>>, vector<1024x512xf32>,
      } else {
      }
    } else {
    }
    %gt3A_267 = arith.constant 1 : i32
    %gt3A_268 = arith.cmpi sgt, %min3A_100, %gt3A_267 : i32
    %convert_element_type3A_269 = arith.extui %gt3A_268 : i1 to i32
    %cond3A_270 = arith.constant 0 : i32
    %cond3A_271 = arith.cmpi ne, %convert_element_type3A_269, %cond3A_270 : i32
    scf.if %cond3A_271 {
      %get3A_551 = arith.constant 0 : index
      %get3A_552 = arith.constant 512 : index
      %get3A_553 = vector.load %arg5[%get3A_551, %get3A_552] : memref<1024x2048xf32, #tpu.memory_space<vmem>>, vector<1024x512xf32>
      %slice3A_554 = vector.extract_strided_slice %convert_element_type3A {offsets = [0, 512], sizes = [1, 512], strides = [1, 1]} : vector<1x2048xf32> to vector<1x512xf32>
      %reduce_min3A_555 = arith.constant dense<0x7F800000> : vector<1024xf32>
      %reduce_min3A_556 = vector.multi_reduction <minimumf>, %get3A_553, %reduce_min3A_555 [1] : vector<1024x512xf32> to vector<1024xf32>
      %broadcast_in_dim3A_557 = vector.shape_cast %reduce_min3A_556 : vector<1024xf32> to vector<1024x1xf32>
      %le3A_558 = vector.broadcast %broadcast_in_dim3A_557 : vector<1024x1xf32> to vector<1024x512xf32>
      %le3A_559 = arith.cmpf ole, %get3A_553, %le3A_558 : vector<1024x512xf32>
      %jit3A_560 = arith.constant 0x4B440100 : f32
      %broadcast_in_dim3A_561 = vector.shape_cast %slice3A_554 : vector<1x512xf32> to vector<1x512xf32>
      %broadcast_in_dim3A_562 = vector.broadcast %broadcast_in_dim3A_561 : vector<1x512xf32> to vector<1024x512xf32>
      %broadcast_in_dim3A_563 = vector.broadcast %jit3A_560 : f32 to vector<1024x512xf32>
      %select_n3A_564 = arith.select %le3A_559, %broadcast_in_dim3A_562, %broadcast_in_dim3A_563 : vector<1024x512xi1>, vector<1024x512xf32>
      %reduce_min3A_565 = arith.constant dense<0x7F800000> : vector<1024xf32>
      %reduce_min3A_566 = vector.multi_reduction <minimumf>, %select_n3A_564, %reduce_min3A_565 [1] : vector<1024x512xf32> to vector<1024xf32>
      %broadcast_in_dim3A_567 = vector.shape_cast %reduce_min3A_566 : vector<1024xf32> to vector<1024x1xf32>
      %swap3A_568 = arith.constant 0 : index
      %swap3A_569 = arith.constant 9 : index
      %swap3A_570 = vector.load %arg6[%swap3A_568, %swap3A_569] : memref<1024x32xf32, #tpu.memory_space<vmem>>, vector<1024x1xf32>
      tpu.vector_store %arg6[%swap3A_568, %swap3A_569], %broadcast_in_dim3A_557 {strides = array<i32>} : memref<1024x32xf32, #tpu.memory_space<vmem>>, vector<1024x1xf32>,
      %swap3A_571 = arith.constant 0 : index
      %swap3A_572 = arith.constant 9 : index
      %swap3A_573 = vector.load %arg7[%swap3A_571, %swap3A_572] : memref<1024x32xf32, #tpu.memory_space<vmem>>, vector<1024x1xf32>
      tpu.vector_store %arg7[%swap3A_571, %swap3A_572], %broadcast_in_dim3A_567 {strides = array<i32>} : memref<1024x32xf32, #tpu.memory_space<vmem>>, vector<1024x1xf32>,
      %gt3A_574 = arith.constant 2 : i32
      %gt3A_575 = arith.cmpi sgt, %min3A_100, %gt3A_574 : i32
      %convert_element_type3A_576 = arith.extui %gt3A_575 : i1 to i32
      %cond3A_577 = arith.constant 0 : i32
      %cond3A_578 = arith.cmpi ne, %convert_element_type3A_576, %cond3A_577 : i32
      scf.if %cond3A_578 {
        %eq3A_579 = vector.broadcast %slice3A_554 : vector<1x512xf32> to vector<1024x512xf32>
        %eq3A_580 = vector.broadcast %broadcast_in_dim3A_567 : vector<1024x1xf32> to vector<1024x512xf32>
        %eq3A_581 = arith.cmpf oeq, %eq3A_579, %eq3A_580 : vector<1024x512xf32>
        %jit3A_582 = arith.constant 0x7F800000 : f32
        %broadcast_in_dim3A_583 = vector.broadcast %jit3A_582 : f32 to vector<1024x512xf32>
        %select_n3A_584 = arith.select %eq3A_581, %broadcast_in_dim3A_583, %get3A_553 : vector<1024x512xi1>, vector<1024x512xf32>
        %swap3A_585 = arith.constant 0 : index
        %swap3A_586 = arith.constant 512 : index
        %swap3A_587 = vector.load %arg5[%swap3A_585, %swap3A_586] : memref<1024x2048xf32, #tpu.memory_space<vmem>>, vector<1024x512xf32>
        tpu.vector_store %arg5[%swap3A_585, %swap3A_586], %select_n3A_584 {strides = array<i32>} : memref<1024x2048xf32, #tpu.memory_space<vmem>>, vector<1024x512xf32>,
      } else {
      }
    } else {
    }
    %gt3A_272 = arith.constant 1 : i32
    %gt3A_273 = arith.cmpi sgt, %min3A_159, %gt3A_272 : i32
    %convert_element_type3A_274 = arith.extui %gt3A_273 : i1 to i32
    %cond3A_275 = arith.constant 0 : i32
    %cond3A_276 = arith.cmpi ne, %convert_element_type3A_274, %cond3A_275 : i32
    scf.if %cond3A_276 {
      %get3A_551 = arith.constant 0 : index
      %get3A_552 = arith.constant 1024 : index
      %get3A_553 = vector.load %arg5[%get3A_551, %get3A_552] : memref<1024x2048xf32, #tpu.memory_space<vmem>>, vector<1024x512xf32>
      %slice3A_554 = vector.extract_strided_slice %convert_element_type3A {offsets = [0, 1024], sizes = [1, 512], strides = [1, 1]} : vector<1x2048xf32> to vector<1x512xf32>
      %reduce_min3A_555 = arith.constant dense<0x7F800000> : vector<1024xf32>
      %reduce_min3A_556 = vector.multi_reduction <minimumf>, %get3A_553, %reduce_min3A_555 [1] : vector<1024x512xf32> to vector<1024xf32>
      %broadcast_in_dim3A_557 = vector.shape_cast %reduce_min3A_556 : vector<1024xf32> to vector<1024x1xf32>
      %le3A_558 = vector.broadcast %broadcast_in_dim3A_557 : vector<1024x1xf32> to vector<1024x512xf32>
      %le3A_559 = arith.cmpf ole, %get3A_553, %le3A_558 : vector<1024x512xf32>
      %jit3A_560 = arith.constant 0x4B440100 : f32
      %broadcast_in_dim3A_561 = vector.shape_cast %slice3A_554 : vector<1x512xf32> to vector<1x512xf32>
      %broadcast_in_dim3A_562 = vector.broadcast %broadcast_in_dim3A_561 : vector<1x512xf32> to vector<1024x512xf32>
      %broadcast_in_dim3A_563 = vector.broadcast %jit3A_560 : f32 to vector<1024x512xf32>
      %select_n3A_564 = arith.select %le3A_559, %broadcast_in_dim3A_562, %broadcast_in_dim3A_563 : vector<1024x512xi1>, vector<1024x512xf32>
      %reduce_min3A_565 = arith.constant dense<0x7F800000> : vector<1024xf32>
      %reduce_min3A_566 = vector.multi_reduction <minimumf>, %select_n3A_564, %reduce_min3A_565 [1] : vector<1024x512xf32> to vector<1024xf32>
      %broadcast_in_dim3A_567 = vector.shape_cast %reduce_min3A_566 : vector<1024xf32> to vector<1024x1xf32>
      %swap3A_568 = arith.constant 0 : index
      %swap3A_569 = arith.constant 17 : index
      %swap3A_570 = vector.load %arg6[%swap3A_568, %swap3A_569] : memref<1024x32xf32, #tpu.memory_space<vmem>>, vector<1024x1xf32>
      tpu.vector_store %arg6[%swap3A_568, %swap3A_569], %broadcast_in_dim3A_557 {strides = array<i32>} : memref<1024x32xf32, #tpu.memory_space<vmem>>, vector<1024x1xf32>,
      %swap3A_571 = arith.constant 0 : index
      %swap3A_572 = arith.constant 17 : index
      %swap3A_573 = vector.load %arg7[%swap3A_571, %swap3A_572] : memref<1024x32xf32, #tpu.memory_space<vmem>>, vector<1024x1xf32>
      tpu.vector_store %arg7[%swap3A_571, %swap3A_572], %broadcast_in_dim3A_567 {strides = array<i32>} : memref<1024x32xf32, #tpu.memory_space<vmem>>, vector<1024x1xf32>,
      %gt3A_574 = arith.constant 2 : i32
      %gt3A_575 = arith.cmpi sgt, %min3A_159, %gt3A_574 : i32
      %convert_element_type3A_576 = arith.extui %gt3A_575 : i1 to i32
      %cond3A_577 = arith.constant 0 : i32
      %cond3A_578 = arith.cmpi ne, %convert_element_type3A_576, %cond3A_577 : i32
      scf.if %cond3A_578 {
        %eq3A_579 = vector.broadcast %slice3A_554 : vector<1x512xf32> to vector<1024x512xf32>
        %eq3A_580 = vector.broadcast %broadcast_in_dim3A_567 : vector<1024x1xf32> to vector<1024x512xf32>
        %eq3A_581 = arith.cmpf oeq, %eq3A_579, %eq3A_580 : vector<1024x512xf32>
        %jit3A_582 = arith.constant 0x7F800000 : f32
        %broadcast_in_dim3A_583 = vector.broadcast %jit3A_582 : f32 to vector<1024x512xf32>
        %select_n3A_584 = arith.select %eq3A_581, %broadcast_in_dim3A_583, %get3A_553 : vector<1024x512xi1>, vector<1024x512xf32>
        %swap3A_585 = arith.constant 0 : index
        %swap3A_586 = arith.constant 1024 : index
        %swap3A_587 = vector.load %arg5[%swap3A_585, %swap3A_586] : memref<1024x2048xf32, #tpu.memory_space<vmem>>, vector<1024x512xf32>
        tpu.vector_store %arg5[%swap3A_585, %swap3A_586], %select_n3A_584 {strides = array<i32>} : memref<1024x2048xf32, #tpu.memory_space<vmem>>, vector<1024x512xf32>,
      } else {
      }
    } else {
    }
    %gt3A_277 = arith.constant 1 : i32
    %gt3A_278 = arith.cmpi sgt, %min3A_218, %gt3A_277 : i32
    %convert_element_type3A_279 = arith.extui %gt3A_278 : i1 to i32
    %cond3A_280 = arith.constant 0 : i32
    %cond3A_281 = arith.cmpi ne, %convert_element_type3A_279, %cond3A_280 : i32
    scf.if %cond3A_281 {
      %get3A_551 = arith.constant 0 : index
      %get3A_552 = arith.constant 1536 : index
      %get3A_553 = vector.load %arg5[%get3A_551, %get3A_552] : memref<1024x2048xf32, #tpu.memory_space<vmem>>, vector<1024x512xf32>
      %slice3A_554 = vector.extract_strided_slice %convert_element_type3A {offsets = [0, 1536], sizes = [1, 512], strides = [1, 1]} : vector<1x2048xf32> to vector<1x512xf32>
      %reduce_min3A_555 = arith.constant dense<0x7F800000> : vector<1024xf32>
      %reduce_min3A_556 = vector.multi_reduction <minimumf>, %get3A_553, %reduce_min3A_555 [1] : vector<1024x512xf32> to vector<1024xf32>
      %broadcast_in_dim3A_557 = vector.shape_cast %reduce_min3A_556 : vector<1024xf32> to vector<1024x1xf32>
      %le3A_558 = vector.broadcast %broadcast_in_dim3A_557 : vector<1024x1xf32> to vector<1024x512xf32>
      %le3A_559 = arith.cmpf ole, %get3A_553, %le3A_558 : vector<1024x512xf32>
      %jit3A_560 = arith.constant 0x4B440100 : f32
      %broadcast_in_dim3A_561 = vector.shape_cast %slice3A_554 : vector<1x512xf32> to vector<1x512xf32>
      %broadcast_in_dim3A_562 = vector.broadcast %broadcast_in_dim3A_561 : vector<1x512xf32> to vector<1024x512xf32>
      %broadcast_in_dim3A_563 = vector.broadcast %jit3A_560 : f32 to vector<1024x512xf32>
      %select_n3A_564 = arith.select %le3A_559, %broadcast_in_dim3A_562, %broadcast_in_dim3A_563 : vector<1024x512xi1>, vector<1024x512xf32>
      %reduce_min3A_565 = arith.constant dense<0x7F800000> : vector<1024xf32>
      %reduce_min3A_566 = vector.multi_reduction <minimumf>, %select_n3A_564, %reduce_min3A_565 [1] : vector<1024x512xf32> to vector<1024xf32>
      %broadcast_in_dim3A_567 = vector.shape_cast %reduce_min3A_566 : vector<1024xf32> to vector<1024x1xf32>
      %swap3A_568 = arith.constant 0 : index
      %swap3A_569 = arith.constant 25 : index
      %swap3A_570 = vector.load %arg6[%swap3A_568, %swap3A_569] : memref<1024x32xf32, #tpu.memory_space<vmem>>, vector<1024x1xf32>
      tpu.vector_store %arg6[%swap3A_568, %swap3A_569], %broadcast_in_dim3A_557 {strides = array<i32>} : memref<1024x32xf32, #tpu.memory_space<vmem>>, vector<1024x1xf32>,
      %swap3A_571 = arith.constant 0 : index
      %swap3A_572 = arith.constant 25 : index
      %swap3A_573 = vector.load %arg7[%swap3A_571, %swap3A_572] : memref<1024x32xf32, #tpu.memory_space<vmem>>, vector<1024x1xf32>
      tpu.vector_store %arg7[%swap3A_571, %swap3A_572], %broadcast_in_dim3A_567 {strides = array<i32>} : memref<1024x32xf32, #tpu.memory_space<vmem>>, vector<1024x1xf32>,
      %gt3A_574 = arith.constant 2 : i32
      %gt3A_575 = arith.cmpi sgt, %min3A_218, %gt3A_574 : i32
      %convert_element_type3A_576 = arith.extui %gt3A_575 : i1 to i32
      %cond3A_577 = arith.constant 0 : i32
      %cond3A_578 = arith.cmpi ne, %convert_element_type3A_576, %cond3A_577 : i32
      scf.if %cond3A_578 {
        %eq3A_579 = vector.broadcast %slice3A_554 : vector<1x512xf32> to vector<1024x512xf32>
        %eq3A_580 = vector.broadcast %broadcast_in_dim3A_567 : vector<1024x1xf32> to vector<1024x512xf32>
        %eq3A_581 = arith.cmpf oeq, %eq3A_579, %eq3A_580 : vector<1024x512xf32>
        %jit3A_582 = arith.constant 0x7F800000 : f32
        %broadcast_in_dim3A_583 = vector.broadcast %jit3A_582 : f32 to vector<1024x512xf32>
        %select_n3A_584 = arith.select %eq3A_581, %broadcast_in_dim3A_583, %get3A_553 : vector<1024x512xi1>, vector<1024x512xf32>
        %swap3A_585 = arith.constant 0 : index
        %swap3A_586 = arith.constant 1536 : index
        %swap3A_587 = vector.load %arg5[%swap3A_585, %swap3A_586] : memref<1024x2048xf32, #tpu.memory_space<vmem>>, vector<1024x512xf32>
        tpu.vector_store %arg5[%swap3A_585, %swap3A_586], %select_n3A_584 {strides = array<i32>} : memref<1024x2048xf32, #tpu.memory_space<vmem>>, vector<1024x512xf32>,
      } else {
      }
    } else {
    }
    %gt3A_282 = arith.constant 2 : i32
    %gt3A_283 = arith.cmpi sgt, %min3A_46, %gt3A_282 : i32
    %convert_element_type3A_284 = arith.extui %gt3A_283 : i1 to i32
    %cond3A_285 = arith.constant 0 : i32
    %cond3A_286 = arith.cmpi ne, %convert_element_type3A_284, %cond3A_285 : i32
    scf.if %cond3A_286 {
      %get3A_551 = arith.constant 0 : index
      %get3A_552 = arith.constant 0 : index
      %get3A_553 = vector.load %arg5[%get3A_551, %get3A_552] : memref<1024x2048xf32, #tpu.memory_space<vmem>>, vector<1024x512xf32>
      %slice3A_554 = vector.extract_strided_slice %convert_element_type3A {offsets = [0, 0], sizes = [1, 512], strides = [1, 1]} : vector<1x2048xf32> to vector<1x512xf32>
      %reduce_min3A_555 = arith.constant dense<0x7F800000> : vector<1024xf32>
      %reduce_min3A_556 = vector.multi_reduction <minimumf>, %get3A_553, %reduce_min3A_555 [1] : vector<1024x512xf32> to vector<1024xf32>
      %broadcast_in_dim3A_557 = vector.shape_cast %reduce_min3A_556 : vector<1024xf32> to vector<1024x1xf32>
      %le3A_558 = vector.broadcast %broadcast_in_dim3A_557 : vector<1024x1xf32> to vector<1024x512xf32>
      %le3A_559 = arith.cmpf ole, %get3A_553, %le3A_558 : vector<1024x512xf32>
      %jit3A_560 = arith.constant 0x4B440100 : f32
      %broadcast_in_dim3A_561 = vector.shape_cast %slice3A_554 : vector<1x512xf32> to vector<1x512xf32>
      %broadcast_in_dim3A_562 = vector.broadcast %broadcast_in_dim3A_561 : vector<1x512xf32> to vector<1024x512xf32>
      %broadcast_in_dim3A_563 = vector.broadcast %jit3A_560 : f32 to vector<1024x512xf32>
      %select_n3A_564 = arith.select %le3A_559, %broadcast_in_dim3A_562, %broadcast_in_dim3A_563 : vector<1024x512xi1>, vector<1024x512xf32>
      %reduce_min3A_565 = arith.constant dense<0x7F800000> : vector<1024xf32>
      %reduce_min3A_566 = vector.multi_reduction <minimumf>, %select_n3A_564, %reduce_min3A_565 [1] : vector<1024x512xf32> to vector<1024xf32>
      %broadcast_in_dim3A_567 = vector.shape_cast %reduce_min3A_566 : vector<1024xf32> to vector<1024x1xf32>
      %swap3A_568 = arith.constant 0 : index
      %swap3A_569 = arith.constant 2 : index
      %swap3A_570 = vector.load %arg6[%swap3A_568, %swap3A_569] : memref<1024x32xf32, #tpu.memory_space<vmem>>, vector<1024x1xf32>
      tpu.vector_store %arg6[%swap3A_568, %swap3A_569], %broadcast_in_dim3A_557 {strides = array<i32>} : memref<1024x32xf32, #tpu.memory_space<vmem>>, vector<1024x1xf32>,
      %swap3A_571 = arith.constant 0 : index
      %swap3A_572 = arith.constant 2 : index
      %swap3A_573 = vector.load %arg7[%swap3A_571, %swap3A_572] : memref<1024x32xf32, #tpu.memory_space<vmem>>, vector<1024x1xf32>
      tpu.vector_store %arg7[%swap3A_571, %swap3A_572], %broadcast_in_dim3A_567 {strides = array<i32>} : memref<1024x32xf32, #tpu.memory_space<vmem>>, vector<1024x1xf32>,
      %gt3A_574 = arith.constant 3 : i32
      %gt3A_575 = arith.cmpi sgt, %min3A_46, %gt3A_574 : i32
      %convert_element_type3A_576 = arith.extui %gt3A_575 : i1 to i32
      %cond3A_577 = arith.constant 0 : i32
      %cond3A_578 = arith.cmpi ne, %convert_element_type3A_576, %cond3A_577 : i32
      scf.if %cond3A_578 {
        %eq3A_579 = vector.broadcast %slice3A_554 : vector<1x512xf32> to vector<1024x512xf32>
        %eq3A_580 = vector.broadcast %broadcast_in_dim3A_567 : vector<1024x1xf32> to vector<1024x512xf32>
        %eq3A_581 = arith.cmpf oeq, %eq3A_579, %eq3A_580 : vector<1024x512xf32>
        %jit3A_582 = arith.constant 0x7F800000 : f32
        %broadcast_in_dim3A_583 = vector.broadcast %jit3A_582 : f32 to vector<1024x512xf32>
        %select_n3A_584 = arith.select %eq3A_581, %broadcast_in_dim3A_583, %get3A_553 : vector<1024x512xi1>, vector<1024x512xf32>
        %swap3A_585 = arith.constant 0 : index
        %swap3A_586 = arith.constant 0 : index
        %swap3A_587 = vector.load %arg5[%swap3A_585, %swap3A_586] : memref<1024x2048xf32, #tpu.memory_space<vmem>>, vector<1024x512xf32>
        tpu.vector_store %arg5[%swap3A_585, %swap3A_586], %select_n3A_584 {strides = array<i32>} : memref<1024x2048xf32, #tpu.memory_space<vmem>>, vector<1024x512xf32>,
      } else {
      }
    } else {
    }
    %gt3A_287 = arith.constant 2 : i32
    %gt3A_288 = arith.cmpi sgt, %min3A_100, %gt3A_287 : i32
    %convert_element_type3A_289 = arith.extui %gt3A_288 : i1 to i32
    %cond3A_290 = arith.constant 0 : i32
    %cond3A_291 = arith.cmpi ne, %convert_element_type3A_289, %cond3A_290 : i32
    scf.if %cond3A_291 {
      %get3A_551 = arith.constant 0 : index
      %get3A_552 = arith.constant 512 : index
      %get3A_553 = vector.load %arg5[%get3A_551, %get3A_552] : memref<1024x2048xf32, #tpu.memory_space<vmem>>, vector<1024x512xf32>
      %slice3A_554 = vector.extract_strided_slice %convert_element_type3A {offsets = [0, 512], sizes = [1, 512], strides = [1, 1]} : vector<1x2048xf32> to vector<1x512xf32>
      %reduce_min3A_555 = arith.constant dense<0x7F800000> : vector<1024xf32>
      %reduce_min3A_556 = vector.multi_reduction <minimumf>, %get3A_553, %reduce_min3A_555 [1] : vector<1024x512xf32> to vector<1024xf32>
      %broadcast_in_dim3A_557 = vector.shape_cast %reduce_min3A_556 : vector<1024xf32> to vector<1024x1xf32>
      %le3A_558 = vector.broadcast %broadcast_in_dim3A_557 : vector<1024x1xf32> to vector<1024x512xf32>
      %le3A_559 = arith.cmpf ole, %get3A_553, %le3A_558 : vector<1024x512xf32>
      %jit3A_560 = arith.constant 0x4B440100 : f32
      %broadcast_in_dim3A_561 = vector.shape_cast %slice3A_554 : vector<1x512xf32> to vector<1x512xf32>
      %broadcast_in_dim3A_562 = vector.broadcast %broadcast_in_dim3A_561 : vector<1x512xf32> to vector<1024x512xf32>
      %broadcast_in_dim3A_563 = vector.broadcast %jit3A_560 : f32 to vector<1024x512xf32>
      %select_n3A_564 = arith.select %le3A_559, %broadcast_in_dim3A_562, %broadcast_in_dim3A_563 : vector<1024x512xi1>, vector<1024x512xf32>
      %reduce_min3A_565 = arith.constant dense<0x7F800000> : vector<1024xf32>
      %reduce_min3A_566 = vector.multi_reduction <minimumf>, %select_n3A_564, %reduce_min3A_565 [1] : vector<1024x512xf32> to vector<1024xf32>
      %broadcast_in_dim3A_567 = vector.shape_cast %reduce_min3A_566 : vector<1024xf32> to vector<1024x1xf32>
      %swap3A_568 = arith.constant 0 : index
      %swap3A_569 = arith.constant 10 : index
      %swap3A_570 = vector.load %arg6[%swap3A_568, %swap3A_569] : memref<1024x32xf32, #tpu.memory_space<vmem>>, vector<1024x1xf32>
      tpu.vector_store %arg6[%swap3A_568, %swap3A_569], %broadcast_in_dim3A_557 {strides = array<i32>} : memref<1024x32xf32, #tpu.memory_space<vmem>>, vector<1024x1xf32>,
      %swap3A_571 = arith.constant 0 : index
      %swap3A_572 = arith.constant 10 : index
      %swap3A_573 = vector.load %arg7[%swap3A_571, %swap3A_572] : memref<1024x32xf32, #tpu.memory_space<vmem>>, vector<1024x1xf32>
      tpu.vector_store %arg7[%swap3A_571, %swap3A_572], %broadcast_in_dim3A_567 {strides = array<i32>} : memref<1024x32xf32, #tpu.memory_space<vmem>>, vector<1024x1xf32>,
      %gt3A_574 = arith.constant 3 : i32
      %gt3A_575 = arith.cmpi sgt, %min3A_100, %gt3A_574 : i32
      %convert_element_type3A_576 = arith.extui %gt3A_575 : i1 to i32
      %cond3A_577 = arith.constant 0 : i32
      %cond3A_578 = arith.cmpi ne, %convert_element_type3A_576, %cond3A_577 : i32
      scf.if %cond3A_578 {
        %eq3A_579 = vector.broadcast %slice3A_554 : vector<1x512xf32> to vector<1024x512xf32>
        %eq3A_580 = vector.broadcast %broadcast_in_dim3A_567 : vector<1024x1xf32> to vector<1024x512xf32>
        %eq3A_581 = arith.cmpf oeq, %eq3A_579, %eq3A_580 : vector<1024x512xf32>
        %jit3A_582 = arith.constant 0x7F800000 : f32
        %broadcast_in_dim3A_583 = vector.broadcast %jit3A_582 : f32 to vector<1024x512xf32>
        %select_n3A_584 = arith.select %eq3A_581, %broadcast_in_dim3A_583, %get3A_553 : vector<1024x512xi1>, vector<1024x512xf32>
        %swap3A_585 = arith.constant 0 : index
        %swap3A_586 = arith.constant 512 : index
        %swap3A_587 = vector.load %arg5[%swap3A_585, %swap3A_586] : memref<1024x2048xf32, #tpu.memory_space<vmem>>, vector<1024x512xf32>
        tpu.vector_store %arg5[%swap3A_585, %swap3A_586], %select_n3A_584 {strides = array<i32>} : memref<1024x2048xf32, #tpu.memory_space<vmem>>, vector<1024x512xf32>,
      } else {
      }
    } else {
    }
    %gt3A_292 = arith.constant 2 : i32
    %gt3A_293 = arith.cmpi sgt, %min3A_159, %gt3A_292 : i32
    %convert_element_type3A_294 = arith.extui %gt3A_293 : i1 to i32
    %cond3A_295 = arith.constant 0 : i32
    %cond3A_296 = arith.cmpi ne, %convert_element_type3A_294, %cond3A_295 : i32
    scf.if %cond3A_296 {
      %get3A_551 = arith.constant 0 : index
      %get3A_552 = arith.constant 1024 : index
      %get3A_553 = vector.load %arg5[%get3A_551, %get3A_552] : memref<1024x2048xf32, #tpu.memory_space<vmem>>, vector<1024x512xf32>
      %slice3A_554 = vector.extract_strided_slice %convert_element_type3A {offsets = [0, 1024], sizes = [1, 512], strides = [1, 1]} : vector<1x2048xf32> to vector<1x512xf32>
      %reduce_min3A_555 = arith.constant dense<0x7F800000> : vector<1024xf32>
      %reduce_min3A_556 = vector.multi_reduction <minimumf>, %get3A_553, %reduce_min3A_555 [1] : vector<1024x512xf32> to vector<1024xf32>
      %broadcast_in_dim3A_557 = vector.shape_cast %reduce_min3A_556 : vector<1024xf32> to vector<1024x1xf32>
      %le3A_558 = vector.broadcast %broadcast_in_dim3A_557 : vector<1024x1xf32> to vector<1024x512xf32>
      %le3A_559 = arith.cmpf ole, %get3A_553, %le3A_558 : vector<1024x512xf32>
      %jit3A_560 = arith.constant 0x4B440100 : f32
      %broadcast_in_dim3A_561 = vector.shape_cast %slice3A_554 : vector<1x512xf32> to vector<1x512xf32>
      %broadcast_in_dim3A_562 = vector.broadcast %broadcast_in_dim3A_561 : vector<1x512xf32> to vector<1024x512xf32>
      %broadcast_in_dim3A_563 = vector.broadcast %jit3A_560 : f32 to vector<1024x512xf32>
      %select_n3A_564 = arith.select %le3A_559, %broadcast_in_dim3A_562, %broadcast_in_dim3A_563 : vector<1024x512xi1>, vector<1024x512xf32>
      %reduce_min3A_565 = arith.constant dense<0x7F800000> : vector<1024xf32>
      %reduce_min3A_566 = vector.multi_reduction <minimumf>, %select_n3A_564, %reduce_min3A_565 [1] : vector<1024x512xf32> to vector<1024xf32>
      %broadcast_in_dim3A_567 = vector.shape_cast %reduce_min3A_566 : vector<1024xf32> to vector<1024x1xf32>
      %swap3A_568 = arith.constant 0 : index
      %swap3A_569 = arith.constant 18 : index
      %swap3A_570 = vector.load %arg6[%swap3A_568, %swap3A_569] : memref<1024x32xf32, #tpu.memory_space<vmem>>, vector<1024x1xf32>
      tpu.vector_store %arg6[%swap3A_568, %swap3A_569], %broadcast_in_dim3A_557 {strides = array<i32>} : memref<1024x32xf32, #tpu.memory_space<vmem>>, vector<1024x1xf32>,
      %swap3A_571 = arith.constant 0 : index
      %swap3A_572 = arith.constant 18 : index
      %swap3A_573 = vector.load %arg7[%swap3A_571, %swap3A_572] : memref<1024x32xf32, #tpu.memory_space<vmem>>, vector<1024x1xf32>
      tpu.vector_store %arg7[%swap3A_571, %swap3A_572], %broadcast_in_dim3A_567 {strides = array<i32>} : memref<1024x32xf32, #tpu.memory_space<vmem>>, vector<1024x1xf32>,
      %gt3A_574 = arith.constant 3 : i32
      %gt3A_575 = arith.cmpi sgt, %min3A_159, %gt3A_574 : i32
      %convert_element_type3A_576 = arith.extui %gt3A_575 : i1 to i32
      %cond3A_577 = arith.constant 0 : i32
      %cond3A_578 = arith.cmpi ne, %convert_element_type3A_576, %cond3A_577 : i32
      scf.if %cond3A_578 {
        %eq3A_579 = vector.broadcast %slice3A_554 : vector<1x512xf32> to vector<1024x512xf32>
        %eq3A_580 = vector.broadcast %broadcast_in_dim3A_567 : vector<1024x1xf32> to vector<1024x512xf32>
        %eq3A_581 = arith.cmpf oeq, %eq3A_579, %eq3A_580 : vector<1024x512xf32>
        %jit3A_582 = arith.constant 0x7F800000 : f32
        %broadcast_in_dim3A_583 = vector.broadcast %jit3A_582 : f32 to vector<1024x512xf32>
        %select_n3A_584 = arith.select %eq3A_581, %broadcast_in_dim3A_583, %get3A_553 : vector<1024x512xi1>, vector<1024x512xf32>
        %swap3A_585 = arith.constant 0 : index
        %swap3A_586 = arith.constant 1024 : index
        %swap3A_587 = vector.load %arg5[%swap3A_585, %swap3A_586] : memref<1024x2048xf32, #tpu.memory_space<vmem>>, vector<1024x512xf32>
        tpu.vector_store %arg5[%swap3A_585, %swap3A_586], %select_n3A_584 {strides = array<i32>} : memref<1024x2048xf32, #tpu.memory_space<vmem>>, vector<1024x512xf32>,
      } else {
      }
    } else {
    }
    %gt3A_297 = arith.constant 2 : i32
    %gt3A_298 = arith.cmpi sgt, %min3A_218, %gt3A_297 : i32
    %convert_element_type3A_299 = arith.extui %gt3A_298 : i1 to i32
    %cond3A_300 = arith.constant 0 : i32
    %cond3A_301 = arith.cmpi ne, %convert_element_type3A_299, %cond3A_300 : i32
    scf.if %cond3A_301 {
      %get3A_551 = arith.constant 0 : index
      %get3A_552 = arith.constant 1536 : index
      %get3A_553 = vector.load %arg5[%get3A_551, %get3A_552] : memref<1024x2048xf32, #tpu.memory_space<vmem>>, vector<1024x512xf32>
      %slice3A_554 = vector.extract_strided_slice %convert_element_type3A {offsets = [0, 1536], sizes = [1, 512], strides = [1, 1]} : vector<1x2048xf32> to vector<1x512xf32>
      %reduce_min3A_555 = arith.constant dense<0x7F800000> : vector<1024xf32>
      %reduce_min3A_556 = vector.multi_reduction <minimumf>, %get3A_553, %reduce_min3A_555 [1] : vector<1024x512xf32> to vector<1024xf32>
      %broadcast_in_dim3A_557 = vector.shape_cast %reduce_min3A_556 : vector<1024xf32> to vector<1024x1xf32>
      %le3A_558 = vector.broadcast %broadcast_in_dim3A_557 : vector<1024x1xf32> to vector<1024x512xf32>
      %le3A_559 = arith.cmpf ole, %get3A_553, %le3A_558 : vector<1024x512xf32>
      %jit3A_560 = arith.constant 0x4B440100 : f32
      %broadcast_in_dim3A_561 = vector.shape_cast %slice3A_554 : vector<1x512xf32> to vector<1x512xf32>
      %broadcast_in_dim3A_562 = vector.broadcast %broadcast_in_dim3A_561 : vector<1x512xf32> to vector<1024x512xf32>
      %broadcast_in_dim3A_563 = vector.broadcast %jit3A_560 : f32 to vector<1024x512xf32>
      %select_n3A_564 = arith.select %le3A_559, %broadcast_in_dim3A_562, %broadcast_in_dim3A_563 : vector<1024x512xi1>, vector<1024x512xf32>
      %reduce_min3A_565 = arith.constant dense<0x7F800000> : vector<1024xf32>
      %reduce_min3A_566 = vector.multi_reduction <minimumf>, %select_n3A_564, %reduce_min3A_565 [1] : vector<1024x512xf32> to vector<1024xf32>
      %broadcast_in_dim3A_567 = vector.shape_cast %reduce_min3A_566 : vector<1024xf32> to vector<1024x1xf32>
      %swap3A_568 = arith.constant 0 : index
      %swap3A_569 = arith.constant 26 : index
      %swap3A_570 = vector.load %arg6[%swap3A_568, %swap3A_569] : memref<1024x32xf32, #tpu.memory_space<vmem>>, vector<1024x1xf32>
      tpu.vector_store %arg6[%swap3A_568, %swap3A_569], %broadcast_in_dim3A_557 {strides = array<i32>} : memref<1024x32xf32, #tpu.memory_space<vmem>>, vector<1024x1xf32>,
      %swap3A_571 = arith.constant 0 : index
      %swap3A_572 = arith.constant 26 : index
      %swap3A_573 = vector.load %arg7[%swap3A_571, %swap3A_572] : memref<1024x32xf32, #tpu.memory_space<vmem>>, vector<1024x1xf32>
      tpu.vector_store %arg7[%swap3A_571, %swap3A_572], %broadcast_in_dim3A_567 {strides = array<i32>} : memref<1024x32xf32, #tpu.memory_space<vmem>>, vector<1024x1xf32>,
      %gt3A_574 = arith.constant 3 : i32
      %gt3A_575 = arith.cmpi sgt, %min3A_218, %gt3A_574 : i32
      %convert_element_type3A_576 = arith.extui %gt3A_575 : i1 to i32
      %cond3A_577 = arith.constant 0 : i32
      %cond3A_578 = arith.cmpi ne, %convert_element_type3A_576, %cond3A_577 : i32
      scf.if %cond3A_578 {
        %eq3A_579 = vector.broadcast %slice3A_554 : vector<1x512xf32> to vector<1024x512xf32>
        %eq3A_580 = vector.broadcast %broadcast_in_dim3A_567 : vector<1024x1xf32> to vector<1024x512xf32>
        %eq3A_581 = arith.cmpf oeq, %eq3A_579, %eq3A_580 : vector<1024x512xf32>
        %jit3A_582 = arith.constant 0x7F800000 : f32
        %broadcast_in_dim3A_583 = vector.broadcast %jit3A_582 : f32 to vector<1024x512xf32>
        %select_n3A_584 = arith.select %eq3A_581, %broadcast_in_dim3A_583, %get3A_553 : vector<1024x512xi1>, vector<1024x512xf32>
        %swap3A_585 = arith.constant 0 : index
        %swap3A_586 = arith.constant 1536 : index
        %swap3A_587 = vector.load %arg5[%swap3A_585, %swap3A_586] : memref<1024x2048xf32, #tpu.memory_space<vmem>>, vector<1024x512xf32>
        tpu.vector_store %arg5[%swap3A_585, %swap3A_586], %select_n3A_584 {strides = array<i32>} : memref<1024x2048xf32, #tpu.memory_space<vmem>>, vector<1024x512xf32>,
      } else {
      }
    } else {
    }
    %gt3A_302 = arith.constant 3 : i32
    %gt3A_303 = arith.cmpi sgt, %min3A_46, %gt3A_302 : i32
    %convert_element_type3A_304 = arith.extui %gt3A_303 : i1 to i32
    %cond3A_305 = arith.constant 0 : i32
    %cond3A_306 = arith.cmpi ne, %convert_element_type3A_304, %cond3A_305 : i32
    scf.if %cond3A_306 {
      %get3A_551 = arith.constant 0 : index
      %get3A_552 = arith.constant 0 : index
      %get3A_553 = vector.load %arg5[%get3A_551, %get3A_552] : memref<1024x2048xf32, #tpu.memory_space<vmem>>, vector<1024x512xf32>
      %slice3A_554 = vector.extract_strided_slice %convert_element_type3A {offsets = [0, 0], sizes = [1, 512], strides = [1, 1]} : vector<1x2048xf32> to vector<1x512xf32>
      %reduce_min3A_555 = arith.constant dense<0x7F800000> : vector<1024xf32>
      %reduce_min3A_556 = vector.multi_reduction <minimumf>, %get3A_553, %reduce_min3A_555 [1] : vector<1024x512xf32> to vector<1024xf32>
      %broadcast_in_dim3A_557 = vector.shape_cast %reduce_min3A_556 : vector<1024xf32> to vector<1024x1xf32>
      %le3A_558 = vector.broadcast %broadcast_in_dim3A_557 : vector<1024x1xf32> to vector<1024x512xf32>
      %le3A_559 = arith.cmpf ole, %get3A_553, %le3A_558 : vector<1024x512xf32>
      %jit3A_560 = arith.constant 0x4B440100 : f32
      %broadcast_in_dim3A_561 = vector.shape_cast %slice3A_554 : vector<1x512xf32> to vector<1x512xf32>
      %broadcast_in_dim3A_562 = vector.broadcast %broadcast_in_dim3A_561 : vector<1x512xf32> to vector<1024x512xf32>
      %broadcast_in_dim3A_563 = vector.broadcast %jit3A_560 : f32 to vector<1024x512xf32>
      %select_n3A_564 = arith.select %le3A_559, %broadcast_in_dim3A_562, %broadcast_in_dim3A_563 : vector<1024x512xi1>, vector<1024x512xf32>
      %reduce_min3A_565 = arith.constant dense<0x7F800000> : vector<1024xf32>
      %reduce_min3A_566 = vector.multi_reduction <minimumf>, %select_n3A_564, %reduce_min3A_565 [1] : vector<1024x512xf32> to vector<1024xf32>
      %broadcast_in_dim3A_567 = vector.shape_cast %reduce_min3A_566 : vector<1024xf32> to vector<1024x1xf32>
      %swap3A_568 = arith.constant 0 : index
      %swap3A_569 = arith.constant 3 : index
      %swap3A_570 = vector.load %arg6[%swap3A_568, %swap3A_569] : memref<1024x32xf32, #tpu.memory_space<vmem>>, vector<1024x1xf32>
      tpu.vector_store %arg6[%swap3A_568, %swap3A_569], %broadcast_in_dim3A_557 {strides = array<i32>} : memref<1024x32xf32, #tpu.memory_space<vmem>>, vector<1024x1xf32>,
      %swap3A_571 = arith.constant 0 : index
      %swap3A_572 = arith.constant 3 : index
      %swap3A_573 = vector.load %arg7[%swap3A_571, %swap3A_572] : memref<1024x32xf32, #tpu.memory_space<vmem>>, vector<1024x1xf32>
      tpu.vector_store %arg7[%swap3A_571, %swap3A_572], %broadcast_in_dim3A_567 {strides = array<i32>} : memref<1024x32xf32, #tpu.memory_space<vmem>>, vector<1024x1xf32>,
      %gt3A_574 = arith.constant 4 : i32
      %gt3A_575 = arith.cmpi sgt, %min3A_46, %gt3A_574 : i32
      %convert_element_type3A_576 = arith.extui %gt3A_575 : i1 to i32
      %cond3A_577 = arith.constant 0 : i32
      %cond3A_578 = arith.cmpi ne, %convert_element_type3A_576, %cond3A_577 : i32
      scf.if %cond3A_578 {
        %eq3A_579 = vector.broadcast %slice3A_554 : vector<1x512xf32> to vector<1024x512xf32>
        %eq3A_580 = vector.broadcast %broadcast_in_dim3A_567 : vector<1024x1xf32> to vector<1024x512xf32>
        %eq3A_581 = arith.cmpf oeq, %eq3A_579, %eq3A_580 : vector<1024x512xf32>
        %jit3A_582 = arith.constant 0x7F800000 : f32
        %broadcast_in_dim3A_583 = vector.broadcast %jit3A_582 : f32 to vector<1024x512xf32>
        %select_n3A_584 = arith.select %eq3A_581, %broadcast_in_dim3A_583, %get3A_553 : vector<1024x512xi1>, vector<1024x512xf32>
        %swap3A_585 = arith.constant 0 : index
        %swap3A_586 = arith.constant 0 : index
        %swap3A_587 = vector.load %arg5[%swap3A_585, %swap3A_586] : memref<1024x2048xf32, #tpu.memory_space<vmem>>, vector<1024x512xf32>
        tpu.vector_store %arg5[%swap3A_585, %swap3A_586], %select_n3A_584 {strides = array<i32>} : memref<1024x2048xf32, #tpu.memory_space<vmem>>, vector<1024x512xf32>,
      } else {
      }
    } else {
    }
    %gt3A_307 = arith.constant 3 : i32
    %gt3A_308 = arith.cmpi sgt, %min3A_100, %gt3A_307 : i32
    %convert_element_type3A_309 = arith.extui %gt3A_308 : i1 to i32
    %cond3A_310 = arith.constant 0 : i32
    %cond3A_311 = arith.cmpi ne, %convert_element_type3A_309, %cond3A_310 : i32
    scf.if %cond3A_311 {
      %get3A_551 = arith.constant 0 : index
      %get3A_552 = arith.constant 512 : index
      %get3A_553 = vector.load %arg5[%get3A_551, %get3A_552] : memref<1024x2048xf32, #tpu.memory_space<vmem>>, vector<1024x512xf32>
      %slice3A_554 = vector.extract_strided_slice %convert_element_type3A {offsets = [0, 512], sizes = [1, 512], strides = [1, 1]} : vector<1x2048xf32> to vector<1x512xf32>
      %reduce_min3A_555 = arith.constant dense<0x7F800000> : vector<1024xf32>
      %reduce_min3A_556 = vector.multi_reduction <minimumf>, %get3A_553, %reduce_min3A_555 [1] : vector<1024x512xf32> to vector<1024xf32>
      %broadcast_in_dim3A_557 = vector.shape_cast %reduce_min3A_556 : vector<1024xf32> to vector<1024x1xf32>
      %le3A_558 = vector.broadcast %broadcast_in_dim3A_557 : vector<1024x1xf32> to vector<1024x512xf32>
      %le3A_559 = arith.cmpf ole, %get3A_553, %le3A_558 : vector<1024x512xf32>
      %jit3A_560 = arith.constant 0x4B440100 : f32
      %broadcast_in_dim3A_561 = vector.shape_cast %slice3A_554 : vector<1x512xf32> to vector<1x512xf32>
      %broadcast_in_dim3A_562 = vector.broadcast %broadcast_in_dim3A_561 : vector<1x512xf32> to vector<1024x512xf32>
      %broadcast_in_dim3A_563 = vector.broadcast %jit3A_560 : f32 to vector<1024x512xf32>
      %select_n3A_564 = arith.select %le3A_559, %broadcast_in_dim3A_562, %broadcast_in_dim3A_563 : vector<1024x512xi1>, vector<1024x512xf32>
      %reduce_min3A_565 = arith.constant dense<0x7F800000> : vector<1024xf32>
      %reduce_min3A_566 = vector.multi_reduction <minimumf>, %select_n3A_564, %reduce_min3A_565 [1] : vector<1024x512xf32> to vector<1024xf32>
      %broadcast_in_dim3A_567 = vector.shape_cast %reduce_min3A_566 : vector<1024xf32> to vector<1024x1xf32>
      %swap3A_568 = arith.constant 0 : index
      %swap3A_569 = arith.constant 11 : index
      %swap3A_570 = vector.load %arg6[%swap3A_568, %swap3A_569] : memref<1024x32xf32, #tpu.memory_space<vmem>>, vector<1024x1xf32>
      tpu.vector_store %arg6[%swap3A_568, %swap3A_569], %broadcast_in_dim3A_557 {strides = array<i32>} : memref<1024x32xf32, #tpu.memory_space<vmem>>, vector<1024x1xf32>,
      %swap3A_571 = arith.constant 0 : index
      %swap3A_572 = arith.constant 11 : index
      %swap3A_573 = vector.load %arg7[%swap3A_571, %swap3A_572] : memref<1024x32xf32, #tpu.memory_space<vmem>>, vector<1024x1xf32>
      tpu.vector_store %arg7[%swap3A_571, %swap3A_572], %broadcast_in_dim3A_567 {strides = array<i32>} : memref<1024x32xf32, #tpu.memory_space<vmem>>, vector<1024x1xf32>,
      %gt3A_574 = arith.constant 4 : i32
      %gt3A_575 = arith.cmpi sgt, %min3A_100, %gt3A_574 : i32
      %convert_element_type3A_576 = arith.extui %gt3A_575 : i1 to i32
      %cond3A_577 = arith.constant 0 : i32
      %cond3A_578 = arith.cmpi ne, %convert_element_type3A_576, %cond3A_577 : i32
      scf.if %cond3A_578 {
        %eq3A_579 = vector.broadcast %slice3A_554 : vector<1x512xf32> to vector<1024x512xf32>
        %eq3A_580 = vector.broadcast %broadcast_in_dim3A_567 : vector<1024x1xf32> to vector<1024x512xf32>
        %eq3A_581 = arith.cmpf oeq, %eq3A_579, %eq3A_580 : vector<1024x512xf32>
        %jit3A_582 = arith.constant 0x7F800000 : f32
        %broadcast_in_dim3A_583 = vector.broadcast %jit3A_582 : f32 to vector<1024x512xf32>
        %select_n3A_584 = arith.select %eq3A_581, %broadcast_in_dim3A_583, %get3A_553 : vector<1024x512xi1>, vector<1024x512xf32>
        %swap3A_585 = arith.constant 0 : index
        %swap3A_586 = arith.constant 512 : index
        %swap3A_587 = vector.load %arg5[%swap3A_585, %swap3A_586] : memref<1024x2048xf32, #tpu.memory_space<vmem>>, vector<1024x512xf32>
        tpu.vector_store %arg5[%swap3A_585, %swap3A_586], %select_n3A_584 {strides = array<i32>} : memref<1024x2048xf32, #tpu.memory_space<vmem>>, vector<1024x512xf32>,
      } else {
      }
    } else {
    }
    %gt3A_312 = arith.constant 3 : i32
    %gt3A_313 = arith.cmpi sgt, %min3A_159, %gt3A_312 : i32
    %convert_element_type3A_314 = arith.extui %gt3A_313 : i1 to i32
    %cond3A_315 = arith.constant 0 : i32
    %cond3A_316 = arith.cmpi ne, %convert_element_type3A_314, %cond3A_315 : i32
    scf.if %cond3A_316 {
      %get3A_551 = arith.constant 0 : index
      %get3A_552 = arith.constant 1024 : index
      %get3A_553 = vector.load %arg5[%get3A_551, %get3A_552] : memref<1024x2048xf32, #tpu.memory_space<vmem>>, vector<1024x512xf32>
      %slice3A_554 = vector.extract_strided_slice %convert_element_type3A {offsets = [0, 1024], sizes = [1, 512], strides = [1, 1]} : vector<1x2048xf32> to vector<1x512xf32>
      %reduce_min3A_555 = arith.constant dense<0x7F800000> : vector<1024xf32>
      %reduce_min3A_556 = vector.multi_reduction <minimumf>, %get3A_553, %reduce_min3A_555 [1] : vector<1024x512xf32> to vector<1024xf32>
      %broadcast_in_dim3A_557 = vector.shape_cast %reduce_min3A_556 : vector<1024xf32> to vector<1024x1xf32>
      %le3A_558 = vector.broadcast %broadcast_in_dim3A_557 : vector<1024x1xf32> to vector<1024x512xf32>
      %le3A_559 = arith.cmpf ole, %get3A_553, %le3A_558 : vector<1024x512xf32>
      %jit3A_560 = arith.constant 0x4B440100 : f32
      %broadcast_in_dim3A_561 = vector.shape_cast %slice3A_554 : vector<1x512xf32> to vector<1x512xf32>
      %broadcast_in_dim3A_562 = vector.broadcast %broadcast_in_dim3A_561 : vector<1x512xf32> to vector<1024x512xf32>
      %broadcast_in_dim3A_563 = vector.broadcast %jit3A_560 : f32 to vector<1024x512xf32>
      %select_n3A_564 = arith.select %le3A_559, %broadcast_in_dim3A_562, %broadcast_in_dim3A_563 : vector<1024x512xi1>, vector<1024x512xf32>
      %reduce_min3A_565 = arith.constant dense<0x7F800000> : vector<1024xf32>
      %reduce_min3A_566 = vector.multi_reduction <minimumf>, %select_n3A_564, %reduce_min3A_565 [1] : vector<1024x512xf32> to vector<1024xf32>
      %broadcast_in_dim3A_567 = vector.shape_cast %reduce_min3A_566 : vector<1024xf32> to vector<1024x1xf32>
      %swap3A_568 = arith.constant 0 : index
      %swap3A_569 = arith.constant 19 : index
      %swap3A_570 = vector.load %arg6[%swap3A_568, %swap3A_569] : memref<1024x32xf32, #tpu.memory_space<vmem>>, vector<1024x1xf32>
      tpu.vector_store %arg6[%swap3A_568, %swap3A_569], %broadcast_in_dim3A_557 {strides = array<i32>} : memref<1024x32xf32, #tpu.memory_space<vmem>>, vector<1024x1xf32>,
      %swap3A_571 = arith.constant 0 : index
      %swap3A_572 = arith.constant 19 : index
      %swap3A_573 = vector.load %arg7[%swap3A_571, %swap3A_572] : memref<1024x32xf32, #tpu.memory_space<vmem>>, vector<1024x1xf32>
      tpu.vector_store %arg7[%swap3A_571, %swap3A_572], %broadcast_in_dim3A_567 {strides = array<i32>} : memref<1024x32xf32, #tpu.memory_space<vmem>>, vector<1024x1xf32>,
      %gt3A_574 = arith.constant 4 : i32
      %gt3A_575 = arith.cmpi sgt, %min3A_159, %gt3A_574 : i32
      %convert_element_type3A_576 = arith.extui %gt3A_575 : i1 to i32
      %cond3A_577 = arith.constant 0 : i32
      %cond3A_578 = arith.cmpi ne, %convert_element_type3A_576, %cond3A_577 : i32
      scf.if %cond3A_578 {
        %eq3A_579 = vector.broadcast %slice3A_554 : vector<1x512xf32> to vector<1024x512xf32>
        %eq3A_580 = vector.broadcast %broadcast_in_dim3A_567 : vector<1024x1xf32> to vector<1024x512xf32>
        %eq3A_581 = arith.cmpf oeq, %eq3A_579, %eq3A_580 : vector<1024x512xf32>
        %jit3A_582 = arith.constant 0x7F800000 : f32
        %broadcast_in_dim3A_583 = vector.broadcast %jit3A_582 : f32 to vector<1024x512xf32>
        %select_n3A_584 = arith.select %eq3A_581, %broadcast_in_dim3A_583, %get3A_553 : vector<1024x512xi1>, vector<1024x512xf32>
        %swap3A_585 = arith.constant 0 : index
        %swap3A_586 = arith.constant 1024 : index
        %swap3A_587 = vector.load %arg5[%swap3A_585, %swap3A_586] : memref<1024x2048xf32, #tpu.memory_space<vmem>>, vector<1024x512xf32>
        tpu.vector_store %arg5[%swap3A_585, %swap3A_586], %select_n3A_584 {strides = array<i32>} : memref<1024x2048xf32, #tpu.memory_space<vmem>>, vector<1024x512xf32>,
      } else {
      }
    } else {
    }
    %gt3A_317 = arith.constant 3 : i32
    %gt3A_318 = arith.cmpi sgt, %min3A_218, %gt3A_317 : i32
    %convert_element_type3A_319 = arith.extui %gt3A_318 : i1 to i32
    %cond3A_320 = arith.constant 0 : i32
    %cond3A_321 = arith.cmpi ne, %convert_element_type3A_319, %cond3A_320 : i32
    scf.if %cond3A_321 {
      %get3A_551 = arith.constant 0 : index
      %get3A_552 = arith.constant 1536 : index
      %get3A_553 = vector.load %arg5[%get3A_551, %get3A_552] : memref<1024x2048xf32, #tpu.memory_space<vmem>>, vector<1024x512xf32>
      %slice3A_554 = vector.extract_strided_slice %convert_element_type3A {offsets = [0, 1536], sizes = [1, 512], strides = [1, 1]} : vector<1x2048xf32> to vector<1x512xf32>
      %reduce_min3A_555 = arith.constant dense<0x7F800000> : vector<1024xf32>
      %reduce_min3A_556 = vector.multi_reduction <minimumf>, %get3A_553, %reduce_min3A_555 [1] : vector<1024x512xf32> to vector<1024xf32>
      %broadcast_in_dim3A_557 = vector.shape_cast %reduce_min3A_556 : vector<1024xf32> to vector<1024x1xf32>
      %le3A_558 = vector.broadcast %broadcast_in_dim3A_557 : vector<1024x1xf32> to vector<1024x512xf32>
      %le3A_559 = arith.cmpf ole, %get3A_553, %le3A_558 : vector<1024x512xf32>
      %jit3A_560 = arith.constant 0x4B440100 : f32
      %broadcast_in_dim3A_561 = vector.shape_cast %slice3A_554 : vector<1x512xf32> to vector<1x512xf32>
      %broadcast_in_dim3A_562 = vector.broadcast %broadcast_in_dim3A_561 : vector<1x512xf32> to vector<1024x512xf32>
      %broadcast_in_dim3A_563 = vector.broadcast %jit3A_560 : f32 to vector<1024x512xf32>
      %select_n3A_564 = arith.select %le3A_559, %broadcast_in_dim3A_562, %broadcast_in_dim3A_563 : vector<1024x512xi1>, vector<1024x512xf32>
      %reduce_min3A_565 = arith.constant dense<0x7F800000> : vector<1024xf32>
      %reduce_min3A_566 = vector.multi_reduction <minimumf>, %select_n3A_564, %reduce_min3A_565 [1] : vector<1024x512xf32> to vector<1024xf32>
      %broadcast_in_dim3A_567 = vector.shape_cast %reduce_min3A_566 : vector<1024xf32> to vector<1024x1xf32>
      %swap3A_568 = arith.constant 0 : index
      %swap3A_569 = arith.constant 27 : index
      %swap3A_570 = vector.load %arg6[%swap3A_568, %swap3A_569] : memref<1024x32xf32, #tpu.memory_space<vmem>>, vector<1024x1xf32>
      tpu.vector_store %arg6[%swap3A_568, %swap3A_569], %broadcast_in_dim3A_557 {strides = array<i32>} : memref<1024x32xf32, #tpu.memory_space<vmem>>, vector<1024x1xf32>,
      %swap3A_571 = arith.constant 0 : index
      %swap3A_572 = arith.constant 27 : index
      %swap3A_573 = vector.load %arg7[%swap3A_571, %swap3A_572] : memref<1024x32xf32, #tpu.memory_space<vmem>>, vector<1024x1xf32>
      tpu.vector_store %arg7[%swap3A_571, %swap3A_572], %broadcast_in_dim3A_567 {strides = array<i32>} : memref<1024x32xf32, #tpu.memory_space<vmem>>, vector<1024x1xf32>,
      %gt3A_574 = arith.constant 4 : i32
      %gt3A_575 = arith.cmpi sgt, %min3A_218, %gt3A_574 : i32
      %convert_element_type3A_576 = arith.extui %gt3A_575 : i1 to i32
      %cond3A_577 = arith.constant 0 : i32
      %cond3A_578 = arith.cmpi ne, %convert_element_type3A_576, %cond3A_577 : i32
      scf.if %cond3A_578 {
        %eq3A_579 = vector.broadcast %slice3A_554 : vector<1x512xf32> to vector<1024x512xf32>
        %eq3A_580 = vector.broadcast %broadcast_in_dim3A_567 : vector<1024x1xf32> to vector<1024x512xf32>
        %eq3A_581 = arith.cmpf oeq, %eq3A_579, %eq3A_580 : vector<1024x512xf32>
        %jit3A_582 = arith.constant 0x7F800000 : f32
        %broadcast_in_dim3A_583 = vector.broadcast %jit3A_582 : f32 to vector<1024x512xf32>
        %select_n3A_584 = arith.select %eq3A_581, %broadcast_in_dim3A_583, %get3A_553 : vector<1024x512xi1>, vector<1024x512xf32>
        %swap3A_585 = arith.constant 0 : index
        %swap3A_586 = arith.constant 1536 : index
        %swap3A_587 = vector.load %arg5[%swap3A_585, %swap3A_586] : memref<1024x2048xf32, #tpu.memory_space<vmem>>, vector<1024x512xf32>
        tpu.vector_store %arg5[%swap3A_585, %swap3A_586], %select_n3A_584 {strides = array<i32>} : memref<1024x2048xf32, #tpu.memory_space<vmem>>, vector<1024x512xf32>,
      } else {
      }
    } else {
    }
    %gt3A_322 = arith.constant 4 : i32
    %gt3A_323 = arith.cmpi sgt, %min3A_46, %gt3A_322 : i32
    %convert_element_type3A_324 = arith.extui %gt3A_323 : i1 to i32
    %cond3A_325 = arith.constant 0 : i32
    %cond3A_326 = arith.cmpi ne, %convert_element_type3A_324, %cond3A_325 : i32
    scf.if %cond3A_326 {
      %get3A_551 = arith.constant 0 : index
      %get3A_552 = arith.constant 0 : index
      %get3A_553 = vector.load %arg5[%get3A_551, %get3A_552] : memref<1024x2048xf32, #tpu.memory_space<vmem>>, vector<1024x512xf32>
      %slice3A_554 = vector.extract_strided_slice %convert_element_type3A {offsets = [0, 0], sizes = [1, 512], strides = [1, 1]} : vector<1x2048xf32> to vector<1x512xf32>
      %reduce_min3A_555 = arith.constant dense<0x7F800000> : vector<1024xf32>
      %reduce_min3A_556 = vector.multi_reduction <minimumf>, %get3A_553, %reduce_min3A_555 [1] : vector<1024x512xf32> to vector<1024xf32>
      %broadcast_in_dim3A_557 = vector.shape_cast %reduce_min3A_556 : vector<1024xf32> to vector<1024x1xf32>
      %le3A_558 = vector.broadcast %broadcast_in_dim3A_557 : vector<1024x1xf32> to vector<1024x512xf32>
      %le3A_559 = arith.cmpf ole, %get3A_553, %le3A_558 : vector<1024x512xf32>
      %jit3A_560 = arith.constant 0x4B440100 : f32
      %broadcast_in_dim3A_561 = vector.shape_cast %slice3A_554 : vector<1x512xf32> to vector<1x512xf32>
      %broadcast_in_dim3A_562 = vector.broadcast %broadcast_in_dim3A_561 : vector<1x512xf32> to vector<1024x512xf32>
      %broadcast_in_dim3A_563 = vector.broadcast %jit3A_560 : f32 to vector<1024x512xf32>
      %select_n3A_564 = arith.select %le3A_559, %broadcast_in_dim3A_562, %broadcast_in_dim3A_563 : vector<1024x512xi1>, vector<1024x512xf32>
      %reduce_min3A_565 = arith.constant dense<0x7F800000> : vector<1024xf32>
      %reduce_min3A_566 = vector.multi_reduction <minimumf>, %select_n3A_564, %reduce_min3A_565 [1] : vector<1024x512xf32> to vector<1024xf32>
      %broadcast_in_dim3A_567 = vector.shape_cast %reduce_min3A_566 : vector<1024xf32> to vector<1024x1xf32>
      %swap3A_568 = arith.constant 0 : index
      %swap3A_569 = arith.constant 4 : index
      %swap3A_570 = vector.load %arg6[%swap3A_568, %swap3A_569] : memref<1024x32xf32, #tpu.memory_space<vmem>>, vector<1024x1xf32>
      tpu.vector_store %arg6[%swap3A_568, %swap3A_569], %broadcast_in_dim3A_557 {strides = array<i32>} : memref<1024x32xf32, #tpu.memory_space<vmem>>, vector<1024x1xf32>,
      %swap3A_571 = arith.constant 0 : index
      %swap3A_572 = arith.constant 4 : index
      %swap3A_573 = vector.load %arg7[%swap3A_571, %swap3A_572] : memref<1024x32xf32, #tpu.memory_space<vmem>>, vector<1024x1xf32>
      tpu.vector_store %arg7[%swap3A_571, %swap3A_572], %broadcast_in_dim3A_567 {strides = array<i32>} : memref<1024x32xf32, #tpu.memory_space<vmem>>, vector<1024x1xf32>,
      %gt3A_574 = arith.constant 5 : i32
      %gt3A_575 = arith.cmpi sgt, %min3A_46, %gt3A_574 : i32
      %convert_element_type3A_576 = arith.extui %gt3A_575 : i1 to i32
      %cond3A_577 = arith.constant 0 : i32
      %cond3A_578 = arith.cmpi ne, %convert_element_type3A_576, %cond3A_577 : i32
      scf.if %cond3A_578 {
        %eq3A_579 = vector.broadcast %slice3A_554 : vector<1x512xf32> to vector<1024x512xf32>
        %eq3A_580 = vector.broadcast %broadcast_in_dim3A_567 : vector<1024x1xf32> to vector<1024x512xf32>
        %eq3A_581 = arith.cmpf oeq, %eq3A_579, %eq3A_580 : vector<1024x512xf32>
        %jit3A_582 = arith.constant 0x7F800000 : f32
        %broadcast_in_dim3A_583 = vector.broadcast %jit3A_582 : f32 to vector<1024x512xf32>
        %select_n3A_584 = arith.select %eq3A_581, %broadcast_in_dim3A_583, %get3A_553 : vector<1024x512xi1>, vector<1024x512xf32>
        %swap3A_585 = arith.constant 0 : index
        %swap3A_586 = arith.constant 0 : index
        %swap3A_587 = vector.load %arg5[%swap3A_585, %swap3A_586] : memref<1024x2048xf32, #tpu.memory_space<vmem>>, vector<1024x512xf32>
        tpu.vector_store %arg5[%swap3A_585, %swap3A_586], %select_n3A_584 {strides = array<i32>} : memref<1024x2048xf32, #tpu.memory_space<vmem>>, vector<1024x512xf32>,
      } else {
      }
    } else {
    }
    %gt3A_327 = arith.constant 4 : i32
    %gt3A_328 = arith.cmpi sgt, %min3A_100, %gt3A_327 : i32
    %convert_element_type3A_329 = arith.extui %gt3A_328 : i1 to i32
    %cond3A_330 = arith.constant 0 : i32
    %cond3A_331 = arith.cmpi ne, %convert_element_type3A_329, %cond3A_330 : i32
    scf.if %cond3A_331 {
      %get3A_551 = arith.constant 0 : index
      %get3A_552 = arith.constant 512 : index
      %get3A_553 = vector.load %arg5[%get3A_551, %get3A_552] : memref<1024x2048xf32, #tpu.memory_space<vmem>>, vector<1024x512xf32>
      %slice3A_554 = vector.extract_strided_slice %convert_element_type3A {offsets = [0, 512], sizes = [1, 512], strides = [1, 1]} : vector<1x2048xf32> to vector<1x512xf32>
      %reduce_min3A_555 = arith.constant dense<0x7F800000> : vector<1024xf32>
      %reduce_min3A_556 = vector.multi_reduction <minimumf>, %get3A_553, %reduce_min3A_555 [1] : vector<1024x512xf32> to vector<1024xf32>
      %broadcast_in_dim3A_557 = vector.shape_cast %reduce_min3A_556 : vector<1024xf32> to vector<1024x1xf32>
      %le3A_558 = vector.broadcast %broadcast_in_dim3A_557 : vector<1024x1xf32> to vector<1024x512xf32>
      %le3A_559 = arith.cmpf ole, %get3A_553, %le3A_558 : vector<1024x512xf32>
      %jit3A_560 = arith.constant 0x4B440100 : f32
      %broadcast_in_dim3A_561 = vector.shape_cast %slice3A_554 : vector<1x512xf32> to vector<1x512xf32>
      %broadcast_in_dim3A_562 = vector.broadcast %broadcast_in_dim3A_561 : vector<1x512xf32> to vector<1024x512xf32>
      %broadcast_in_dim3A_563 = vector.broadcast %jit3A_560 : f32 to vector<1024x512xf32>
      %select_n3A_564 = arith.select %le3A_559, %broadcast_in_dim3A_562, %broadcast_in_dim3A_563 : vector<1024x512xi1>, vector<1024x512xf32>
      %reduce_min3A_565 = arith.constant dense<0x7F800000> : vector<1024xf32>
      %reduce_min3A_566 = vector.multi_reduction <minimumf>, %select_n3A_564, %reduce_min3A_565 [1] : vector<1024x512xf32> to vector<1024xf32>
      %broadcast_in_dim3A_567 = vector.shape_cast %reduce_min3A_566 : vector<1024xf32> to vector<1024x1xf32>
      %swap3A_568 = arith.constant 0 : index
      %swap3A_569 = arith.constant 12 : index
      %swap3A_570 = vector.load %arg6[%swap3A_568, %swap3A_569] : memref<1024x32xf32, #tpu.memory_space<vmem>>, vector<1024x1xf32>
      tpu.vector_store %arg6[%swap3A_568, %swap3A_569], %broadcast_in_dim3A_557 {strides = array<i32>} : memref<1024x32xf32, #tpu.memory_space<vmem>>, vector<1024x1xf32>,
      %swap3A_571 = arith.constant 0 : index
      %swap3A_572 = arith.constant 12 : index
      %swap3A_573 = vector.load %arg7[%swap3A_571, %swap3A_572] : memref<1024x32xf32, #tpu.memory_space<vmem>>, vector<1024x1xf32>
      tpu.vector_store %arg7[%swap3A_571, %swap3A_572], %broadcast_in_dim3A_567 {strides = array<i32>} : memref<1024x32xf32, #tpu.memory_space<vmem>>, vector<1024x1xf32>,
      %gt3A_574 = arith.constant 5 : i32
      %gt3A_575 = arith.cmpi sgt, %min3A_100, %gt3A_574 : i32
      %convert_element_type3A_576 = arith.extui %gt3A_575 : i1 to i32
      %cond3A_577 = arith.constant 0 : i32
      %cond3A_578 = arith.cmpi ne, %convert_element_type3A_576, %cond3A_577 : i32
      scf.if %cond3A_578 {
        %eq3A_579 = vector.broadcast %slice3A_554 : vector<1x512xf32> to vector<1024x512xf32>
        %eq3A_580 = vector.broadcast %broadcast_in_dim3A_567 : vector<1024x1xf32> to vector<1024x512xf32>
        %eq3A_581 = arith.cmpf oeq, %eq3A_579, %eq3A_580 : vector<1024x512xf32>
        %jit3A_582 = arith.constant 0x7F800000 : f32
        %broadcast_in_dim3A_583 = vector.broadcast %jit3A_582 : f32 to vector<1024x512xf32>
        %select_n3A_584 = arith.select %eq3A_581, %broadcast_in_dim3A_583, %get3A_553 : vector<1024x512xi1>, vector<1024x512xf32>
        %swap3A_585 = arith.constant 0 : index
        %swap3A_586 = arith.constant 512 : index
        %swap3A_587 = vector.load %arg5[%swap3A_585, %swap3A_586] : memref<1024x2048xf32, #tpu.memory_space<vmem>>, vector<1024x512xf32>
        tpu.vector_store %arg5[%swap3A_585, %swap3A_586], %select_n3A_584 {strides = array<i32>} : memref<1024x2048xf32, #tpu.memory_space<vmem>>, vector<1024x512xf32>,
      } else {
      }
    } else {
    }
    %gt3A_332 = arith.constant 4 : i32
    %gt3A_333 = arith.cmpi sgt, %min3A_159, %gt3A_332 : i32
    %convert_element_type3A_334 = arith.extui %gt3A_333 : i1 to i32
    %cond3A_335 = arith.constant 0 : i32
    %cond3A_336 = arith.cmpi ne, %convert_element_type3A_334, %cond3A_335 : i32
    scf.if %cond3A_336 {
      %get3A_551 = arith.constant 0 : index
      %get3A_552 = arith.constant 1024 : index
      %get3A_553 = vector.load %arg5[%get3A_551, %get3A_552] : memref<1024x2048xf32, #tpu.memory_space<vmem>>, vector<1024x512xf32>
      %slice3A_554 = vector.extract_strided_slice %convert_element_type3A {offsets = [0, 1024], sizes = [1, 512], strides = [1, 1]} : vector<1x2048xf32> to vector<1x512xf32>
      %reduce_min3A_555 = arith.constant dense<0x7F800000> : vector<1024xf32>
      %reduce_min3A_556 = vector.multi_reduction <minimumf>, %get3A_553, %reduce_min3A_555 [1] : vector<1024x512xf32> to vector<1024xf32>
      %broadcast_in_dim3A_557 = vector.shape_cast %reduce_min3A_556 : vector<1024xf32> to vector<1024x1xf32>
      %le3A_558 = vector.broadcast %broadcast_in_dim3A_557 : vector<1024x1xf32> to vector<1024x512xf32>
      %le3A_559 = arith.cmpf ole, %get3A_553, %le3A_558 : vector<1024x512xf32>
      %jit3A_560 = arith.constant 0x4B440100 : f32
      %broadcast_in_dim3A_561 = vector.shape_cast %slice3A_554 : vector<1x512xf32> to vector<1x512xf32>
      %broadcast_in_dim3A_562 = vector.broadcast %broadcast_in_dim3A_561 : vector<1x512xf32> to vector<1024x512xf32>
      %broadcast_in_dim3A_563 = vector.broadcast %jit3A_560 : f32 to vector<1024x512xf32>
      %select_n3A_564 = arith.select %le3A_559, %broadcast_in_dim3A_562, %broadcast_in_dim3A_563 : vector<1024x512xi1>, vector<1024x512xf32>
      %reduce_min3A_565 = arith.constant dense<0x7F800000> : vector<1024xf32>
      %reduce_min3A_566 = vector.multi_reduction <minimumf>, %select_n3A_564, %reduce_min3A_565 [1] : vector<1024x512xf32> to vector<1024xf32>
      %broadcast_in_dim3A_567 = vector.shape_cast %reduce_min3A_566 : vector<1024xf32> to vector<1024x1xf32>
      %swap3A_568 = arith.constant 0 : index
      %swap3A_569 = arith.constant 20 : index
      %swap3A_570 = vector.load %arg6[%swap3A_568, %swap3A_569] : memref<1024x32xf32, #tpu.memory_space<vmem>>, vector<1024x1xf32>
      tpu.vector_store %arg6[%swap3A_568, %swap3A_569], %broadcast_in_dim3A_557 {strides = array<i32>} : memref<1024x32xf32, #tpu.memory_space<vmem>>, vector<1024x1xf32>,
      %swap3A_571 = arith.constant 0 : index
      %swap3A_572 = arith.constant 20 : index
      %swap3A_573 = vector.load %arg7[%swap3A_571, %swap3A_572] : memref<1024x32xf32, #tpu.memory_space<vmem>>, vector<1024x1xf32>
      tpu.vector_store %arg7[%swap3A_571, %swap3A_572], %broadcast_in_dim3A_567 {strides = array<i32>} : memref<1024x32xf32, #tpu.memory_space<vmem>>, vector<1024x1xf32>,
      %gt3A_574 = arith.constant 5 : i32
      %gt3A_575 = arith.cmpi sgt, %min3A_159, %gt3A_574 : i32
      %convert_element_type3A_576 = arith.extui %gt3A_575 : i1 to i32
      %cond3A_577 = arith.constant 0 : i32
      %cond3A_578 = arith.cmpi ne, %convert_element_type3A_576, %cond3A_577 : i32
      scf.if %cond3A_578 {
        %eq3A_579 = vector.broadcast %slice3A_554 : vector<1x512xf32> to vector<1024x512xf32>
        %eq3A_580 = vector.broadcast %broadcast_in_dim3A_567 : vector<1024x1xf32> to vector<1024x512xf32>
        %eq3A_581 = arith.cmpf oeq, %eq3A_579, %eq3A_580 : vector<1024x512xf32>
        %jit3A_582 = arith.constant 0x7F800000 : f32
        %broadcast_in_dim3A_583 = vector.broadcast %jit3A_582 : f32 to vector<1024x512xf32>
        %select_n3A_584 = arith.select %eq3A_581, %broadcast_in_dim3A_583, %get3A_553 : vector<1024x512xi1>, vector<1024x512xf32>
        %swap3A_585 = arith.constant 0 : index
        %swap3A_586 = arith.constant 1024 : index
        %swap3A_587 = vector.load %arg5[%swap3A_585, %swap3A_586] : memref<1024x2048xf32, #tpu.memory_space<vmem>>, vector<1024x512xf32>
        tpu.vector_store %arg5[%swap3A_585, %swap3A_586], %select_n3A_584 {strides = array<i32>} : memref<1024x2048xf32, #tpu.memory_space<vmem>>, vector<1024x512xf32>,
      } else {
      }
    } else {
    }
    %gt3A_337 = arith.constant 4 : i32
    %gt3A_338 = arith.cmpi sgt, %min3A_218, %gt3A_337 : i32
    %convert_element_type3A_339 = arith.extui %gt3A_338 : i1 to i32
    %cond3A_340 = arith.constant 0 : i32
    %cond3A_341 = arith.cmpi ne, %convert_element_type3A_339, %cond3A_340 : i32
    scf.if %cond3A_341 {
      %get3A_551 = arith.constant 0 : index
      %get3A_552 = arith.constant 1536 : index
      %get3A_553 = vector.load %arg5[%get3A_551, %get3A_552] : memref<1024x2048xf32, #tpu.memory_space<vmem>>, vector<1024x512xf32>
      %slice3A_554 = vector.extract_strided_slice %convert_element_type3A {offsets = [0, 1536], sizes = [1, 512], strides = [1, 1]} : vector<1x2048xf32> to vector<1x512xf32>
      %reduce_min3A_555 = arith.constant dense<0x7F800000> : vector<1024xf32>
      %reduce_min3A_556 = vector.multi_reduction <minimumf>, %get3A_553, %reduce_min3A_555 [1] : vector<1024x512xf32> to vector<1024xf32>
      %broadcast_in_dim3A_557 = vector.shape_cast %reduce_min3A_556 : vector<1024xf32> to vector<1024x1xf32>
      %le3A_558 = vector.broadcast %broadcast_in_dim3A_557 : vector<1024x1xf32> to vector<1024x512xf32>
      %le3A_559 = arith.cmpf ole, %get3A_553, %le3A_558 : vector<1024x512xf32>
      %jit3A_560 = arith.constant 0x4B440100 : f32
      %broadcast_in_dim3A_561 = vector.shape_cast %slice3A_554 : vector<1x512xf32> to vector<1x512xf32>
      %broadcast_in_dim3A_562 = vector.broadcast %broadcast_in_dim3A_561 : vector<1x512xf32> to vector<1024x512xf32>
      %broadcast_in_dim3A_563 = vector.broadcast %jit3A_560 : f32 to vector<1024x512xf32>
      %select_n3A_564 = arith.select %le3A_559, %broadcast_in_dim3A_562, %broadcast_in_dim3A_563 : vector<1024x512xi1>, vector<1024x512xf32>
      %reduce_min3A_565 = arith.constant dense<0x7F800000> : vector<1024xf32>
      %reduce_min3A_566 = vector.multi_reduction <minimumf>, %select_n3A_564, %reduce_min3A_565 [1] : vector<1024x512xf32> to vector<1024xf32>
      %broadcast_in_dim3A_567 = vector.shape_cast %reduce_min3A_566 : vector<1024xf32> to vector<1024x1xf32>
      %swap3A_568 = arith.constant 0 : index
      %swap3A_569 = arith.constant 28 : index
      %swap3A_570 = vector.load %arg6[%swap3A_568, %swap3A_569] : memref<1024x32xf32, #tpu.memory_space<vmem>>, vector<1024x1xf32>
      tpu.vector_store %arg6[%swap3A_568, %swap3A_569], %broadcast_in_dim3A_557 {strides = array<i32>} : memref<1024x32xf32, #tpu.memory_space<vmem>>, vector<1024x1xf32>,
      %swap3A_571 = arith.constant 0 : index
      %swap3A_572 = arith.constant 28 : index
      %swap3A_573 = vector.load %arg7[%swap3A_571, %swap3A_572] : memref<1024x32xf32, #tpu.memory_space<vmem>>, vector<1024x1xf32>
      tpu.vector_store %arg7[%swap3A_571, %swap3A_572], %broadcast_in_dim3A_567 {strides = array<i32>} : memref<1024x32xf32, #tpu.memory_space<vmem>>, vector<1024x1xf32>,
      %gt3A_574 = arith.constant 5 : i32
      %gt3A_575 = arith.cmpi sgt, %min3A_218, %gt3A_574 : i32
      %convert_element_type3A_576 = arith.extui %gt3A_575 : i1 to i32
      %cond3A_577 = arith.constant 0 : i32
      %cond3A_578 = arith.cmpi ne, %convert_element_type3A_576, %cond3A_577 : i32
      scf.if %cond3A_578 {
        %eq3A_579 = vector.broadcast %slice3A_554 : vector<1x512xf32> to vector<1024x512xf32>
        %eq3A_580 = vector.broadcast %broadcast_in_dim3A_567 : vector<1024x1xf32> to vector<1024x512xf32>
        %eq3A_581 = arith.cmpf oeq, %eq3A_579, %eq3A_580 : vector<1024x512xf32>
        %jit3A_582 = arith.constant 0x7F800000 : f32
        %broadcast_in_dim3A_583 = vector.broadcast %jit3A_582 : f32 to vector<1024x512xf32>
        %select_n3A_584 = arith.select %eq3A_581, %broadcast_in_dim3A_583, %get3A_553 : vector<1024x512xi1>, vector<1024x512xf32>
        %swap3A_585 = arith.constant 0 : index
        %swap3A_586 = arith.constant 1536 : index
        %swap3A_587 = vector.load %arg5[%swap3A_585, %swap3A_586] : memref<1024x2048xf32, #tpu.memory_space<vmem>>, vector<1024x512xf32>
        tpu.vector_store %arg5[%swap3A_585, %swap3A_586], %select_n3A_584 {strides = array<i32>} : memref<1024x2048xf32, #tpu.memory_space<vmem>>, vector<1024x512xf32>,
      } else {
      }
    } else {
    }
    %gt3A_342 = arith.constant 5 : i32
    %gt3A_343 = arith.cmpi sgt, %min3A_46, %gt3A_342 : i32
    %convert_element_type3A_344 = arith.extui %gt3A_343 : i1 to i32
    %cond3A_345 = arith.constant 0 : i32
    %cond3A_346 = arith.cmpi ne, %convert_element_type3A_344, %cond3A_345 : i32
    scf.if %cond3A_346 {
      %get3A_551 = arith.constant 0 : index
      %get3A_552 = arith.constant 0 : index
      %get3A_553 = vector.load %arg5[%get3A_551, %get3A_552] : memref<1024x2048xf32, #tpu.memory_space<vmem>>, vector<1024x512xf32>
      %slice3A_554 = vector.extract_strided_slice %convert_element_type3A {offsets = [0, 0], sizes = [1, 512], strides = [1, 1]} : vector<1x2048xf32> to vector<1x512xf32>
      %reduce_min3A_555 = arith.constant dense<0x7F800000> : vector<1024xf32>
      %reduce_min3A_556 = vector.multi_reduction <minimumf>, %get3A_553, %reduce_min3A_555 [1] : vector<1024x512xf32> to vector<1024xf32>
      %broadcast_in_dim3A_557 = vector.shape_cast %reduce_min3A_556 : vector<1024xf32> to vector<1024x1xf32>
      %le3A_558 = vector.broadcast %broadcast_in_dim3A_557 : vector<1024x1xf32> to vector<1024x512xf32>
      %le3A_559 = arith.cmpf ole, %get3A_553, %le3A_558 : vector<1024x512xf32>
      %jit3A_560 = arith.constant 0x4B440100 : f32
      %broadcast_in_dim3A_561 = vector.shape_cast %slice3A_554 : vector<1x512xf32> to vector<1x512xf32>
      %broadcast_in_dim3A_562 = vector.broadcast %broadcast_in_dim3A_561 : vector<1x512xf32> to vector<1024x512xf32>
      %broadcast_in_dim3A_563 = vector.broadcast %jit3A_560 : f32 to vector<1024x512xf32>
      %select_n3A_564 = arith.select %le3A_559, %broadcast_in_dim3A_562, %broadcast_in_dim3A_563 : vector<1024x512xi1>, vector<1024x512xf32>
      %reduce_min3A_565 = arith.constant dense<0x7F800000> : vector<1024xf32>
      %reduce_min3A_566 = vector.multi_reduction <minimumf>, %select_n3A_564, %reduce_min3A_565 [1] : vector<1024x512xf32> to vector<1024xf32>
      %broadcast_in_dim3A_567 = vector.shape_cast %reduce_min3A_566 : vector<1024xf32> to vector<1024x1xf32>
      %swap3A_568 = arith.constant 0 : index
      %swap3A_569 = arith.constant 5 : index
      %swap3A_570 = vector.load %arg6[%swap3A_568, %swap3A_569] : memref<1024x32xf32, #tpu.memory_space<vmem>>, vector<1024x1xf32>
      tpu.vector_store %arg6[%swap3A_568, %swap3A_569], %broadcast_in_dim3A_557 {strides = array<i32>} : memref<1024x32xf32, #tpu.memory_space<vmem>>, vector<1024x1xf32>,
      %swap3A_571 = arith.constant 0 : index
      %swap3A_572 = arith.constant 5 : index
      %swap3A_573 = vector.load %arg7[%swap3A_571, %swap3A_572] : memref<1024x32xf32, #tpu.memory_space<vmem>>, vector<1024x1xf32>
      tpu.vector_store %arg7[%swap3A_571, %swap3A_572], %broadcast_in_dim3A_567 {strides = array<i32>} : memref<1024x32xf32, #tpu.memory_space<vmem>>, vector<1024x1xf32>,
      %gt3A_574 = arith.constant 6 : i32
      %gt3A_575 = arith.cmpi sgt, %min3A_46, %gt3A_574 : i32
      %convert_element_type3A_576 = arith.extui %gt3A_575 : i1 to i32
      %cond3A_577 = arith.constant 0 : i32
      %cond3A_578 = arith.cmpi ne, %convert_element_type3A_576, %cond3A_577 : i32
      scf.if %cond3A_578 {
        %eq3A_579 = vector.broadcast %slice3A_554 : vector<1x512xf32> to vector<1024x512xf32>
        %eq3A_580 = vector.broadcast %broadcast_in_dim3A_567 : vector<1024x1xf32> to vector<1024x512xf32>
        %eq3A_581 = arith.cmpf oeq, %eq3A_579, %eq3A_580 : vector<1024x512xf32>
        %jit3A_582 = arith.constant 0x7F800000 : f32
        %broadcast_in_dim3A_583 = vector.broadcast %jit3A_582 : f32 to vector<1024x512xf32>
        %select_n3A_584 = arith.select %eq3A_581, %broadcast_in_dim3A_583, %get3A_553 : vector<1024x512xi1>, vector<1024x512xf32>
        %swap3A_585 = arith.constant 0 : index
        %swap3A_586 = arith.constant 0 : index
        %swap3A_587 = vector.load %arg5[%swap3A_585, %swap3A_586] : memref<1024x2048xf32, #tpu.memory_space<vmem>>, vector<1024x512xf32>
        tpu.vector_store %arg5[%swap3A_585, %swap3A_586], %select_n3A_584 {strides = array<i32>} : memref<1024x2048xf32, #tpu.memory_space<vmem>>, vector<1024x512xf32>,
      } else {
      }
    } else {
    }
    %gt3A_347 = arith.constant 5 : i32
    %gt3A_348 = arith.cmpi sgt, %min3A_100, %gt3A_347 : i32
    %convert_element_type3A_349 = arith.extui %gt3A_348 : i1 to i32
    %cond3A_350 = arith.constant 0 : i32
    %cond3A_351 = arith.cmpi ne, %convert_element_type3A_349, %cond3A_350 : i32
    scf.if %cond3A_351 {
      %get3A_551 = arith.constant 0 : index
      %get3A_552 = arith.constant 512 : index
      %get3A_553 = vector.load %arg5[%get3A_551, %get3A_552] : memref<1024x2048xf32, #tpu.memory_space<vmem>>, vector<1024x512xf32>
      %slice3A_554 = vector.extract_strided_slice %convert_element_type3A {offsets = [0, 512], sizes = [1, 512], strides = [1, 1]} : vector<1x2048xf32> to vector<1x512xf32>
      %reduce_min3A_555 = arith.constant dense<0x7F800000> : vector<1024xf32>
      %reduce_min3A_556 = vector.multi_reduction <minimumf>, %get3A_553, %reduce_min3A_555 [1] : vector<1024x512xf32> to vector<1024xf32>
      %broadcast_in_dim3A_557 = vector.shape_cast %reduce_min3A_556 : vector<1024xf32> to vector<1024x1xf32>
      %le3A_558 = vector.broadcast %broadcast_in_dim3A_557 : vector<1024x1xf32> to vector<1024x512xf32>
      %le3A_559 = arith.cmpf ole, %get3A_553, %le3A_558 : vector<1024x512xf32>
      %jit3A_560 = arith.constant 0x4B440100 : f32
      %broadcast_in_dim3A_561 = vector.shape_cast %slice3A_554 : vector<1x512xf32> to vector<1x512xf32>
      %broadcast_in_dim3A_562 = vector.broadcast %broadcast_in_dim3A_561 : vector<1x512xf32> to vector<1024x512xf32>
      %broadcast_in_dim3A_563 = vector.broadcast %jit3A_560 : f32 to vector<1024x512xf32>
      %select_n3A_564 = arith.select %le3A_559, %broadcast_in_dim3A_562, %broadcast_in_dim3A_563 : vector<1024x512xi1>, vector<1024x512xf32>
      %reduce_min3A_565 = arith.constant dense<0x7F800000> : vector<1024xf32>
      %reduce_min3A_566 = vector.multi_reduction <minimumf>, %select_n3A_564, %reduce_min3A_565 [1] : vector<1024x512xf32> to vector<1024xf32>
      %broadcast_in_dim3A_567 = vector.shape_cast %reduce_min3A_566 : vector<1024xf32> to vector<1024x1xf32>
      %swap3A_568 = arith.constant 0 : index
      %swap3A_569 = arith.constant 13 : index
      %swap3A_570 = vector.load %arg6[%swap3A_568, %swap3A_569] : memref<1024x32xf32, #tpu.memory_space<vmem>>, vector<1024x1xf32>
      tpu.vector_store %arg6[%swap3A_568, %swap3A_569], %broadcast_in_dim3A_557 {strides = array<i32>} : memref<1024x32xf32, #tpu.memory_space<vmem>>, vector<1024x1xf32>,
      %swap3A_571 = arith.constant 0 : index
      %swap3A_572 = arith.constant 13 : index
      %swap3A_573 = vector.load %arg7[%swap3A_571, %swap3A_572] : memref<1024x32xf32, #tpu.memory_space<vmem>>, vector<1024x1xf32>
      tpu.vector_store %arg7[%swap3A_571, %swap3A_572], %broadcast_in_dim3A_567 {strides = array<i32>} : memref<1024x32xf32, #tpu.memory_space<vmem>>, vector<1024x1xf32>,
      %gt3A_574 = arith.constant 6 : i32
      %gt3A_575 = arith.cmpi sgt, %min3A_100, %gt3A_574 : i32
      %convert_element_type3A_576 = arith.extui %gt3A_575 : i1 to i32
      %cond3A_577 = arith.constant 0 : i32
      %cond3A_578 = arith.cmpi ne, %convert_element_type3A_576, %cond3A_577 : i32
      scf.if %cond3A_578 {
        %eq3A_579 = vector.broadcast %slice3A_554 : vector<1x512xf32> to vector<1024x512xf32>
        %eq3A_580 = vector.broadcast %broadcast_in_dim3A_567 : vector<1024x1xf32> to vector<1024x512xf32>
        %eq3A_581 = arith.cmpf oeq, %eq3A_579, %eq3A_580 : vector<1024x512xf32>
        %jit3A_582 = arith.constant 0x7F800000 : f32
        %broadcast_in_dim3A_583 = vector.broadcast %jit3A_582 : f32 to vector<1024x512xf32>
        %select_n3A_584 = arith.select %eq3A_581, %broadcast_in_dim3A_583, %get3A_553 : vector<1024x512xi1>, vector<1024x512xf32>
        %swap3A_585 = arith.constant 0 : index
        %swap3A_586 = arith.constant 512 : index
        %swap3A_587 = vector.load %arg5[%swap3A_585, %swap3A_586] : memref<1024x2048xf32, #tpu.memory_space<vmem>>, vector<1024x512xf32>
        tpu.vector_store %arg5[%swap3A_585, %swap3A_586], %select_n3A_584 {strides = array<i32>} : memref<1024x2048xf32, #tpu.memory_space<vmem>>, vector<1024x512xf32>,
      } else {
      }
    } else {
    }
    %gt3A_352 = arith.constant 5 : i32
    %gt3A_353 = arith.cmpi sgt, %min3A_159, %gt3A_352 : i32
    %convert_element_type3A_354 = arith.extui %gt3A_353 : i1 to i32
    %cond3A_355 = arith.constant 0 : i32
    %cond3A_356 = arith.cmpi ne, %convert_element_type3A_354, %cond3A_355 : i32
    scf.if %cond3A_356 {
      %get3A_551 = arith.constant 0 : index
      %get3A_552 = arith.constant 1024 : index
      %get3A_553 = vector.load %arg5[%get3A_551, %get3A_552] : memref<1024x2048xf32, #tpu.memory_space<vmem>>, vector<1024x512xf32>
      %slice3A_554 = vector.extract_strided_slice %convert_element_type3A {offsets = [0, 1024], sizes = [1, 512], strides = [1, 1]} : vector<1x2048xf32> to vector<1x512xf32>
      %reduce_min3A_555 = arith.constant dense<0x7F800000> : vector<1024xf32>
      %reduce_min3A_556 = vector.multi_reduction <minimumf>, %get3A_553, %reduce_min3A_555 [1] : vector<1024x512xf32> to vector<1024xf32>
      %broadcast_in_dim3A_557 = vector.shape_cast %reduce_min3A_556 : vector<1024xf32> to vector<1024x1xf32>
      %le3A_558 = vector.broadcast %broadcast_in_dim3A_557 : vector<1024x1xf32> to vector<1024x512xf32>
      %le3A_559 = arith.cmpf ole, %get3A_553, %le3A_558 : vector<1024x512xf32>
      %jit3A_560 = arith.constant 0x4B440100 : f32
      %broadcast_in_dim3A_561 = vector.shape_cast %slice3A_554 : vector<1x512xf32> to vector<1x512xf32>
      %broadcast_in_dim3A_562 = vector.broadcast %broadcast_in_dim3A_561 : vector<1x512xf32> to vector<1024x512xf32>
      %broadcast_in_dim3A_563 = vector.broadcast %jit3A_560 : f32 to vector<1024x512xf32>
      %select_n3A_564 = arith.select %le3A_559, %broadcast_in_dim3A_562, %broadcast_in_dim3A_563 : vector<1024x512xi1>, vector<1024x512xf32>
      %reduce_min3A_565 = arith.constant dense<0x7F800000> : vector<1024xf32>
      %reduce_min3A_566 = vector.multi_reduction <minimumf>, %select_n3A_564, %reduce_min3A_565 [1] : vector<1024x512xf32> to vector<1024xf32>
      %broadcast_in_dim3A_567 = vector.shape_cast %reduce_min3A_566 : vector<1024xf32> to vector<1024x1xf32>
      %swap3A_568 = arith.constant 0 : index
      %swap3A_569 = arith.constant 21 : index
      %swap3A_570 = vector.load %arg6[%swap3A_568, %swap3A_569] : memref<1024x32xf32, #tpu.memory_space<vmem>>, vector<1024x1xf32>
      tpu.vector_store %arg6[%swap3A_568, %swap3A_569], %broadcast_in_dim3A_557 {strides = array<i32>} : memref<1024x32xf32, #tpu.memory_space<vmem>>, vector<1024x1xf32>,
      %swap3A_571 = arith.constant 0 : index
      %swap3A_572 = arith.constant 21 : index
      %swap3A_573 = vector.load %arg7[%swap3A_571, %swap3A_572] : memref<1024x32xf32, #tpu.memory_space<vmem>>, vector<1024x1xf32>
      tpu.vector_store %arg7[%swap3A_571, %swap3A_572], %broadcast_in_dim3A_567 {strides = array<i32>} : memref<1024x32xf32, #tpu.memory_space<vmem>>, vector<1024x1xf32>,
      %gt3A_574 = arith.constant 6 : i32
      %gt3A_575 = arith.cmpi sgt, %min3A_159, %gt3A_574 : i32
      %convert_element_type3A_576 = arith.extui %gt3A_575 : i1 to i32
      %cond3A_577 = arith.constant 0 : i32
      %cond3A_578 = arith.cmpi ne, %convert_element_type3A_576, %cond3A_577 : i32
      scf.if %cond3A_578 {
        %eq3A_579 = vector.broadcast %slice3A_554 : vector<1x512xf32> to vector<1024x512xf32>
        %eq3A_580 = vector.broadcast %broadcast_in_dim3A_567 : vector<1024x1xf32> to vector<1024x512xf32>
        %eq3A_581 = arith.cmpf oeq, %eq3A_579, %eq3A_580 : vector<1024x512xf32>
        %jit3A_582 = arith.constant 0x7F800000 : f32
        %broadcast_in_dim3A_583 = vector.broadcast %jit3A_582 : f32 to vector<1024x512xf32>
        %select_n3A_584 = arith.select %eq3A_581, %broadcast_in_dim3A_583, %get3A_553 : vector<1024x512xi1>, vector<1024x512xf32>
        %swap3A_585 = arith.constant 0 : index
        %swap3A_586 = arith.constant 1024 : index
        %swap3A_587 = vector.load %arg5[%swap3A_585, %swap3A_586] : memref<1024x2048xf32, #tpu.memory_space<vmem>>, vector<1024x512xf32>
        tpu.vector_store %arg5[%swap3A_585, %swap3A_586], %select_n3A_584 {strides = array<i32>} : memref<1024x2048xf32, #tpu.memory_space<vmem>>, vector<1024x512xf32>,
      } else {
      }
    } else {
    }
    %gt3A_357 = arith.constant 5 : i32
    %gt3A_358 = arith.cmpi sgt, %min3A_218, %gt3A_357 : i32
    %convert_element_type3A_359 = arith.extui %gt3A_358 : i1 to i32
    %cond3A_360 = arith.constant 0 : i32
    %cond3A_361 = arith.cmpi ne, %convert_element_type3A_359, %cond3A_360 : i32
    scf.if %cond3A_361 {
      %get3A_551 = arith.constant 0 : index
      %get3A_552 = arith.constant 1536 : index
      %get3A_553 = vector.load %arg5[%get3A_551, %get3A_552] : memref<1024x2048xf32, #tpu.memory_space<vmem>>, vector<1024x512xf32>
      %slice3A_554 = vector.extract_strided_slice %convert_element_type3A {offsets = [0, 1536], sizes = [1, 512], strides = [1, 1]} : vector<1x2048xf32> to vector<1x512xf32>
      %reduce_min3A_555 = arith.constant dense<0x7F800000> : vector<1024xf32>
      %reduce_min3A_556 = vector.multi_reduction <minimumf>, %get3A_553, %reduce_min3A_555 [1] : vector<1024x512xf32> to vector<1024xf32>
      %broadcast_in_dim3A_557 = vector.shape_cast %reduce_min3A_556 : vector<1024xf32> to vector<1024x1xf32>
      %le3A_558 = vector.broadcast %broadcast_in_dim3A_557 : vector<1024x1xf32> to vector<1024x512xf32>
      %le3A_559 = arith.cmpf ole, %get3A_553, %le3A_558 : vector<1024x512xf32>
      %jit3A_560 = arith.constant 0x4B440100 : f32
      %broadcast_in_dim3A_561 = vector.shape_cast %slice3A_554 : vector<1x512xf32> to vector<1x512xf32>
      %broadcast_in_dim3A_562 = vector.broadcast %broadcast_in_dim3A_561 : vector<1x512xf32> to vector<1024x512xf32>
      %broadcast_in_dim3A_563 = vector.broadcast %jit3A_560 : f32 to vector<1024x512xf32>
      %select_n3A_564 = arith.select %le3A_559, %broadcast_in_dim3A_562, %broadcast_in_dim3A_563 : vector<1024x512xi1>, vector<1024x512xf32>
      %reduce_min3A_565 = arith.constant dense<0x7F800000> : vector<1024xf32>
      %reduce_min3A_566 = vector.multi_reduction <minimumf>, %select_n3A_564, %reduce_min3A_565 [1] : vector<1024x512xf32> to vector<1024xf32>
      %broadcast_in_dim3A_567 = vector.shape_cast %reduce_min3A_566 : vector<1024xf32> to vector<1024x1xf32>
      %swap3A_568 = arith.constant 0 : index
      %swap3A_569 = arith.constant 29 : index
      %swap3A_570 = vector.load %arg6[%swap3A_568, %swap3A_569] : memref<1024x32xf32, #tpu.memory_space<vmem>>, vector<1024x1xf32>
      tpu.vector_store %arg6[%swap3A_568, %swap3A_569], %broadcast_in_dim3A_557 {strides = array<i32>} : memref<1024x32xf32, #tpu.memory_space<vmem>>, vector<1024x1xf32>,
      %swap3A_571 = arith.constant 0 : index
      %swap3A_572 = arith.constant 29 : index
      %swap3A_573 = vector.load %arg7[%swap3A_571, %swap3A_572] : memref<1024x32xf32, #tpu.memory_space<vmem>>, vector<1024x1xf32>
      tpu.vector_store %arg7[%swap3A_571, %swap3A_572], %broadcast_in_dim3A_567 {strides = array<i32>} : memref<1024x32xf32, #tpu.memory_space<vmem>>, vector<1024x1xf32>,
      %gt3A_574 = arith.constant 6 : i32
      %gt3A_575 = arith.cmpi sgt, %min3A_218, %gt3A_574 : i32
      %convert_element_type3A_576 = arith.extui %gt3A_575 : i1 to i32
      %cond3A_577 = arith.constant 0 : i32
      %cond3A_578 = arith.cmpi ne, %convert_element_type3A_576, %cond3A_577 : i32
      scf.if %cond3A_578 {
        %eq3A_579 = vector.broadcast %slice3A_554 : vector<1x512xf32> to vector<1024x512xf32>
        %eq3A_580 = vector.broadcast %broadcast_in_dim3A_567 : vector<1024x1xf32> to vector<1024x512xf32>
        %eq3A_581 = arith.cmpf oeq, %eq3A_579, %eq3A_580 : vector<1024x512xf32>
        %jit3A_582 = arith.constant 0x7F800000 : f32
        %broadcast_in_dim3A_583 = vector.broadcast %jit3A_582 : f32 to vector<1024x512xf32>
        %select_n3A_584 = arith.select %eq3A_581, %broadcast_in_dim3A_583, %get3A_553 : vector<1024x512xi1>, vector<1024x512xf32>
        %swap3A_585 = arith.constant 0 : index
        %swap3A_586 = arith.constant 1536 : index
        %swap3A_587 = vector.load %arg5[%swap3A_585, %swap3A_586] : memref<1024x2048xf32, #tpu.memory_space<vmem>>, vector<1024x512xf32>
        tpu.vector_store %arg5[%swap3A_585, %swap3A_586], %select_n3A_584 {strides = array<i32>} : memref<1024x2048xf32, #tpu.memory_space<vmem>>, vector<1024x512xf32>,
      } else {
      }
    } else {
    }
    %gt3A_362 = arith.constant 6 : i32
    %gt3A_363 = arith.cmpi sgt, %min3A_46, %gt3A_362 : i32
    %convert_element_type3A_364 = arith.extui %gt3A_363 : i1 to i32
    %cond3A_365 = arith.constant 0 : i32
    %cond3A_366 = arith.cmpi ne, %convert_element_type3A_364, %cond3A_365 : i32
    scf.if %cond3A_366 {
      %get3A_551 = arith.constant 0 : index
      %get3A_552 = arith.constant 0 : index
      %get3A_553 = vector.load %arg5[%get3A_551, %get3A_552] : memref<1024x2048xf32, #tpu.memory_space<vmem>>, vector<1024x512xf32>
      %slice3A_554 = vector.extract_strided_slice %convert_element_type3A {offsets = [0, 0], sizes = [1, 512], strides = [1, 1]} : vector<1x2048xf32> to vector<1x512xf32>
      %reduce_min3A_555 = arith.constant dense<0x7F800000> : vector<1024xf32>
      %reduce_min3A_556 = vector.multi_reduction <minimumf>, %get3A_553, %reduce_min3A_555 [1] : vector<1024x512xf32> to vector<1024xf32>
      %broadcast_in_dim3A_557 = vector.shape_cast %reduce_min3A_556 : vector<1024xf32> to vector<1024x1xf32>
      %le3A_558 = vector.broadcast %broadcast_in_dim3A_557 : vector<1024x1xf32> to vector<1024x512xf32>
      %le3A_559 = arith.cmpf ole, %get3A_553, %le3A_558 : vector<1024x512xf32>
      %jit3A_560 = arith.constant 0x4B440100 : f32
      %broadcast_in_dim3A_561 = vector.shape_cast %slice3A_554 : vector<1x512xf32> to vector<1x512xf32>
      %broadcast_in_dim3A_562 = vector.broadcast %broadcast_in_dim3A_561 : vector<1x512xf32> to vector<1024x512xf32>
      %broadcast_in_dim3A_563 = vector.broadcast %jit3A_560 : f32 to vector<1024x512xf32>
      %select_n3A_564 = arith.select %le3A_559, %broadcast_in_dim3A_562, %broadcast_in_dim3A_563 : vector<1024x512xi1>, vector<1024x512xf32>
      %reduce_min3A_565 = arith.constant dense<0x7F800000> : vector<1024xf32>
      %reduce_min3A_566 = vector.multi_reduction <minimumf>, %select_n3A_564, %reduce_min3A_565 [1] : vector<1024x512xf32> to vector<1024xf32>
      %broadcast_in_dim3A_567 = vector.shape_cast %reduce_min3A_566 : vector<1024xf32> to vector<1024x1xf32>
      %swap3A_568 = arith.constant 0 : index
      %swap3A_569 = arith.constant 6 : index
      %swap3A_570 = vector.load %arg6[%swap3A_568, %swap3A_569] : memref<1024x32xf32, #tpu.memory_space<vmem>>, vector<1024x1xf32>
      tpu.vector_store %arg6[%swap3A_568, %swap3A_569], %broadcast_in_dim3A_557 {strides = array<i32>} : memref<1024x32xf32, #tpu.memory_space<vmem>>, vector<1024x1xf32>,
      %swap3A_571 = arith.constant 0 : index
      %swap3A_572 = arith.constant 6 : index
      %swap3A_573 = vector.load %arg7[%swap3A_571, %swap3A_572] : memref<1024x32xf32, #tpu.memory_space<vmem>>, vector<1024x1xf32>
      tpu.vector_store %arg7[%swap3A_571, %swap3A_572], %broadcast_in_dim3A_567 {strides = array<i32>} : memref<1024x32xf32, #tpu.memory_space<vmem>>, vector<1024x1xf32>,
      %gt3A_574 = arith.constant 7 : i32
      %gt3A_575 = arith.cmpi sgt, %min3A_46, %gt3A_574 : i32
      %convert_element_type3A_576 = arith.extui %gt3A_575 : i1 to i32
      %cond3A_577 = arith.constant 0 : i32
      %cond3A_578 = arith.cmpi ne, %convert_element_type3A_576, %cond3A_577 : i32
      scf.if %cond3A_578 {
        %eq3A_579 = vector.broadcast %slice3A_554 : vector<1x512xf32> to vector<1024x512xf32>
        %eq3A_580 = vector.broadcast %broadcast_in_dim3A_567 : vector<1024x1xf32> to vector<1024x512xf32>
        %eq3A_581 = arith.cmpf oeq, %eq3A_579, %eq3A_580 : vector<1024x512xf32>
        %jit3A_582 = arith.constant 0x7F800000 : f32
        %broadcast_in_dim3A_583 = vector.broadcast %jit3A_582 : f32 to vector<1024x512xf32>
        %select_n3A_584 = arith.select %eq3A_581, %broadcast_in_dim3A_583, %get3A_553 : vector<1024x512xi1>, vector<1024x512xf32>
        %swap3A_585 = arith.constant 0 : index
        %swap3A_586 = arith.constant 0 : index
        %swap3A_587 = vector.load %arg5[%swap3A_585, %swap3A_586] : memref<1024x2048xf32, #tpu.memory_space<vmem>>, vector<1024x512xf32>
        tpu.vector_store %arg5[%swap3A_585, %swap3A_586], %select_n3A_584 {strides = array<i32>} : memref<1024x2048xf32, #tpu.memory_space<vmem>>, vector<1024x512xf32>,
      } else {
      }
    } else {
    }
    %gt3A_367 = arith.constant 6 : i32
    %gt3A_368 = arith.cmpi sgt, %min3A_100, %gt3A_367 : i32
    %convert_element_type3A_369 = arith.extui %gt3A_368 : i1 to i32
    %cond3A_370 = arith.constant 0 : i32
    %cond3A_371 = arith.cmpi ne, %convert_element_type3A_369, %cond3A_370 : i32
    scf.if %cond3A_371 {
      %get3A_551 = arith.constant 0 : index
      %get3A_552 = arith.constant 512 : index
      %get3A_553 = vector.load %arg5[%get3A_551, %get3A_552] : memref<1024x2048xf32, #tpu.memory_space<vmem>>, vector<1024x512xf32>
      %slice3A_554 = vector.extract_strided_slice %convert_element_type3A {offsets = [0, 512], sizes = [1, 512], strides = [1, 1]} : vector<1x2048xf32> to vector<1x512xf32>
      %reduce_min3A_555 = arith.constant dense<0x7F800000> : vector<1024xf32>
      %reduce_min3A_556 = vector.multi_reduction <minimumf>, %get3A_553, %reduce_min3A_555 [1] : vector<1024x512xf32> to vector<1024xf32>
      %broadcast_in_dim3A_557 = vector.shape_cast %reduce_min3A_556 : vector<1024xf32> to vector<1024x1xf32>
      %le3A_558 = vector.broadcast %broadcast_in_dim3A_557 : vector<1024x1xf32> to vector<1024x512xf32>
      %le3A_559 = arith.cmpf ole, %get3A_553, %le3A_558 : vector<1024x512xf32>
      %jit3A_560 = arith.constant 0x4B440100 : f32
      %broadcast_in_dim3A_561 = vector.shape_cast %slice3A_554 : vector<1x512xf32> to vector<1x512xf32>
      %broadcast_in_dim3A_562 = vector.broadcast %broadcast_in_dim3A_561 : vector<1x512xf32> to vector<1024x512xf32>
      %broadcast_in_dim3A_563 = vector.broadcast %jit3A_560 : f32 to vector<1024x512xf32>
      %select_n3A_564 = arith.select %le3A_559, %broadcast_in_dim3A_562, %broadcast_in_dim3A_563 : vector<1024x512xi1>, vector<1024x512xf32>
      %reduce_min3A_565 = arith.constant dense<0x7F800000> : vector<1024xf32>
      %reduce_min3A_566 = vector.multi_reduction <minimumf>, %select_n3A_564, %reduce_min3A_565 [1] : vector<1024x512xf32> to vector<1024xf32>
      %broadcast_in_dim3A_567 = vector.shape_cast %reduce_min3A_566 : vector<1024xf32> to vector<1024x1xf32>
      %swap3A_568 = arith.constant 0 : index
      %swap3A_569 = arith.constant 14 : index
      %swap3A_570 = vector.load %arg6[%swap3A_568, %swap3A_569] : memref<1024x32xf32, #tpu.memory_space<vmem>>, vector<1024x1xf32>
      tpu.vector_store %arg6[%swap3A_568, %swap3A_569], %broadcast_in_dim3A_557 {strides = array<i32>} : memref<1024x32xf32, #tpu.memory_space<vmem>>, vector<1024x1xf32>,
      %swap3A_571 = arith.constant 0 : index
      %swap3A_572 = arith.constant 14 : index
      %swap3A_573 = vector.load %arg7[%swap3A_571, %swap3A_572] : memref<1024x32xf32, #tpu.memory_space<vmem>>, vector<1024x1xf32>
      tpu.vector_store %arg7[%swap3A_571, %swap3A_572], %broadcast_in_dim3A_567 {strides = array<i32>} : memref<1024x32xf32, #tpu.memory_space<vmem>>, vector<1024x1xf32>,
      %gt3A_574 = arith.constant 7 : i32
      %gt3A_575 = arith.cmpi sgt, %min3A_100, %gt3A_574 : i32
      %convert_element_type3A_576 = arith.extui %gt3A_575 : i1 to i32
      %cond3A_577 = arith.constant 0 : i32
      %cond3A_578 = arith.cmpi ne, %convert_element_type3A_576, %cond3A_577 : i32
      scf.if %cond3A_578 {
        %eq3A_579 = vector.broadcast %slice3A_554 : vector<1x512xf32> to vector<1024x512xf32>
        %eq3A_580 = vector.broadcast %broadcast_in_dim3A_567 : vector<1024x1xf32> to vector<1024x512xf32>
        %eq3A_581 = arith.cmpf oeq, %eq3A_579, %eq3A_580 : vector<1024x512xf32>
        %jit3A_582 = arith.constant 0x7F800000 : f32
        %broadcast_in_dim3A_583 = vector.broadcast %jit3A_582 : f32 to vector<1024x512xf32>
        %select_n3A_584 = arith.select %eq3A_581, %broadcast_in_dim3A_583, %get3A_553 : vector<1024x512xi1>, vector<1024x512xf32>
        %swap3A_585 = arith.constant 0 : index
        %swap3A_586 = arith.constant 512 : index
        %swap3A_587 = vector.load %arg5[%swap3A_585, %swap3A_586] : memref<1024x2048xf32, #tpu.memory_space<vmem>>, vector<1024x512xf32>
        tpu.vector_store %arg5[%swap3A_585, %swap3A_586], %select_n3A_584 {strides = array<i32>} : memref<1024x2048xf32, #tpu.memory_space<vmem>>, vector<1024x512xf32>,
      } else {
      }
    } else {
    }
    %gt3A_372 = arith.constant 6 : i32
    %gt3A_373 = arith.cmpi sgt, %min3A_159, %gt3A_372 : i32
    %convert_element_type3A_374 = arith.extui %gt3A_373 : i1 to i32
    %cond3A_375 = arith.constant 0 : i32
    %cond3A_376 = arith.cmpi ne, %convert_element_type3A_374, %cond3A_375 : i32
    scf.if %cond3A_376 {
      %get3A_551 = arith.constant 0 : index
      %get3A_552 = arith.constant 1024 : index
      %get3A_553 = vector.load %arg5[%get3A_551, %get3A_552] : memref<1024x2048xf32, #tpu.memory_space<vmem>>, vector<1024x512xf32>
      %slice3A_554 = vector.extract_strided_slice %convert_element_type3A {offsets = [0, 1024], sizes = [1, 512], strides = [1, 1]} : vector<1x2048xf32> to vector<1x512xf32>
      %reduce_min3A_555 = arith.constant dense<0x7F800000> : vector<1024xf32>
      %reduce_min3A_556 = vector.multi_reduction <minimumf>, %get3A_553, %reduce_min3A_555 [1] : vector<1024x512xf32> to vector<1024xf32>
      %broadcast_in_dim3A_557 = vector.shape_cast %reduce_min3A_556 : vector<1024xf32> to vector<1024x1xf32>
      %le3A_558 = vector.broadcast %broadcast_in_dim3A_557 : vector<1024x1xf32> to vector<1024x512xf32>
      %le3A_559 = arith.cmpf ole, %get3A_553, %le3A_558 : vector<1024x512xf32>
      %jit3A_560 = arith.constant 0x4B440100 : f32
      %broadcast_in_dim3A_561 = vector.shape_cast %slice3A_554 : vector<1x512xf32> to vector<1x512xf32>
      %broadcast_in_dim3A_562 = vector.broadcast %broadcast_in_dim3A_561 : vector<1x512xf32> to vector<1024x512xf32>
      %broadcast_in_dim3A_563 = vector.broadcast %jit3A_560 : f32 to vector<1024x512xf32>
      %select_n3A_564 = arith.select %le3A_559, %broadcast_in_dim3A_562, %broadcast_in_dim3A_563 : vector<1024x512xi1>, vector<1024x512xf32>
      %reduce_min3A_565 = arith.constant dense<0x7F800000> : vector<1024xf32>
      %reduce_min3A_566 = vector.multi_reduction <minimumf>, %select_n3A_564, %reduce_min3A_565 [1] : vector<1024x512xf32> to vector<1024xf32>
      %broadcast_in_dim3A_567 = vector.shape_cast %reduce_min3A_566 : vector<1024xf32> to vector<1024x1xf32>
      %swap3A_568 = arith.constant 0 : index
      %swap3A_569 = arith.constant 22 : index
      %swap3A_570 = vector.load %arg6[%swap3A_568, %swap3A_569] : memref<1024x32xf32, #tpu.memory_space<vmem>>, vector<1024x1xf32>
      tpu.vector_store %arg6[%swap3A_568, %swap3A_569], %broadcast_in_dim3A_557 {strides = array<i32>} : memref<1024x32xf32, #tpu.memory_space<vmem>>, vector<1024x1xf32>,
      %swap3A_571 = arith.constant 0 : index
      %swap3A_572 = arith.constant 22 : index
      %swap3A_573 = vector.load %arg7[%swap3A_571, %swap3A_572] : memref<1024x32xf32, #tpu.memory_space<vmem>>, vector<1024x1xf32>
      tpu.vector_store %arg7[%swap3A_571, %swap3A_572], %broadcast_in_dim3A_567 {strides = array<i32>} : memref<1024x32xf32, #tpu.memory_space<vmem>>, vector<1024x1xf32>,
      %gt3A_574 = arith.constant 7 : i32
      %gt3A_575 = arith.cmpi sgt, %min3A_159, %gt3A_574 : i32
      %convert_element_type3A_576 = arith.extui %gt3A_575 : i1 to i32
      %cond3A_577 = arith.constant 0 : i32
      %cond3A_578 = arith.cmpi ne, %convert_element_type3A_576, %cond3A_577 : i32
      scf.if %cond3A_578 {
        %eq3A_579 = vector.broadcast %slice3A_554 : vector<1x512xf32> to vector<1024x512xf32>
        %eq3A_580 = vector.broadcast %broadcast_in_dim3A_567 : vector<1024x1xf32> to vector<1024x512xf32>
        %eq3A_581 = arith.cmpf oeq, %eq3A_579, %eq3A_580 : vector<1024x512xf32>
        %jit3A_582 = arith.constant 0x7F800000 : f32
        %broadcast_in_dim3A_583 = vector.broadcast %jit3A_582 : f32 to vector<1024x512xf32>
        %select_n3A_584 = arith.select %eq3A_581, %broadcast_in_dim3A_583, %get3A_553 : vector<1024x512xi1>, vector<1024x512xf32>
        %swap3A_585 = arith.constant 0 : index
        %swap3A_586 = arith.constant 1024 : index
        %swap3A_587 = vector.load %arg5[%swap3A_585, %swap3A_586] : memref<1024x2048xf32, #tpu.memory_space<vmem>>, vector<1024x512xf32>
        tpu.vector_store %arg5[%swap3A_585, %swap3A_586], %select_n3A_584 {strides = array<i32>} : memref<1024x2048xf32, #tpu.memory_space<vmem>>, vector<1024x512xf32>,
      } else {
      }
    } else {
    }
    %gt3A_377 = arith.constant 6 : i32
    %gt3A_378 = arith.cmpi sgt, %min3A_218, %gt3A_377 : i32
    %convert_element_type3A_379 = arith.extui %gt3A_378 : i1 to i32
    %cond3A_380 = arith.constant 0 : i32
    %cond3A_381 = arith.cmpi ne, %convert_element_type3A_379, %cond3A_380 : i32
    scf.if %cond3A_381 {
      %get3A_551 = arith.constant 0 : index
      %get3A_552 = arith.constant 1536 : index
      %get3A_553 = vector.load %arg5[%get3A_551, %get3A_552] : memref<1024x2048xf32, #tpu.memory_space<vmem>>, vector<1024x512xf32>
      %slice3A_554 = vector.extract_strided_slice %convert_element_type3A {offsets = [0, 1536], sizes = [1, 512], strides = [1, 1]} : vector<1x2048xf32> to vector<1x512xf32>
      %reduce_min3A_555 = arith.constant dense<0x7F800000> : vector<1024xf32>
      %reduce_min3A_556 = vector.multi_reduction <minimumf>, %get3A_553, %reduce_min3A_555 [1] : vector<1024x512xf32> to vector<1024xf32>
      %broadcast_in_dim3A_557 = vector.shape_cast %reduce_min3A_556 : vector<1024xf32> to vector<1024x1xf32>
      %le3A_558 = vector.broadcast %broadcast_in_dim3A_557 : vector<1024x1xf32> to vector<1024x512xf32>
      %le3A_559 = arith.cmpf ole, %get3A_553, %le3A_558 : vector<1024x512xf32>
      %jit3A_560 = arith.constant 0x4B440100 : f32
      %broadcast_in_dim3A_561 = vector.shape_cast %slice3A_554 : vector<1x512xf32> to vector<1x512xf32>
      %broadcast_in_dim3A_562 = vector.broadcast %broadcast_in_dim3A_561 : vector<1x512xf32> to vector<1024x512xf32>
      %broadcast_in_dim3A_563 = vector.broadcast %jit3A_560 : f32 to vector<1024x512xf32>
      %select_n3A_564 = arith.select %le3A_559, %broadcast_in_dim3A_562, %broadcast_in_dim3A_563 : vector<1024x512xi1>, vector<1024x512xf32>
      %reduce_min3A_565 = arith.constant dense<0x7F800000> : vector<1024xf32>
      %reduce_min3A_566 = vector.multi_reduction <minimumf>, %select_n3A_564, %reduce_min3A_565 [1] : vector<1024x512xf32> to vector<1024xf32>
      %broadcast_in_dim3A_567 = vector.shape_cast %reduce_min3A_566 : vector<1024xf32> to vector<1024x1xf32>
      %swap3A_568 = arith.constant 0 : index
      %swap3A_569 = arith.constant 30 : index
      %swap3A_570 = vector.load %arg6[%swap3A_568, %swap3A_569] : memref<1024x32xf32, #tpu.memory_space<vmem>>, vector<1024x1xf32>
      tpu.vector_store %arg6[%swap3A_568, %swap3A_569], %broadcast_in_dim3A_557 {strides = array<i32>} : memref<1024x32xf32, #tpu.memory_space<vmem>>, vector<1024x1xf32>,
      %swap3A_571 = arith.constant 0 : index
      %swap3A_572 = arith.constant 30 : index
      %swap3A_573 = vector.load %arg7[%swap3A_571, %swap3A_572] : memref<1024x32xf32, #tpu.memory_space<vmem>>, vector<1024x1xf32>
      tpu.vector_store %arg7[%swap3A_571, %swap3A_572], %broadcast_in_dim3A_567 {strides = array<i32>} : memref<1024x32xf32, #tpu.memory_space<vmem>>, vector<1024x1xf32>,
      %gt3A_574 = arith.constant 7 : i32
      %gt3A_575 = arith.cmpi sgt, %min3A_218, %gt3A_574 : i32
      %convert_element_type3A_576 = arith.extui %gt3A_575 : i1 to i32
      %cond3A_577 = arith.constant 0 : i32
      %cond3A_578 = arith.cmpi ne, %convert_element_type3A_576, %cond3A_577 : i32
      scf.if %cond3A_578 {
        %eq3A_579 = vector.broadcast %slice3A_554 : vector<1x512xf32> to vector<1024x512xf32>
        %eq3A_580 = vector.broadcast %broadcast_in_dim3A_567 : vector<1024x1xf32> to vector<1024x512xf32>
        %eq3A_581 = arith.cmpf oeq, %eq3A_579, %eq3A_580 : vector<1024x512xf32>
        %jit3A_582 = arith.constant 0x7F800000 : f32
        %broadcast_in_dim3A_583 = vector.broadcast %jit3A_582 : f32 to vector<1024x512xf32>
        %select_n3A_584 = arith.select %eq3A_581, %broadcast_in_dim3A_583, %get3A_553 : vector<1024x512xi1>, vector<1024x512xf32>
        %swap3A_585 = arith.constant 0 : index
        %swap3A_586 = arith.constant 1536 : index
        %swap3A_587 = vector.load %arg5[%swap3A_585, %swap3A_586] : memref<1024x2048xf32, #tpu.memory_space<vmem>>, vector<1024x512xf32>
        tpu.vector_store %arg5[%swap3A_585, %swap3A_586], %select_n3A_584 {strides = array<i32>} : memref<1024x2048xf32, #tpu.memory_space<vmem>>, vector<1024x512xf32>,
      } else {
      }
    } else {
    }
    %gt3A_382 = arith.constant 7 : i32
    %gt3A_383 = arith.cmpi sgt, %min3A_46, %gt3A_382 : i32
    %convert_element_type3A_384 = arith.extui %gt3A_383 : i1 to i32
    %cond3A_385 = arith.constant 0 : i32
    %cond3A_386 = arith.cmpi ne, %convert_element_type3A_384, %cond3A_385 : i32
    scf.if %cond3A_386 {
      %get3A_551 = arith.constant 0 : index
      %get3A_552 = arith.constant 0 : index
      %get3A_553 = vector.load %arg5[%get3A_551, %get3A_552] : memref<1024x2048xf32, #tpu.memory_space<vmem>>, vector<1024x512xf32>
      %slice3A_554 = vector.extract_strided_slice %convert_element_type3A {offsets = [0, 0], sizes = [1, 512], strides = [1, 1]} : vector<1x2048xf32> to vector<1x512xf32>
      %reduce_min3A_555 = arith.constant dense<0x7F800000> : vector<1024xf32>
      %reduce_min3A_556 = vector.multi_reduction <minimumf>, %get3A_553, %reduce_min3A_555 [1] : vector<1024x512xf32> to vector<1024xf32>
      %broadcast_in_dim3A_557 = vector.shape_cast %reduce_min3A_556 : vector<1024xf32> to vector<1024x1xf32>
      %le3A_558 = vector.broadcast %broadcast_in_dim3A_557 : vector<1024x1xf32> to vector<1024x512xf32>
      %le3A_559 = arith.cmpf ole, %get3A_553, %le3A_558 : vector<1024x512xf32>
      %jit3A_560 = arith.constant 0x4B440100 : f32
      %broadcast_in_dim3A_561 = vector.shape_cast %slice3A_554 : vector<1x512xf32> to vector<1x512xf32>
      %broadcast_in_dim3A_562 = vector.broadcast %broadcast_in_dim3A_561 : vector<1x512xf32> to vector<1024x512xf32>
      %broadcast_in_dim3A_563 = vector.broadcast %jit3A_560 : f32 to vector<1024x512xf32>
      %select_n3A_564 = arith.select %le3A_559, %broadcast_in_dim3A_562, %broadcast_in_dim3A_563 : vector<1024x512xi1>, vector<1024x512xf32>
      %reduce_min3A_565 = arith.constant dense<0x7F800000> : vector<1024xf32>
      %reduce_min3A_566 = vector.multi_reduction <minimumf>, %select_n3A_564, %reduce_min3A_565 [1] : vector<1024x512xf32> to vector<1024xf32>
      %broadcast_in_dim3A_567 = vector.shape_cast %reduce_min3A_566 : vector<1024xf32> to vector<1024x1xf32>
      %swap3A_568 = arith.constant 0 : index
      %swap3A_569 = arith.constant 7 : index
      %swap3A_570 = vector.load %arg6[%swap3A_568, %swap3A_569] : memref<1024x32xf32, #tpu.memory_space<vmem>>, vector<1024x1xf32>
      tpu.vector_store %arg6[%swap3A_568, %swap3A_569], %broadcast_in_dim3A_557 {strides = array<i32>} : memref<1024x32xf32, #tpu.memory_space<vmem>>, vector<1024x1xf32>,
      %swap3A_571 = arith.constant 0 : index
      %swap3A_572 = arith.constant 7 : index
      %swap3A_573 = vector.load %arg7[%swap3A_571, %swap3A_572] : memref<1024x32xf32, #tpu.memory_space<vmem>>, vector<1024x1xf32>
      tpu.vector_store %arg7[%swap3A_571, %swap3A_572], %broadcast_in_dim3A_567 {strides = array<i32>} : memref<1024x32xf32, #tpu.memory_space<vmem>>, vector<1024x1xf32>,
    } else {
    }
    %gt3A_387 = arith.constant 7 : i32
    %gt3A_388 = arith.cmpi sgt, %min3A_100, %gt3A_387 : i32
    %convert_element_type3A_389 = arith.extui %gt3A_388 : i1 to i32
    %cond3A_390 = arith.constant 0 : i32
    %cond3A_391 = arith.cmpi ne, %convert_element_type3A_389, %cond3A_390 : i32
    scf.if %cond3A_391 {
      %get3A_551 = arith.constant 0 : index
      %get3A_552 = arith.constant 512 : index
      %get3A_553 = vector.load %arg5[%get3A_551, %get3A_552] : memref<1024x2048xf32, #tpu.memory_space<vmem>>, vector<1024x512xf32>
      %slice3A_554 = vector.extract_strided_slice %convert_element_type3A {offsets = [0, 512], sizes = [1, 512], strides = [1, 1]} : vector<1x2048xf32> to vector<1x512xf32>
      %reduce_min3A_555 = arith.constant dense<0x7F800000> : vector<1024xf32>
      %reduce_min3A_556 = vector.multi_reduction <minimumf>, %get3A_553, %reduce_min3A_555 [1] : vector<1024x512xf32> to vector<1024xf32>
      %broadcast_in_dim3A_557 = vector.shape_cast %reduce_min3A_556 : vector<1024xf32> to vector<1024x1xf32>
      %le3A_558 = vector.broadcast %broadcast_in_dim3A_557 : vector<1024x1xf32> to vector<1024x512xf32>
      %le3A_559 = arith.cmpf ole, %get3A_553, %le3A_558 : vector<1024x512xf32>
      %jit3A_560 = arith.constant 0x4B440100 : f32
      %broadcast_in_dim3A_561 = vector.shape_cast %slice3A_554 : vector<1x512xf32> to vector<1x512xf32>
      %broadcast_in_dim3A_562 = vector.broadcast %broadcast_in_dim3A_561 : vector<1x512xf32> to vector<1024x512xf32>
      %broadcast_in_dim3A_563 = vector.broadcast %jit3A_560 : f32 to vector<1024x512xf32>
      %select_n3A_564 = arith.select %le3A_559, %broadcast_in_dim3A_562, %broadcast_in_dim3A_563 : vector<1024x512xi1>, vector<1024x512xf32>
      %reduce_min3A_565 = arith.constant dense<0x7F800000> : vector<1024xf32>
      %reduce_min3A_566 = vector.multi_reduction <minimumf>, %select_n3A_564, %reduce_min3A_565 [1] : vector<1024x512xf32> to vector<1024xf32>
      %broadcast_in_dim3A_567 = vector.shape_cast %reduce_min3A_566 : vector<1024xf32> to vector<1024x1xf32>
      %swap3A_568 = arith.constant 0 : index
      %swap3A_569 = arith.constant 15 : index
      %swap3A_570 = vector.load %arg6[%swap3A_568, %swap3A_569] : memref<1024x32xf32, #tpu.memory_space<vmem>>, vector<1024x1xf32>
      tpu.vector_store %arg6[%swap3A_568, %swap3A_569], %broadcast_in_dim3A_557 {strides = array<i32>} : memref<1024x32xf32, #tpu.memory_space<vmem>>, vector<1024x1xf32>,
      %swap3A_571 = arith.constant 0 : index
      %swap3A_572 = arith.constant 15 : index
      %swap3A_573 = vector.load %arg7[%swap3A_571, %swap3A_572] : memref<1024x32xf32, #tpu.memory_space<vmem>>, vector<1024x1xf32>
      tpu.vector_store %arg7[%swap3A_571, %swap3A_572], %broadcast_in_dim3A_567 {strides = array<i32>} : memref<1024x32xf32, #tpu.memory_space<vmem>>, vector<1024x1xf32>,
    } else {
    }
    %gt3A_392 = arith.constant 7 : i32
    %gt3A_393 = arith.cmpi sgt, %min3A_159, %gt3A_392 : i32
    %convert_element_type3A_394 = arith.extui %gt3A_393 : i1 to i32
    %cond3A_395 = arith.constant 0 : i32
    %cond3A_396 = arith.cmpi ne, %convert_element_type3A_394, %cond3A_395 : i32
    scf.if %cond3A_396 {
      %get3A_551 = arith.constant 0 : index
      %get3A_552 = arith.constant 1024 : index
      %get3A_553 = vector.load %arg5[%get3A_551, %get3A_552] : memref<1024x2048xf32, #tpu.memory_space<vmem>>, vector<1024x512xf32>
      %slice3A_554 = vector.extract_strided_slice %convert_element_type3A {offsets = [0, 1024], sizes = [1, 512], strides = [1, 1]} : vector<1x2048xf32> to vector<1x512xf32>
      %reduce_min3A_555 = arith.constant dense<0x7F800000> : vector<1024xf32>
      %reduce_min3A_556 = vector.multi_reduction <minimumf>, %get3A_553, %reduce_min3A_555 [1] : vector<1024x512xf32> to vector<1024xf32>
      %broadcast_in_dim3A_557 = vector.shape_cast %reduce_min3A_556 : vector<1024xf32> to vector<1024x1xf32>
      %le3A_558 = vector.broadcast %broadcast_in_dim3A_557 : vector<1024x1xf32> to vector<1024x512xf32>
      %le3A_559 = arith.cmpf ole, %get3A_553, %le3A_558 : vector<1024x512xf32>
      %jit3A_560 = arith.constant 0x4B440100 : f32
      %broadcast_in_dim3A_561 = vector.shape_cast %slice3A_554 : vector<1x512xf32> to vector<1x512xf32>
      %broadcast_in_dim3A_562 = vector.broadcast %broadcast_in_dim3A_561 : vector<1x512xf32> to vector<1024x512xf32>
      %broadcast_in_dim3A_563 = vector.broadcast %jit3A_560 : f32 to vector<1024x512xf32>
      %select_n3A_564 = arith.select %le3A_559, %broadcast_in_dim3A_562, %broadcast_in_dim3A_563 : vector<1024x512xi1>, vector<1024x512xf32>
      %reduce_min3A_565 = arith.constant dense<0x7F800000> : vector<1024xf32>
      %reduce_min3A_566 = vector.multi_reduction <minimumf>, %select_n3A_564, %reduce_min3A_565 [1] : vector<1024x512xf32> to vector<1024xf32>
      %broadcast_in_dim3A_567 = vector.shape_cast %reduce_min3A_566 : vector<1024xf32> to vector<1024x1xf32>
      %swap3A_568 = arith.constant 0 : index
      %swap3A_569 = arith.constant 23 : index
      %swap3A_570 = vector.load %arg6[%swap3A_568, %swap3A_569] : memref<1024x32xf32, #tpu.memory_space<vmem>>, vector<1024x1xf32>
      tpu.vector_store %arg6[%swap3A_568, %swap3A_569], %broadcast_in_dim3A_557 {strides = array<i32>} : memref<1024x32xf32, #tpu.memory_space<vmem>>, vector<1024x1xf32>,
      %swap3A_571 = arith.constant 0 : index
      %swap3A_572 = arith.constant 23 : index
      %swap3A_573 = vector.load %arg7[%swap3A_571, %swap3A_572] : memref<1024x32xf32, #tpu.memory_space<vmem>>, vector<1024x1xf32>
      tpu.vector_store %arg7[%swap3A_571, %swap3A_572], %broadcast_in_dim3A_567 {strides = array<i32>} : memref<1024x32xf32, #tpu.memory_space<vmem>>, vector<1024x1xf32>,
    } else {
    }
    %gt3A_397 = arith.constant 7 : i32
    %gt3A_398 = arith.cmpi sgt, %min3A_218, %gt3A_397 : i32
    %convert_element_type3A_399 = arith.extui %gt3A_398 : i1 to i32
    %cond3A_400 = arith.constant 0 : i32
    %cond3A_401 = arith.cmpi ne, %convert_element_type3A_399, %cond3A_400 : i32
    scf.if %cond3A_401 {
      %get3A_551 = arith.constant 0 : index
      %get3A_552 = arith.constant 1536 : index
      %get3A_553 = vector.load %arg5[%get3A_551, %get3A_552] : memref<1024x2048xf32, #tpu.memory_space<vmem>>, vector<1024x512xf32>
      %slice3A_554 = vector.extract_strided_slice %convert_element_type3A {offsets = [0, 1536], sizes = [1, 512], strides = [1, 1]} : vector<1x2048xf32> to vector<1x512xf32>
      %reduce_min3A_555 = arith.constant dense<0x7F800000> : vector<1024xf32>
      %reduce_min3A_556 = vector.multi_reduction <minimumf>, %get3A_553, %reduce_min3A_555 [1] : vector<1024x512xf32> to vector<1024xf32>
      %broadcast_in_dim3A_557 = vector.shape_cast %reduce_min3A_556 : vector<1024xf32> to vector<1024x1xf32>
      %le3A_558 = vector.broadcast %broadcast_in_dim3A_557 : vector<1024x1xf32> to vector<1024x512xf32>
      %le3A_559 = arith.cmpf ole, %get3A_553, %le3A_558 : vector<1024x512xf32>
      %jit3A_560 = arith.constant 0x4B440100 : f32
      %broadcast_in_dim3A_561 = vector.shape_cast %slice3A_554 : vector<1x512xf32> to vector<1x512xf32>
      %broadcast_in_dim3A_562 = vector.broadcast %broadcast_in_dim3A_561 : vector<1x512xf32> to vector<1024x512xf32>
      %broadcast_in_dim3A_563 = vector.broadcast %jit3A_560 : f32 to vector<1024x512xf32>
      %select_n3A_564 = arith.select %le3A_559, %broadcast_in_dim3A_562, %broadcast_in_dim3A_563 : vector<1024x512xi1>, vector<1024x512xf32>
      %reduce_min3A_565 = arith.constant dense<0x7F800000> : vector<1024xf32>
      %reduce_min3A_566 = vector.multi_reduction <minimumf>, %select_n3A_564, %reduce_min3A_565 [1] : vector<1024x512xf32> to vector<1024xf32>
      %broadcast_in_dim3A_567 = vector.shape_cast %reduce_min3A_566 : vector<1024xf32> to vector<1024x1xf32>
      %swap3A_568 = arith.constant 0 : index
      %swap3A_569 = arith.constant 31 : index
      %swap3A_570 = vector.load %arg6[%swap3A_568, %swap3A_569] : memref<1024x32xf32, #tpu.memory_space<vmem>>, vector<1024x1xf32>
      tpu.vector_store %arg6[%swap3A_568, %swap3A_569], %broadcast_in_dim3A_557 {strides = array<i32>} : memref<1024x32xf32, #tpu.memory_space<vmem>>, vector<1024x1xf32>,
      %swap3A_571 = arith.constant 0 : index
      %swap3A_572 = arith.constant 31 : index
      %swap3A_573 = vector.load %arg7[%swap3A_571, %swap3A_572] : memref<1024x32xf32, #tpu.memory_space<vmem>>, vector<1024x1xf32>
      tpu.vector_store %arg7[%swap3A_571, %swap3A_572], %broadcast_in_dim3A_567 {strides = array<i32>} : memref<1024x32xf32, #tpu.memory_space<vmem>>, vector<1024x1xf32>,
    } else {
    }
    %get3A_402 = arith.constant 0 : index
    %get3A_403 = arith.constant 0 : index
    %get3A_404 = vector.load %arg8[%get3A_402, %get3A_403] : memref<1024x8xf32, #tpu.memory_space<vmem>>, vector<1024x8xf32>
    %get3A_405 = arith.constant 0 : index
    %get3A_406 = arith.constant 0 : index
    %get3A_407 = vector.load %arg6[%get3A_405, %get3A_406] : memref<1024x32xf32, #tpu.memory_space<vmem>>, vector<1024x32xf32>
    %concatenate3A = tpu.concatenate %get3A_404, %get3A_407 in 1 : vector<1024x8xf32>, vector<1024x32xf32> -> vector<1024x40xf32>
    %get3A_408 = arith.constant 0 : index
    %get3A_409 = arith.constant 0 : index
    %get3A_410 = vector.load %arg9[%get3A_408, %get3A_409] : memref<1024x8xf32, #tpu.memory_space<vmem>>, vector<1024x8xf32>
    %get3A_411 = arith.constant 0 : index
    %get3A_412 = arith.constant 0 : index
    %get3A_413 = vector.load %arg7[%get3A_411, %get3A_412] : memref<1024x32xf32, #tpu.memory_space<vmem>>, vector<1024x32xf32>
    %concatenate3A_414 = tpu.concatenate %get3A_410, %get3A_413 in 1 : vector<1024x8xf32>, vector<1024x32xf32> -> vector<1024x40xf32>
    %reduce_min3A_415 = arith.constant dense<0x7F800000> : vector<1024xf32>
    %reduce_min3A_416 = vector.multi_reduction <minimumf>, %concatenate3A, %reduce_min3A_415 [1] : vector<1024x40xf32> to vector<1024xf32>
    %broadcast_in_dim3A_417 = vector.shape_cast %reduce_min3A_416 : vector<1024xf32> to vector<1024x1xf32>
    %le3A_418 = vector.broadcast %broadcast_in_dim3A_417 : vector<1024x1xf32> to vector<1024x40xf32>
    %le3A_419 = arith.cmpf ole, %concatenate3A, %le3A_418 : vector<1024x40xf32>
    %jit3A_420 = arith.constant 0x4B440100 : f32
    %broadcast_in_dim3A_421 = vector.broadcast %jit3A_420 : f32 to vector<1024x40xf32>
    %select_n3A_422 = arith.select %le3A_419, %concatenate3A_414, %broadcast_in_dim3A_421 : vector<1024x40xi1>, vector<1024x40xf32>
    %reduce_min3A_423 = arith.constant dense<0x7F800000> : vector<1024xf32>
    %reduce_min3A_424 = vector.multi_reduction <minimumf>, %select_n3A_422, %reduce_min3A_423 [1] : vector<1024x40xf32> to vector<1024xf32>
    %broadcast_in_dim3A_425 = vector.shape_cast %reduce_min3A_424 : vector<1024xf32> to vector<1024x1xf32>
    %eq3A_426 = vector.broadcast %broadcast_in_dim3A_425 : vector<1024x1xf32> to vector<1024x40xf32>
    %eq3A_427 = arith.cmpf oeq, %concatenate3A_414, %eq3A_426 : vector<1024x40xf32>
    %jit3A_428 = arith.constant 0x7F800000 : f32
    %broadcast_in_dim3A_429 = vector.broadcast %jit3A_428 : f32 to vector<1024x40xf32>
    %select_n3A_430 = arith.select %eq3A_427, %broadcast_in_dim3A_429, %concatenate3A : vector<1024x40xi1>, vector<1024x40xf32>
    %reduce_min3A_431 = arith.constant dense<0x7F800000> : vector<1024xf32>
    %reduce_min3A_432 = vector.multi_reduction <minimumf>, %select_n3A_430, %reduce_min3A_431 [1] : vector<1024x40xf32> to vector<1024xf32>
    %broadcast_in_dim3A_433 = vector.shape_cast %reduce_min3A_432 : vector<1024xf32> to vector<1024x1xf32>
    %le3A_434 = vector.broadcast %broadcast_in_dim3A_433 : vector<1024x1xf32> to vector<1024x40xf32>
    %le3A_435 = arith.cmpf ole, %select_n3A_430, %le3A_434 : vector<1024x40xf32>
    %jit3A_436 = arith.constant 0x4B440100 : f32
    %broadcast_in_dim3A_437 = vector.broadcast %jit3A_436 : f32 to vector<1024x40xf32>
    %select_n3A_438 = arith.select %le3A_435, %concatenate3A_414, %broadcast_in_dim3A_437 : vector<1024x40xi1>, vector<1024x40xf32>
    %reduce_min3A_439 = arith.constant dense<0x7F800000> : vector<1024xf32>
    %reduce_min3A_440 = vector.multi_reduction <minimumf>, %select_n3A_438, %reduce_min3A_439 [1] : vector<1024x40xf32> to vector<1024xf32>
    %broadcast_in_dim3A_441 = vector.shape_cast %reduce_min3A_440 : vector<1024xf32> to vector<1024x1xf32>
    %eq3A_442 = vector.broadcast %broadcast_in_dim3A_441 : vector<1024x1xf32> to vector<1024x40xf32>
    %eq3A_443 = arith.cmpf oeq, %concatenate3A_414, %eq3A_442 : vector<1024x40xf32>
    %jit3A_444 = arith.constant 0x7F800000 : f32
    %broadcast_in_dim3A_445 = vector.broadcast %jit3A_444 : f32 to vector<1024x40xf32>
    %select_n3A_446 = arith.select %eq3A_443, %broadcast_in_dim3A_445, %select_n3A_430 : vector<1024x40xi1>, vector<1024x40xf32>
    %reduce_min3A_447 = arith.constant dense<0x7F800000> : vector<1024xf32>
    %reduce_min3A_448 = vector.multi_reduction <minimumf>, %select_n3A_446, %reduce_min3A_447 [1] : vector<1024x40xf32> to vector<1024xf32>
    %broadcast_in_dim3A_449 = vector.shape_cast %reduce_min3A_448 : vector<1024xf32> to vector<1024x1xf32>
    %le3A_450 = vector.broadcast %broadcast_in_dim3A_449 : vector<1024x1xf32> to vector<1024x40xf32>
    %le3A_451 = arith.cmpf ole, %select_n3A_446, %le3A_450 : vector<1024x40xf32>
    %jit3A_452 = arith.constant 0x4B440100 : f32
    %broadcast_in_dim3A_453 = vector.broadcast %jit3A_452 : f32 to vector<1024x40xf32>
    %select_n3A_454 = arith.select %le3A_451, %concatenate3A_414, %broadcast_in_dim3A_453 : vector<1024x40xi1>, vector<1024x40xf32>
    %reduce_min3A_455 = arith.constant dense<0x7F800000> : vector<1024xf32>
    %reduce_min3A_456 = vector.multi_reduction <minimumf>, %select_n3A_454, %reduce_min3A_455 [1] : vector<1024x40xf32> to vector<1024xf32>
    %broadcast_in_dim3A_457 = vector.shape_cast %reduce_min3A_456 : vector<1024xf32> to vector<1024x1xf32>
    %eq3A_458 = vector.broadcast %broadcast_in_dim3A_457 : vector<1024x1xf32> to vector<1024x40xf32>
    %eq3A_459 = arith.cmpf oeq, %concatenate3A_414, %eq3A_458 : vector<1024x40xf32>
    %jit3A_460 = arith.constant 0x7F800000 : f32
    %broadcast_in_dim3A_461 = vector.broadcast %jit3A_460 : f32 to vector<1024x40xf32>
    %select_n3A_462 = arith.select %eq3A_459, %broadcast_in_dim3A_461, %select_n3A_446 : vector<1024x40xi1>, vector<1024x40xf32>
    %reduce_min3A_463 = arith.constant dense<0x7F800000> : vector<1024xf32>
    %reduce_min3A_464 = vector.multi_reduction <minimumf>, %select_n3A_462, %reduce_min3A_463 [1] : vector<1024x40xf32> to vector<1024xf32>
    %broadcast_in_dim3A_465 = vector.shape_cast %reduce_min3A_464 : vector<1024xf32> to vector<1024x1xf32>
    %le3A_466 = vector.broadcast %broadcast_in_dim3A_465 : vector<1024x1xf32> to vector<1024x40xf32>
    %le3A_467 = arith.cmpf ole, %select_n3A_462, %le3A_466 : vector<1024x40xf32>
    %jit3A_468 = arith.constant 0x4B440100 : f32
    %broadcast_in_dim3A_469 = vector.broadcast %jit3A_468 : f32 to vector<1024x40xf32>
    %select_n3A_470 = arith.select %le3A_467, %concatenate3A_414, %broadcast_in_dim3A_469 : vector<1024x40xi1>, vector<1024x40xf32>
    %reduce_min3A_471 = arith.constant dense<0x7F800000> : vector<1024xf32>
    %reduce_min3A_472 = vector.multi_reduction <minimumf>, %select_n3A_470, %reduce_min3A_471 [1] : vector<1024x40xf32> to vector<1024xf32>
    %broadcast_in_dim3A_473 = vector.shape_cast %reduce_min3A_472 : vector<1024xf32> to vector<1024x1xf32>
    %eq3A_474 = vector.broadcast %broadcast_in_dim3A_473 : vector<1024x1xf32> to vector<1024x40xf32>
    %eq3A_475 = arith.cmpf oeq, %concatenate3A_414, %eq3A_474 : vector<1024x40xf32>
    %jit3A_476 = arith.constant 0x7F800000 : f32
    %broadcast_in_dim3A_477 = vector.broadcast %jit3A_476 : f32 to vector<1024x40xf32>
    %select_n3A_478 = arith.select %eq3A_475, %broadcast_in_dim3A_477, %select_n3A_462 : vector<1024x40xi1>, vector<1024x40xf32>
    %reduce_min3A_479 = arith.constant dense<0x7F800000> : vector<1024xf32>
    %reduce_min3A_480 = vector.multi_reduction <minimumf>, %select_n3A_478, %reduce_min3A_479 [1] : vector<1024x40xf32> to vector<1024xf32>
    %broadcast_in_dim3A_481 = vector.shape_cast %reduce_min3A_480 : vector<1024xf32> to vector<1024x1xf32>
    %le3A_482 = vector.broadcast %broadcast_in_dim3A_481 : vector<1024x1xf32> to vector<1024x40xf32>
    %le3A_483 = arith.cmpf ole, %select_n3A_478, %le3A_482 : vector<1024x40xf32>
    %jit3A_484 = arith.constant 0x4B440100 : f32
    %broadcast_in_dim3A_485 = vector.broadcast %jit3A_484 : f32 to vector<1024x40xf32>
    %select_n3A_486 = arith.select %le3A_483, %concatenate3A_414, %broadcast_in_dim3A_485 : vector<1024x40xi1>, vector<1024x40xf32>
    %reduce_min3A_487 = arith.constant dense<0x7F800000> : vector<1024xf32>
    %reduce_min3A_488 = vector.multi_reduction <minimumf>, %select_n3A_486, %reduce_min3A_487 [1] : vector<1024x40xf32> to vector<1024xf32>
    %broadcast_in_dim3A_489 = vector.shape_cast %reduce_min3A_488 : vector<1024xf32> to vector<1024x1xf32>
    %eq3A_490 = vector.broadcast %broadcast_in_dim3A_489 : vector<1024x1xf32> to vector<1024x40xf32>
    %eq3A_491 = arith.cmpf oeq, %concatenate3A_414, %eq3A_490 : vector<1024x40xf32>
    %jit3A_492 = arith.constant 0x7F800000 : f32
    %broadcast_in_dim3A_493 = vector.broadcast %jit3A_492 : f32 to vector<1024x40xf32>
    %select_n3A_494 = arith.select %eq3A_491, %broadcast_in_dim3A_493, %select_n3A_478 : vector<1024x40xi1>, vector<1024x40xf32>
    %reduce_min3A_495 = arith.constant dense<0x7F800000> : vector<1024xf32>
    %reduce_min3A_496 = vector.multi_reduction <minimumf>, %select_n3A_494, %reduce_min3A_495 [1] : vector<1024x40xf32> to vector<1024xf32>
    %broadcast_in_dim3A_497 = vector.shape_cast %reduce_min3A_496 : vector<1024xf32> to vector<1024x1xf32>
    %le3A_498 = vector.broadcast %broadcast_in_dim3A_497 : vector<1024x1xf32> to vector<1024x40xf32>
    %le3A_499 = arith.cmpf ole, %select_n3A_494, %le3A_498 : vector<1024x40xf32>
    %jit3A_500 = arith.constant 0x4B440100 : f32
    %broadcast_in_dim3A_501 = vector.broadcast %jit3A_500 : f32 to vector<1024x40xf32>
    %select_n3A_502 = arith.select %le3A_499, %concatenate3A_414, %broadcast_in_dim3A_501 : vector<1024x40xi1>, vector<1024x40xf32>
    %reduce_min3A_503 = arith.constant dense<0x7F800000> : vector<1024xf32>
    %reduce_min3A_504 = vector.multi_reduction <minimumf>, %select_n3A_502, %reduce_min3A_503 [1] : vector<1024x40xf32> to vector<1024xf32>
    %broadcast_in_dim3A_505 = vector.shape_cast %reduce_min3A_504 : vector<1024xf32> to vector<1024x1xf32>
    %eq3A_506 = vector.broadcast %broadcast_in_dim3A_505 : vector<1024x1xf32> to vector<1024x40xf32>
    %eq3A_507 = arith.cmpf oeq, %concatenate3A_414, %eq3A_506 : vector<1024x40xf32>
    %jit3A_508 = arith.constant 0x7F800000 : f32
    %broadcast_in_dim3A_509 = vector.broadcast %jit3A_508 : f32 to vector<1024x40xf32>
    %select_n3A_510 = arith.select %eq3A_507, %broadcast_in_dim3A_509, %select_n3A_494 : vector<1024x40xi1>, vector<1024x40xf32>
    %reduce_min3A_511 = arith.constant dense<0x7F800000> : vector<1024xf32>
    %reduce_min3A_512 = vector.multi_reduction <minimumf>, %select_n3A_510, %reduce_min3A_511 [1] : vector<1024x40xf32> to vector<1024xf32>
    %broadcast_in_dim3A_513 = vector.shape_cast %reduce_min3A_512 : vector<1024xf32> to vector<1024x1xf32>
    %le3A_514 = vector.broadcast %broadcast_in_dim3A_513 : vector<1024x1xf32> to vector<1024x40xf32>
    %le3A_515 = arith.cmpf ole, %select_n3A_510, %le3A_514 : vector<1024x40xf32>
    %jit3A_516 = arith.constant 0x4B440100 : f32
    %broadcast_in_dim3A_517 = vector.broadcast %jit3A_516 : f32 to vector<1024x40xf32>
    %select_n3A_518 = arith.select %le3A_515, %concatenate3A_414, %broadcast_in_dim3A_517 : vector<1024x40xi1>, vector<1024x40xf32>
    %reduce_min3A_519 = arith.constant dense<0x7F800000> : vector<1024xf32>
    %reduce_min3A_520 = vector.multi_reduction <minimumf>, %select_n3A_518, %reduce_min3A_519 [1] : vector<1024x40xf32> to vector<1024xf32>
    %broadcast_in_dim3A_521 = vector.shape_cast %reduce_min3A_520 : vector<1024xf32> to vector<1024x1xf32>
    %eq3A_522 = vector.broadcast %broadcast_in_dim3A_521 : vector<1024x1xf32> to vector<1024x40xf32>
    %eq3A_523 = arith.cmpf oeq, %concatenate3A_414, %eq3A_522 : vector<1024x40xf32>
    %jit3A_524 = arith.constant 0x7F800000 : f32
    %broadcast_in_dim3A_525 = vector.broadcast %jit3A_524 : f32 to vector<1024x40xf32>
    %select_n3A_526 = arith.select %eq3A_523, %broadcast_in_dim3A_525, %select_n3A_510 : vector<1024x40xi1>, vector<1024x40xf32>
    %reduce_min3A_527 = arith.constant dense<0x7F800000> : vector<1024xf32>
    %reduce_min3A_528 = vector.multi_reduction <minimumf>, %select_n3A_526, %reduce_min3A_527 [1] : vector<1024x40xf32> to vector<1024xf32>
    %broadcast_in_dim3A_529 = vector.shape_cast %reduce_min3A_528 : vector<1024xf32> to vector<1024x1xf32>
    %le3A_530 = vector.broadcast %broadcast_in_dim3A_529 : vector<1024x1xf32> to vector<1024x40xf32>
    %le3A_531 = arith.cmpf ole, %select_n3A_526, %le3A_530 : vector<1024x40xf32>
    %jit3A_532 = arith.constant 0x4B440100 : f32
    %broadcast_in_dim3A_533 = vector.broadcast %jit3A_532 : f32 to vector<1024x40xf32>
    %select_n3A_534 = arith.select %le3A_531, %concatenate3A_414, %broadcast_in_dim3A_533 : vector<1024x40xi1>, vector<1024x40xf32>
    %reduce_min3A_535 = arith.constant dense<0x7F800000> : vector<1024xf32>
    %reduce_min3A_536 = vector.multi_reduction <minimumf>, %select_n3A_534, %reduce_min3A_535 [1] : vector<1024x40xf32> to vector<1024xf32>
    %broadcast_in_dim3A_537 = vector.shape_cast %reduce_min3A_536 : vector<1024xf32> to vector<1024x1xf32>
    %concatenate3A_538 = tpu.concatenate %broadcast_in_dim3A_417, %broadcast_in_dim3A_433, %broadcast_in_dim3A_449, %broadcast_in_dim3A_465, %broadcast_in_dim3A_481, %broadcast_in_dim3A_497, %broadcast_in_dim3A_513, %broadcast_in_dim3A_529 in 1 : vector<1024x1xf32>, vector<1024x1xf32>, vector<1024x1xf32>, vector<1024x1xf32>, vector<1024x1xf32>, vector<1024x1xf32>, vector<1024x1xf32>, vector<1024x1xf32> -> vector<1024x8xf32>
    %swap3A_539 = arith.constant 0 : index
    %swap3A_540 = arith.constant 0 : index
    %swap3A_541 = vector.load %arg8[%swap3A_539, %swap3A_540] : memref<1024x8xf32, #tpu.memory_space<vmem>>, vector<1024x8xf32>
    tpu.vector_store %arg8[%swap3A_539, %swap3A_540], %concatenate3A_538 {strides = array<i32>} : memref<1024x8xf32, #tpu.memory_space<vmem>>, vector<1024x8xf32>,
    %concatenate3A_542 = tpu.concatenate %broadcast_in_dim3A_425, %broadcast_in_dim3A_441, %broadcast_in_dim3A_457, %broadcast_in_dim3A_473, %broadcast_in_dim3A_489, %broadcast_in_dim3A_505, %broadcast_in_dim3A_521, %broadcast_in_dim3A_537 in 1 : vector<1024x1xf32>, vector<1024x1xf32>, vector<1024x1xf32>, vector<1024x1xf32>, vector<1024x1xf32>, vector<1024x1xf32>, vector<1024x1xf32>, vector<1024x1xf32> -> vector<1024x8xf32>
    %swap3A_543 = arith.constant 0 : index
    %swap3A_544 = arith.constant 0 : index
    %swap3A_545 = vector.load %arg9[%swap3A_543, %swap3A_544] : memref<1024x8xf32, #tpu.memory_space<vmem>>, vector<1024x8xf32>
    tpu.vector_store %arg9[%swap3A_543, %swap3A_544], %concatenate3A_542 {strides = array<i32>} : memref<1024x8xf32, #tpu.memory_space<vmem>>, vector<1024x8xf32>,
    %eq3A_546 = arith.constant 48 : i32
    %eq3A_547 = arith.cmpi eq, %arg0, %eq3A_546 : i32
    %convert_element_type3A_548 = arith.extui %eq3A_547 : i1 to i32
    %cond3A_549 = arith.constant 0 : i32
    %cond3A_550 = arith.cmpi ne, %convert_element_type3A_548, %cond3A_549 : i32
    scf.if %cond3A_550 {
      %get3A_551 = arith.constant 0 : index
      %get3A_552 = arith.constant 0 : index
      %get3A_553 = vector.load %arg9[%get3A_551, %get3A_552] : memref<1024x8xf32, #tpu.memory_space<vmem>>, vector<1024x8xf32>
      %swap3A_554 = arith.constant 0 : index
      %swap3A_555 = arith.constant 0 : index
      %swap3A_556 = vector.load %arg4[%swap3A_554, %swap3A_555] : memref<1024x8xf32, #tpu.memory_space<vmem>>, vector<1024x8xf32>
      tpu.vector_store %arg4[%swap3A_554, %swap3A_555], %get3A_553 {strides = array<i32>} : memref<1024x8xf32, #tpu.memory_space<vmem>>, vector<1024x8xf32>,
    } else {
    }
    return
  }
  func.func @transform_0(%arg0: i32) -> (i32, i32) {
    %c0_i32 = arith.constant 0 : i32
    %c0_i32_0 = arith.constant 0 : i32
    %c0_i32_1 = arith.constant 0 : i32
    return %c0_i32, %c0_i32_0 : i32, i32
  }
  func.func @transform_1(%arg0: i32) -> (i32, i32) {
    %c0_i32 = arith.constant 0 : i32
    %c0_i32_0 = arith.constant 0 : i32
    return %c0_i32, %arg0 : i32, i32
  }
  func.func @transform_2(%arg0: i32) -> (i32, i32, i32) {
    %c0_i32 = arith.constant 0 : i32
    %c0_i32_0 = arith.constant 0 : i32
    %c0_i32_1 = arith.constant 0 : i32
    return %arg0, %c0_i32, %c0_i32_0 : i32, i32, i32
  }
  func.func @transform_3(%arg0: i32) -> (i32, i32) {
    %c0_i32 = arith.constant 0 : i32
    %c0_i32_0 = arith.constant 0 : i32
    %c0_i32_1 = arith.constant 0 : i32
    return %c0_i32, %c0_i32_0 : i32, i32
  }
}

</mosaic_0001>

<sc_bundles>
// kernel: kernel.4.cloned.1.call-start
scs
__scs_entry_jumppad:
0x0: {  	(pc) =	sbr.rel $0x88, $3  }
0x1: {  	(tag) =	ssettag $0x0;
	lr =	simm.s32 $0x1  }
0x2: {  	[smem:$0x3F9E] =	sst lr;
	_ =	strace $0xD0000000  }
0x3: {  	_ = 	snop  }
0x4: {  	_ = 	snop  }
0x5: {  	_ = 	snop  }
0x6: {  	_ = 	snop  }
0x7: {  	_ = 	snop  }
__scs_overlays_trampoline_lowered:
0x8: {  	[smem:$0x3FAD] =	sst s0  }
0x9: {  	[smem:$0x3FAE] =	sst s1  }
0xa: {  	[smem:$0x3FAF] =	sst s2  }
0xb: {  	[smem:$0x3FB0] =	sst s3  }
0xc: {  	[smem:$0x3FB1] =	sst s4  }
0xd: {  	[smem:$0x3FB2] =	sst s5  }
0xe: {  	[smem:$0x3FB3] =	sst s6  }
0xf: {  	[smem:$0x3FB4] =	sst s7  }
0x10: {  	[smem:$0x3FB5] =	sst s8  }
0x11: {  	[smem:$0x3FB6] =	sst s9;
	s0 =	simm.s32 @!p0 $0x0  }
0x12: {  	s1 =	sld [smem:$0x3F9C];
	s0 =	simm.s32 @p0 $0x1  }
0x13: {  	[smem:$0x3FB7] =	sst s0;
	s0 =	simm.s32 @!p1 $0x0  }
0x14: {  	s2 =	sld [smem:$0x3F9B];
	s0 =	simm.s32 @p1 $0x1  }
0x15: {  	[smem:$0x3FB8] =	sst s0;
	s0 =	simm.s32 @!p2 $0x0  }
0x16: {  	s3 =	sld [smem:$0x3FDB];
	s0 =	simm.s32 @p2 $0x1  }
0x17: {  	s4 =	simm.s32 $0x1BF5;
	[smem:$0x3FBA] =	sst s0  }
0x18: {  	s0 =	sld [smem:$0x3F9D];
	_ =	swait.ge [sflag:s4], $0x0  }
0x19: {  	s7 =	sld [smem:$0x3F9E]  }
0x1a: {  	s8 =	sadd.s32 $0xFFFFE003, lr  }
0x1b: {  	s9 =	sadd.s32 $0xFFFFFEF7, lr;
	s5 =	simm.s32 $0xFFFFFFFF;
	p2 =	slt.u32 s8, $0xFFFFF086  }
0x1c: {  	p1 =	slt.u32 s9, $0xF7A;
	s5 =	simm.s32 @!p2 $0x0  }
0x1d: {  	s5 =	simm.s32 @p1 $0x1;
	p0 =	seq.s32 s7, s2  }
0x1e: {  	s7 =	smul.u32 @!p0 $0xF7A, s2;
	p2 =	seq.s32 @!p0 s5, $0x0  }
0x1f: {  	s9 =	smul.u32 $0xF7A, s1;
	s8 =	simm.s32 @!p0 $0x1BF5;
	p2 =	por !p2, p0  }
0x20: {  	[sflag:s8] =	ssyncset.s32 @!p0 $0xFFFFF086;
	s6 =	sadd.s32 @!p0 s3, s7;
	s7 =	simm.s32 @!p0 $0x108  }
0x21: {  	s3 =	sadd.s32 s3, s9;
	s6 =	sadd.s32 @!p0 $0x88, s6;
	s7 =	simm.s32 @p2 $0x1082  }
0x22: {  	[simem:s7], [sflag:s8] =	dma.local @!p0 [hbm:s6], $0xF7A  }
0x23: {  	s9 =	sor.u32 $0xD0000000, s2;
	s6 =	simm.s32 $0x108;
	_ =	swait.ge @!p0 [sflag:s8], $0x0  }
0x24: {  	s3 =	sadd.s32 $0x88, s3;
	s6 =	simm.s32 @!p1 $0x1082;
	[sflag:s4] =	ssyncset.s32 $0xFFFFF086  }
0x25: {  	[simem:s6], [sflag:s4] =	dma.local [hbm:s3], $0xF7A  }
0x26: {  	[smem:$0x3F9E] =	sst s1;
	(tag) =	ssettag s2;
	_ =	strace s9  }
0x27: {  	s1 =	sld [smem:$0x3FAE]  }
0x28: {  	s2 =	sld [smem:$0x3FAF]  }
0x29: {  	s4 =	sld [smem:$0x3FB1]  }
0x2a: {  	p0 =	seq.s32 s5, $0x0;
	s5 =	sld [smem:$0x3FB2]  }
0x2b: {  	s6 =	sld [smem:$0x3FB3]  }
0x2c: {  	s7 =	sld [smem:$0x3FB4]  }
0x2d: {  	s3 =	simm.s32 $0x108;
	s8 =	sld [smem:$0x3FB5]  }
0x2e: {  	s3 =	simm.s32 @!p0 $0x1082;
	s9 =	sld [smem:$0x3FB6]  }
0x2f: {  	lr =	sadd.s32 s0, s3;
	s0 =	sld [smem:$0x3FAD]  }
0x30: {  	s3 =	sld [smem:$0x3FB0]  }
0x31: {  	[smem:$0x3FB9] =	sst s10  }
0x32: {  	s10 =	sld [smem:$0x3FB7];
	_ =	sdelay $0x3  }
0x33: {  	p0 =	seq.s32 s10, $0x1;
	s10 =	sld [smem:$0x3FB9];
	_ =	sdelay $0x3  }
0x34: {  	[smem:$0x3FB9] =	sst s10  }
0x35: {  	s10 =	sld [smem:$0x3FB8];
	_ =	sdelay $0x3  }
0x36: {  	p1 =	seq.s32 s10, $0x1;
	s10 =	sld [smem:$0x3FB9];
	_ =	sdelay $0x3  }
0x37: {  	[smem:$0x3FB9] =	sst s10  }
0x38: {  	s10 =	sld [smem:$0x3FBA]  }
0x39: {  	_ = 	snop;
	(pc) =	sbr.ind lr, $3  }
0x3a: {  	_ = 	snop  }
0x3b: {  	_ = 	snop  }
0x3c: {  	p2 =	seq.s32 s10, $0x1;
	s10 =	sld [smem:$0x3FB9]  }
0x3d: {  	_ =	shalt  }
0x3e: {  	_ =	shalt  }
0x3f: {  	_ =	shalt  }
0x40: {  	_ =	shalt  }
0x41: {  	_ =	shalt  }
0x42: {  	_ =	shalt  }
0x43: {  	_ =	shalt  }
0x44: {  	_ =	shalt  }
0x45: {  	_ =	shalt  }
0x46: {  	_ =	shalt  }
0x47: {  	_ =	shalt  }
0x48: {  	_ =	shalt  }
0x49: {  	_ =	shalt  }
0x4a: {  	_ =	shalt  }
0x4b: {  	_ =	shalt  }
0x4c: {  	_ =	shalt  }
0x4d: {  	_ =	shalt  }
0x4e: {  	_ =	shalt  }
0x4f: {  	_ =	shalt  }
0x50: {  	_ =	shalt  }
0x51: {  	_ =	shalt  }
0x52: {  	_ =	shalt  }
0x53: {  	_ =	shalt  }
0x54: {  	_ =	shalt  }
0x55: {  	_ =	shalt  }
0x56: {  	_ =	shalt  }
0x57: {  	_ =	shalt  }
0x58: {  	_ =	shalt  }
0x59: {  	_ =	shalt  }
0x5a: {  	_ =	shalt  }
0x5b: {  	_ =	shalt  }
0x5c: {  	_ =	shalt  }
0x5d: {  	_ =	shalt  }
0x5e: {  	_ =	shalt  }
0x5f: {  	_ =	shalt  }
0x60: {  	_ =	shalt  }
0x61: {  	_ =	shalt  }
0x62: {  	_ =	shalt  }
0x63: {  	_ =	shalt  }
0x64: {  	_ =	shalt  }
0x65: {  	_ =	shalt  }
0x66: {  	_ =	shalt  }
0x67: {  	_ =	shalt  }
0x68: {  	_ =	shalt  }
0x69: {  	_ =	shalt  }
0x6a: {  	_ =	shalt  }
0x6b: {  	_ =	shalt  }
0x6c: {  	_ =	shalt  }
0x6d: {  	_ =	shalt  }
0x6e: {  	_ =	shalt  }
0x6f: {  	_ =	shalt  }
0x70: {  	_ =	shalt  }
0x71: {  	_ =	shalt  }
0x72: {  	_ =	shalt  }
0x73: {  	_ =	shalt  }
0x74: {  	_ =	shalt  }
0x75: {  	_ =	shalt  }
0x76: {  	_ =	shalt  }
0x77: {  	_ =	shalt  }
0x78: {  	_ =	shalt  }
0x79: {  	_ =	shalt  }
0x7a: {  	_ =	shalt  }
0x7b: {  	_ =	shalt  }
0x7c: {  	_ =	shalt  }
0x7d: {  	_ =	shalt  }
0x7e: {  	_ =	shalt  }
0x7f: {  	_ =	shalt  }
0x80: {  	_ =	shalt  }
0x81: {  	_ =	shalt  }
0x82: {  	_ =	shalt  }
0x83: {  	_ =	shalt  }
0x84: {  	_ =	shalt  }
0x85: {  	_ =	shalt  }
0x86: {  	_ =	shalt  }
0x87: {  	_ =	shalt  }
.Lfunc_end0:
.L_simem_size_0:
called_computation_lowered:
.L_overlay_start_0:
0x88: {  	s2 =	sld [smem:$0x3FD9]  }
0x89: {  	s3 =	sld [smem:$0x3FFE];
	_ =	sdelay $0x1  }
0x8a: {  	s1 =	srdreg.scid  }
0x8b: {  	s0 =	sand.u32 $0x1, s1  }
0x8c: {  	s17 =	sshll.u32 s0, $0xA;
	s2 =	sadd.s32 s3, s2  }
0x8d: {  	s2 =	sadd.s32 s2, s17  }
0x8e: {  	[smem:$0x3FC5] =	sst s2  }
0x8f: {  	_ = 	snop  }
0x90: {  	s2 =	sld [smem:$0x3FD0];
	(tm) =	ssettm $0x1  }
0x91: {  	s18 =	sld [smem:$0x3FFB];
	_ =	sdelay $0x3  }
0x92: {  	_ =	strace s18  }
0x93: {  	s3 =	sld [smem:$0x3FFC];
	_ =	sdelay $0x3  }
0x94: {  	_ =	strace s3  }
0x95: {  	s3 =	sld [smem:$0x3FFD];
	_ =	sdelay $0x3  }
0x96: {  	_ =	strace s3  }
0x97: {  	_ =	strace $0x8FFFFFFF  }
0x98: {  	s19 =	sld [smem:$0x3FDB];
	_ =	sdelay $0x1  }
0x99: {  	s4 =	simm.s32 $_scs_section_size  }
0x9a: {  	s5 =	simm.s32 $_size__tile_overlayer_lowered;
	s6 =	simm.s32 $_tile_overlayer_lowered  }
0x9b: {  	s22 =	simm.s32 $0x1BFF;
	s21 =	sshll.u32 s6, $0x1;
	s3 =	sadd.s32 s4, s19  }
0x9c: {  	s7 =	simm.s32 $0x0;
	s20 =	sshll.u32 s5, $0x1;
	s5 =	sadd.s32 s21, s3  }
0x9d: {  	[timem:s7], [sflag:s22] =	dma.local [hbm:s5], s20  }
0x9e: {  	_ =	swait.ge [sflag:s22], s20  }
0x9f: {  	s4 =	ssub.s32 $0x0, s20;
	[sflag:s22] =	ssyncset.done $0x0  }
0xa0: {  	[sflag:s22] =	ssyncadd.s32 s4;
	_ =	sdelay $0x1  }
0xa1: {  	s23 =	simm.s32 $0x1B8B  }
0xa2: {  	_ =	swait.ge [sflag:s23], $0x1  }
0xa3: {  	[sflag:s23] =	ssyncset.done $0x0  }
0xa4: {  	s25 =	simm.s32 $0x1B8E;
	s24 =	sld [smem:$0x3FFE];
	[sflag:s23] =	ssyncadd.s32 $0xFFFFFFFF  }
0xa5: {  	s26 =	simm.s32 $execute0_lowered;
	[smem:$0x3FD2] =	sst s25  }
0xa6: {  	s5 =	sshll.u32 s26, $0x1;
	_ =	strace $0x80000046;
	[dreg:$0x1] =	wrdreg $0xFFFFFFFF  }
0xa7: {  	s28 =	simm.s32 $_size_execute0_lowered;
	s3 =	sadd.s32 s3, s5;
	[dreg:$0x0] =	wrdreg $0x0  }
0xa8: {  	s5 =	sshll.u32 s28, $0x1;
	[dreg:$0x2] =	wrdreg s3  }
0xa9: {  	[dreg:$0x3] =	wrdreg s5  }
0xaa: {  	[dreg:$0x4] =	wrdreg $0xC0  }
0xab: {  	_ =	task [dreg:s7], $0x5FFFF  }
0xac: {  	[dreg:$0x1] =	wrdreg $0xFFFFFFFF  }
0xad: {  	[dreg:$0x0] =	wrdreg $0x60  }
0xae: {  	[dreg:$0x2] =	wrdreg s24  }
0xaf: {  	[dreg:$0x3] =	wrdreg s2  }
0xb0: {  	[dreg:$0x4] =	wrdreg $0x9  }
0xb1: {  	_ =	task.clear_ibuf [dreg:s7], $0x5FFFF;
	_ =	strace $0x90000046  }
0xb2: {  	s29 =	simm.s32 $0x9;
	_ =	strace $0x80000048  }
0xb3: {  	_ =	swait.ge [sflag:s29], $0x1  }
0xb4: {  	[sflag:s29] =	ssyncadd.s32 $0xFFFFFFFF  }
0xb5: {  	_ =	strace $0x90000048  }
0xb6: {  	_ =	sfence  }
0xb7: {  	s30 =	sld [smem:$0x0];
	_ =	sdelay $0x2  }
0xb8: {  	s31 =	sshll.u32 s1, $0xD;
	s1 =	sshrl.u32 s1, $0x2  }
0xb9: {  	s3 =	sand.u32 $0x4000, s31;
	s1 =	sadd.s32 s1, s30  }
0xba: {  	s0 =	sor.u32 s3, s0;
	s1 =	sshll.u32 s1, $0x11  }
0xbb: {  	s0 =	sor.u32 s1, s0  }
0xbc: {  	s0 =	sadd.s32 $0x8F2B, s0  }
0xbd: {  	[sflag:s0] =	ssyncadd.remote.s32 $0x1  }
0xbe: {  	_ =	sfence.sel $0xFFFF  }
0xbf: {  	[dreg:$0x0] =	wrdreg $0xFFFFFFFF;
	(pc) =	sbr.abs _section_cstart, $3  }
0xc0: {  	[dreg:$0x1] =	wrdreg $0xFFFFFFFF  }
0xc1: {  	_ =	task.clear_ibuf [dreg:s7], $0x2FFFF;
	_ =	strace $0x9FFFFFFF  }
0xc2: {  	(tm) =	ssettm $0x7FFFFFFF  }
0xc3: {  	_ =	shalt  }
tec
execute0_lowered:
.L_overlay_start_1:
0x0: {  	(tag) =	ssettag $0x1  }
0x1: {  	s3 =	rddreg [dreg:$0x0]  }
0x2: {  	s4 =	rddreg [dreg:$0x1]  }
0x3: {  	s0 =	rddreg [dreg:$0x2]  }
0x4: {  	s5 =	srdreg.scid;
	s1 =	stileid.u32  }
0x5: {  	s2 =	simm.s32 $0x0;
	s5 =	sand.u32 $0x1, s5;
	s6 =	sshll.u32 s1, $0x1  }
0x6: {  	[smem:$0x7FF] =	sst s2;
	s6 =	sor.u32 s5, s6  }
0x7: {  	_ =	strace $0x80000047;
	s5 =	ssub.s32 $0x2, s5;
	s7 =	sshll.u32 s6, $0x7  }
0x8: {  	s31 =	sshrl.u32 s5, $0x1;
	s6 =	sshll.u32 s6, $0x2;
	s3 =	sadd.s32 s7, s3  }
0x9: {  	s5 =	ssub.s32 s5, s31;
	s4 =	sadd.s32 s4, s6;
	s6 =	simm.s32 $0x1  }
0xa: {  	v0 =	vimm.s32 $0x1;
	v1 =	vimm.s32 $0x0;
	s7 =	simm.s32 $0x400;
	s3 =	sadd.s32 $0x400, s3;
	s5 =	smax.u32 s5, $0x1  }
.LBB2_1:
0xb: {  	[tilespmem:s2], [sflag:$0x1] =	stream.linear.gather [hbm4b:s3+s2], $0x400, $0x38;
	[tilespmem:$0x480] =	vst v63  }
0xc: {  	_ =	swait.ge [sflag:s6], $0x400  }
0xd: {  	[sflag:s6] =	ssyncset.done $0x0  }
0xe: {  	[sflag:s6] =	ssyncadd.s32 $0xFFFFFC00  }
0xf: {  	v2 =	vld [tilespmem:$0x0]  }
0x10: {  	v3 =	vld [tilespmem:$0x80]  }
0x11: {  	v4 =	vld [tilespmem:$0x100]  }
0x12: {  	v5 =	vld [tilespmem:$0x180]  }
0x13: {  	v6 =	vld [tilespmem:$0x200]  }
0x14: {  	v8 =	vld [tilespmem:$0x300]  }
0x15: {  	v33 =	vld [tilespmem:$0x10]  }
0x16: {  	v34 =	vld [tilespmem:$0x90]  }
0x17: {  	v35 =	vld [tilespmem:$0x110]  }
0x18: {  	v36 =	vld [tilespmem:$0x190]  }
0x19: {  	v37 =	vld [tilespmem:$0x210];
	v2 =	vtrunc.f32 v2  }
0x1a: {  	v3 =	vtrunc.f32 v3;
	v4 =	vtrunc.f32 v4  }
0x1b: {  	v5 =	vtrunc.f32 v5;
	v6 =	vtrunc.f32 v6  }
0x1c: {  	v47 =	vtrunc.f32 v8;
	v38 =	vtrunc.f32 v33  }
0x1d: {  	v7 =	vld [tilespmem:$0x280];
	v43 =	vtrunc.f32 v34;
	v44 =	vtrunc.f32 v35  }
0x1e: {  	v45 =	vtrunc.f32 v36;
	v46 =	vtrunc.f32 v37  }
0x1f: {  	v2 =	vcvt.f32.s32 v2;
	v3 =	vcvt.f32.s32 v3  }
0x20: {  	v4 =	vcvt.f32.s32 v4;
	v5 =	vcvt.f32.s32 v5  }
0x21: {  	v6 =	vcvt.f32.s32 v6;
	v40 =	vcvt.f32.s32 v38;
	v10 =	vand.u32 $0x7F, v2  }
0x22: {  	v2 =	vtrunc.f32 v7;
	v48 =	vand.u32 $0x7F, v3;
	v3 =	vcvt.f32.s32 v47  }
0x23: {  	v49 =	vand.u32 $0x7F, v4;
	v11 =	vand.u32 $0x7F, v5;
	v50 =	vand.u32 $0x7F, v6  }
0x24: {  	v4 =	vcvt.f32.s32 v43;
	v2 =	vcvt.f32.s32 v2;
	vm0 =	veq.s32 v48, v10  }
0x25: {  	vm1 =	veq.s32 v49, v10;
	vm15 =	veq.s32 v11, v10;
	vm4 =	veq.s32 v50, v10  }
0x26: {  	vm7 =	veq.s32 v49, v48;
	vm9 =	veq.s32 v11, v48;
	vm10 =	veq.s32 v50, v48  }
0x27: {  	v9 =	vld [tilespmem:$0x380];
	vm14 =	veq.s32 v11, v49;
	vm2 =	veq.s32 v50, v49;
	v3 =	vand.u32 $0x7F, v3  }
0x28: {  	v52 =	vsel vm0, $0x2, v0;
	v53 =	vsel vm1, $0x1, v1;
	v13 =	vsel vm15, $0x1, v1  }
0x29: {  	v14 =	vsel vm4, $0x1, v1;
	v17 =	vsel vm7, $0x1, v1;
	v18 =	vsel vm9, $0x1, v1  }
0x2a: {  	v19 =	vsel vm10, $0x1, v1;
	v24 =	vsel vm14, $0x2, v0;
	v25 =	vsel vm2, $0x1, v1  }
0x2b: {  	vm7 =	veq.s32 v50, v11;
	v26 =	vsel vm2, $0x2, v0;
	v51 =	vand.u32 $0x7F, v2  }
0x2c: {  	v2 =	vtrunc.f32 v9;
	v12 =	vadd.s32 v53, v52;
	vm6 =	veq.s32 v3, v10  }
0x2d: {  	v6 =	vadd.s32 v17, v52;
	vm12 =	veq.s32 v3, v48;
	v17 =	vadd.s32 v17, v24  }
0x2e: {  	vm0 =	veq.s32 v3, v49;
	v57 =	vsel vm7, $0x1, v1;
	vm4 =	veq.s32 v3, v11  }
0x2f: {  	v2 =	vcvt.f32.s32 v2;
	v12 =	vadd.s32 v13, v12;
	vm5 =	veq.s32 v51, v10  }
0x30: {  	v16 =	vsel vm6, $0x1, v1;
	v6 =	vadd.s32 v18, v6;
	vm11 =	veq.s32 v51, v48  }
0x31: {  	v22 =	vsel vm12, $0x1, v1;
	vm15 =	veq.s32 v51, v49;
	v9 =	vadd.s32 v53, v17  }
0x32: {  	v47 =	vld [tilespmem:$0x390];
	v55 =	vsel vm0, $0x1, v1;
	v18 =	vadd.s32 v18, v24;
	v59 =	vsel vm4, $0x1, v1  }
0x33: {  	vm10 =	veq.s32 v51, v50;
	v12 =	vadd.s32 v14, v12;
	v15 =	vsel vm5, $0x1, v1  }
0x34: {  	v6 =	vadd.s32 v19, v6;
	v21 =	vsel vm11, $0x1, v1;
	v54 =	vsel vm15, $0x1, v1  }
0x35: {  	v9 =	vadd.s32 v25, v9;
	v13 =	vadd.s32 v13, v18;
	v19 =	vadd.s32 v19, v26  }
0x36: {  	v60 =	vsel vm10, $0x1, v1;
	vm11 =	veq.s32 v3, v50;
	v29 =	vsel vm15, $0x2, v0  }
0x37: {  	vm15 =	vlt.u32 v48, v10;
	v52 =	vtrunc.f32 v47;
	v12 =	vadd.s32 v15, v12  }
0x38: {  	v2 =	vand.u32 $0x7F, v2;
	v6 =	vadd.s32 v21, v6;
	v9 =	vadd.s32 v54, v9  }
0x39: {  	v13 =	vadd.s32 v57, v13;
	v14 =	vadd.s32 v14, v19;
	v61 =	vsel vm11, $0x1, v1  }
0x3a: {  	v21 =	vadd.s32 v21, v29;
	v12 =	vadd.s32 v16, v12;
	vm8 =	veq.s32 v2, v10  }
0x3b: {  	vm13 =	veq.s32 v2, v48;
	v6 =	vadd.s32 v22, v6;
	vm3 =	veq.s32 v2, v49  }
0x3c: {  	v9 =	vadd.s32 v55, v9;
	vm9 =	veq.s32 v2, v11;
	v14 =	vadd.s32 v57, v14  }
0x3d: {  	vm12 =	veq.s32 v2, v50;
	vm6 =	veq.s32 v2, v51;
	v15 =	vadd.s32 v15, v21  }
0x3e: {  	vm11 =	veq.s32 v2, v3;
	v21 =	vsel vm0, $0x2, v0;
	v20 =	vsel vm8, $0x1, v1  }
0x3f: {  	v23 =	vsel vm13, $0x1, v1;
	v56 =	vsel vm3, $0x1, v1;
	vm8 =	veq.s32 v51, v11  }
0x40: {  	v27 =	vsel vm9, $0x1, v1;
	v14 =	vadd.s32 v60, v14;
	v62 =	vsel vm12, $0x1, v1  }
0x41: {  	vm13 =	veq.s32 v3, v51;
	v63 =	vsel vm6, $0x1, v1;
	v30 =	vadd.s32 v22, v21  }
0x42: {  	v31 =	vsel vm11, $0x1, v1;
	v12 =	vadd.s32 v20, v12;
	v6 =	vadd.s32 v23, v6  }
0x43: {  	v9 =	vadd.s32 v56, v9;
	v58 =	vsel vm8, $0x1, v1;
	v14 =	vadd.s32 v61, v14  }
0x44: {  	v28 =	vsel vm13, $0x1, v1;
	v32 =	vadd.s32 v23, v20;
	vm14 =	veq.s32 v6, v12  }
0x45: {  	v13 =	vadd.s32 v58, v13;
	vm7 =	vgt.u32 v6, v12;
	vm1 =	vmand vm15, vm14  }
0x46: {  	v14 =	vadd.s32 v62, v14;
	v15 =	vadd.s32 v58, v15;
	vm1 =	vmor vm7, vm1  }
0x47: {  	v13 =	vadd.s32 v59, v13;
	v6 =	vsel vm1, v6, v12;
	v8 =	vsel vm1, v48, v10  }
0x48: {  	v19 =	vadd.s32 v60, v15;
	vm8 =	veq.s32 v9, v6;
	vm9 =	vlt.u32 v49, v8  }
0x49: {  	v39 =	vld [tilespmem:$0x290];
	v13 =	vadd.s32 v27, v13;
	vm10 =	vgt.u32 v9, v6;
	vm1 =	vmand vm8, vm9  }
0x4a: {  	v10 =	vadd.s32 v28, v19;
	v48 =	vand.u32 $0x7F, v40;
	vm1 =	vmor vm10, vm1  }
0x4b: {  	v10 =	vadd.s32 v63, v10;
	v6 =	vsel vm1, v9, v6;
	v7 =	vsel vm1, v49, v8  }
0x4c: {  	v8 =	vadd.s32 v16, v30;
	vm12 =	veq.s32 v13, v6;
	vm1 =	vlt.u32 v11, v7  }
0x4d: {  	vm13 =	vgt.u32 v13, v6;
	v8 =	vadd.s32 v59, v8;
	vm0 =	vmand vm12, vm1  }
0x4e: {  	v49 =	vtrunc.f32 v39;
	v8 =	vadd.s32 v61, v8;
	vm0 =	vmor vm13, vm0  }
0x4f: {  	v8 =	vadd.s32 v28, v8;
	v6 =	vsel vm0, v13, v6;
	v7 =	vsel vm0, v11, v7  }
0x50: {  	v41 =	vld [tilespmem:$0x310];
	v11 =	vadd.s32 v56, v32;
	vm14 =	veq.s32 v14, v6;
	vm15 =	vlt.u32 v50, v7  }
0x51: {  	vm4 =	vgt.u32 v14, v6;
	v11 =	vadd.s32 v27, v11;
	vm0 =	vmand vm14, vm15  }
0x52: {  	v8 =	vadd.s32 v31, v8;
	v11 =	vadd.s32 v62, v11;
	vm0 =	vmor vm4, vm0  }
0x53: {  	v13 =	vcvt.f32.s32 v46;
	v11 =	vadd.s32 v63, v11;
	v6 =	vsel vm0, v14, v6  }
0x54: {  	v5 =	vsel vm0, v50, v7;
	v9 =	vadd.s32 v31, v11;
	v7 =	vcvt.f32.s32 v45  }
0x55: {  	v11 =	vtrunc.f32 v41;
	v50 =	vand.u32 $0x7F, v4;
	vm5 =	veq.s32 v10, v6  }
0x56: {  	vm6 =	vlt.u32 v51, v5;
	vm7 =	vgt.u32 v10, v6;
	v16 =	vadd.s32 $0x1, v9  }
0x57: {  	v11 =	vcvt.f32.s32 v11;
	vm10 =	veq.s32 v50, v48;
	vm0 =	vmand vm5, vm6  }
0x58: {  	v19 =	vand.u32 $0x7F, v7;
	v7 =	vand.u32 $0x7F, v13;
	v53 =	vsel vm10, $0x2, v0  }
0x59: {  	vm0 =	vmor vm7, vm0;
	v4 =	vand.u32 $0x7F, v11;
	vm12 =	veq.s32 v19, v48  }
0x5a: {  	vm13 =	veq.s32 v7, v48;
	v10 =	vsel vm0, v10, v6;
	v42 =	vsel vm0, v51, v5  }
0x5b: {  	v5 =	vcvt.f32.s32 v44;
	v51 =	vcvt.f32.s32 v49;
	v56 =	vsel vm12, $0x1, v1  }
0x5c: {  	v57 =	vsel vm13, $0x1, v1;
	vm15 =	veq.s32 v4, v48;
	vm0 =	vgt.u32 v8, v10  }
0x5d: {  	vm8 =	veq.s32 v8, v10;
	vm9 =	vlt.u32 v3, v42;
	v59 =	vsel vm15, $0x1, v1  }
0x5e: {  	v18 =	vand.u32 $0x7F, v5;
	v6 =	vand.u32 $0x7F, v51;
	v5 =	vcvt.f32.s32 v52  }
0x5f: {  	vm1 =	vmand vm8, vm9;
	vm8 =	veq.s32 v19, v50;
	vm9 =	veq.s32 v7, v50  }
0x60: {  	vm11 =	veq.s32 v18, v48;
	vm14 =	veq.s32 v6, v48;
	vm6 =	veq.s32 v18, v50  }
0x61: {  	v61 =	vsel vm8, $0x1, v1;
	v62 =	vsel vm9, $0x1, v1;
	vm10 =	veq.s32 v6, v50  }
0x62: {  	vm0 =	vmor vm0, vm1;
	vm8 =	veq.s32 v19, v18;
	vm9 =	veq.s32 v7, v18  }
0x63: {  	vm3 =	veq.s32 v6, v18;
	vm2 =	veq.s32 v4, v18;
	v54 =	vsel vm11, $0x1, v1  }
0x64: {  	v58 =	vsel vm14, $0x1, v1;
	v5 =	vand.u32 $0x7F, v5;
	v60 =	vsel vm6, $0x1, v1  }
0x65: {  	v63 =	vsel vm10, $0x1, v1;
	vm11 =	veq.s32 v4, v50;
	v8 =	vsel vm0, v8, v10  }
0x66: {  	vm14 =	vlt.u32 v50, v48;
	v3 =	vsel vm0, v3, v42;
	v35 =	vsel vm9, $0x1, v1  }
0x67: {  	v36 =	vsel vm8, $0x2, v0;
	v38 =	vsel vm3, $0x1, v1;
	v39 =	vsel vm2, $0x1, v1  }
0x68: {  	v47 =	vsel vm9, $0x2, v0;
	vm8 =	veq.s32 v4, v7;
	v55 =	vadd.s32 v54, v53  }
0x69: {  	vm7 =	veq.s32 v5, v48;
	v11 =	vadd.s32 v60, v53;
	v33 =	vsel vm11, $0x1, v1  }
0x6a: {  	vm12 =	veq.s32 v5, v50;
	v37 =	vadd.s32 v60, v36;
	vm10 =	veq.s32 v5, v18  }
0x6b: {  	vm11 =	veq.s32 v7, v19;
	v17 =	vadd.s32 v61, v36;
	v49 =	vsel vm8, $0x1, v1  }
0x6c: {  	vm9 =	veq.s32 v5, v7;
	v14 =	vadd.s32 v56, v55;
	v11 =	vadd.s32 v61, v11  }
0x6d: {  	v34 =	vsel vm7, $0x1, v1;
	v30 =	vsel vm12, $0x1, v1;
	v13 =	vadd.s32 v54, v37  }
0x6e: {  	v40 =	vsel vm10, $0x1, v1;
	v41 =	vsel vm11, $0x1, v1;
	vm12 =	veq.s32 v6, v19  }
0x6f: {  	v17 =	vadd.s32 v56, v17;
	vm10 =	veq.s32 v4, v6;
	v51 =	vsel vm9, $0x1, v1  }
0x70: {  	v56 =	vsel vm2, $0x2, v0;
	v14 =	vadd.s32 v57, v14;
	v11 =	vadd.s32 v62, v11  }
0x71: {  	v10 =	vadd.s32 v35, v13;
	v42 =	vsel vm12, $0x1, v1;
	v17 =	vadd.s32 v41, v17  }
0x72: {  	v52 =	vsel vm10, $0x1, v1;
	vm10 =	veq.s32 v5, v4;
	v61 =	vadd.s32 v30, v34  }
0x73: {  	v14 =	vadd.s32 v58, v14;
	v11 =	vadd.s32 v63, v11;
	v10 =	vadd.s32 v38, v10  }
0x74: {  	v46 =	vadd.s32 v42, v17;
	v14 =	vadd.s32 v59, v14;
	v11 =	vadd.s32 v33, v11  }
0x75: {  	v10 =	vadd.s32 v39, v10;
	v14 =	vadd.s32 v34, v14;
	v11 =	vadd.s32 v30, v11  }
0x76: {  	v45 =	vadd.s32 v40, v10;
	vm13 =	veq.s32 v11, v14;
	vm15 =	vgt.u32 v11, v14  }
0x77: {  	vm1 =	vmand vm14, vm13;
	vm13 =	veq.s32 v4, v19;
	vm14 =	veq.s32 v5, v19  }
0x78: {  	vm0 =	vmor vm15, vm1;
	v43 =	vsel vm13, $0x1, v1;
	v44 =	vsel vm14, $0x1, v1  }
0x79: {  	vm1 =	veq.s32 v16, v8;
	vm15 =	veq.s32 v6, v7;
	v16 =	vadd.s32 v62, v47  }
0x7a: {  	vm14 =	veq.s32 v5, v6;
	v11 =	vsel vm0, v11, v14;
	v12 =	vsel vm0, v50, v48  }
0x7b: {  	vm0 =	vge.u32 v9, v8;
	v10 =	vadd.s32 v43, v46;
	v48 =	vsel vm15, $0x1, v1  }
0x7c: {  	v16 =	vadd.s32 v57, v16;
	v50 =	vsel vm3, $0x2, v0;
	v53 =	vsel vm14, $0x1, v1  }
0x7d: {  	v14 =	vadd.s32 v41, v16;
	vm11 =	veq.s32 v45, v11;
	vm12 =	vlt.u32 v18, v12  }
0x7e: {  	v16 =	vadd.s32 v63, v50;
	vm13 =	vgt.u32 v45, v11;
	vm3 =	vmand vm11, vm12  }
0x7f: {  	v10 =	vadd.s32 v44, v10;
	v16 =	vadd.s32 v58, v16;
	vm3 =	vmor vm13, vm3  }
0x80: {  	v14 =	vadd.s32 v48, v14;
	v8 =	vsel vm3, v45, v11;
	v54 =	vsel vm3, v18, v12  }
0x81: {  	v58 =	vadd.s32 v33, v56;
	vm15 =	veq.s32 v10, v8;
	vm8 =	vlt.u32 v19, v54  }
0x82: {  	v14 =	vadd.s32 v49, v14;
	vm9 =	vgt.u32 v10, v8;
	vm3 =	vmand vm15, vm8  }
0x83: {  	v15 =	vadd.s32 v42, v16;
	v14 =	vadd.s32 v51, v14;
	vm3 =	vmor vm9, vm3  }
0x84: {  	v55 =	vadd.s32 v48, v15;
	v8 =	vsel vm3, v10, v8;
	v57 =	vsel vm3, v19, v54  }
0x85: {  	v11 =	vadd.s32 v59, v58;
	vm11 =	veq.s32 v14, v8;
	vm3 =	vlt.u32 v7, v57  }
0x86: {  	v59 =	vsel vm10, $0x1, v1;
	vm12 =	vgt.u32 v14, v8;
	vm2 =	vmand vm11, vm3  }
0x87: {  	v12 =	vadd.s32 v52, v55;
	v11 =	vadd.s32 v43, v11;
	vm2 =	vmor vm12, vm2  }
0x88: {  	v12 =	vadd.s32 v53, v12;
	v8 =	vsel vm2, v14, v8;
	v7 =	vsel vm2, v7, v57  }
0x89: {  	v11 =	vadd.s32 v49, v11;
	vm13 =	veq.s32 v12, v8;
	vm14 =	vlt.u32 v6, v7  }
0x8a: {  	v60 =	vadd.s32 v52, v11;
	vm15 =	vgt.u32 v12, v8;
	vm2 =	vmand vm13, vm14  }
0x8b: {  	v11 =	vadd.s32 v40, v61;
	v10 =	vadd.s32 v59, v60;
	vm2 =	vmor vm15, vm2  }
0x8c: {  	v9 =	vadd.s32 v44, v11;
	v8 =	vsel vm2, v12, v8;
	v6 =	vsel vm2, v6, v7  }
0x8d: {  	v62 =	vadd.s32 v51, v9;
	vm8 =	veq.s32 v10, v8;
	vm9 =	vlt.u32 v4, v6  }
0x8e: {  	v7 =	vadd.s32 v53, v62;
	vm10 =	vgt.u32 v10, v8;
	vm2 =	vmand vm8, vm9  }
0x8f: {  	vm11 =	vlt.u32 v2, v3;
	v7 =	vadd.s32 v59, v7;
	vm2 =	vmor vm10, vm2  }
0x90: {  	v63 =	vadd.s32 $0x1, v7;
	v8 =	vsel vm2, v10, v8;
	v4 =	vsel vm2, v4, v6  }
0x91: {  	vm1 =	vmand vm1, vm11;
	vm12 =	veq.s32 v63, v8;
	vm13 =	vlt.u32 v5, v4  }
0x92: {  	vm0 =	vmor vm0, vm1;
	vm14 =	vge.u32 v7, v8;
	vm2 =	vmand vm12, vm13  }
0x93: {  	v2 =	vsel vm0, v2, v3;
	vm15 =	vmor vm14, vm2  }
0x94: {  	p0 =	sne.s32 s5, $0x1;
	[tilespmem:$0x400] =	vst v2;
	v2 =	vsel vm15, v5, v4  }
.Ltmp0:
0x95: {  	[tilespmem:$0x410] =	vst v2;
	(pc) =	sbr.rel @p0 .LBB2_1-.Ltmp0, $4  }
0x96: {  	[hbm4b:s4+s2] =	stream.linear.scatter [tilespmem:s7], [sflag:$0x1], $0x20, $0x38;
	[tilespmem:$0x480] =	vst v63  }
0x97: {  	_ =	swait.ge [sflag:s6], $0x20  }
0x98: {  	[sflag:s6] =	ssyncset.done $0x0  }
0x99: {  	s5 =	sadd.s32 $0xFFFFFFFF, s5;
	[sflag:s6] =	ssyncadd.s32 $0xFFFFFFE0  }
0x9a: {  	_ =	sfence.sel $0x180000  }
0x9b: {  	[bflag:$0x0] =	sbarrier.arrive $0xFFFF  }
0x9c: {  	p0 =	sne.s32 s1, $0x0;
	_ =	strace $0x90000047  }
0x9d: {  	s0 =	sadd.s32 @!p0 $0x100000, s0;
	[bflag:$0x2] =	sbarrier.arrive $0xFFFF  }
0x9e: {  	[sflag:s0] =	ssyncadd.tile.s32 @!p0 $0x1;
	_ =	shalt  }
.Lfunc_end2:
_tile_overlayer_lowered:
.L_overlay_start_2:
0x9f: {  	(tag) =	ssettag $0x2  }
0xa0: {  	s0 =	rddreg [dreg:$0x0];
	s2 =	stileid.u32  }
0xa1: {  	s1 =	rddreg [dreg:$0x1];
	p0 =	sne.s32 s2, $0x0  }
0xa2: {  	s3 =	rddreg [dreg:$0x2];
	[bflag:$0x3] =	sbarrier.arrive $0xFFFF;
	s2 =	simm.s32 @!p0 $0x1C01  }
0xa3: {  	[timem:s3], [sflag:s2] =	dma.local @!p0 [hbm:s0], s1  }
0xa4: {  	s0 =	simm.s32 @!p0 $0x1  }
0xa5: {  	_ =	swait.ge @!p0 [sflag:s0], s1  }
0xa6: {  	s1 =	ssub.s32 @!p0 $0x0, s1;
	[sflag:s0] =	ssyncset.done @!p0 $0x0  }
0xa7: {  	[sflag:s0] =	ssyncadd.s32 @!p0 s1  }
0xa8: {  	[bflag:$0x3] =	sbarrier.arrive $0xFFFF  }
0xa9: {  	_ =	shalt  }

</sc_bundles>
